<compile_context>
chip_gen: v7x
topology: tpu7x:2x2x1
jax: 0.10.2.dev20260603
libtpu: 0.0.44.dev20260713+nightly
codegen_flags: <defaults>
</compile_context>

<pallas_src>
import functools

import jax
import jax.numpy as jnp
from jax import lax
from jax.experimental import pallas as pl
from jax.experimental.pallas import tpu as pltpu
from jax.experimental.pallas import tpu_sc as plsc

NC, NS, L = 2, 16, 16
NW = NC * NS
CH = 128


def _wid():
    return lax.axis_index("s") * NC + lax.axis_index("c")


@functools.lru_cache(maxsize=None)
def _make_gather(MH, B, D2):
    b_per_w = B // NW
    nch = b_per_w // CH
    mesh = plsc.VectorSubcoreMesh(core_axis_name="c", subcore_axis_name="s")

    @functools.partial(
        pl.kernel, mesh=mesh,
        out_type=(jax.ShapeDtypeStruct((B, D2), jnp.float32),
                  jax.ShapeDtypeStruct((B, D2), jnp.float32)),
        compiler_params=pltpu.CompilerParams(needs_layout_passes=False),
        scratch_types=[pltpu.VMEM((b_per_w,), jnp.int32),
                       pltpu.VMEM((b_per_w, D2), jnp.float32),
                       pltpu.SemaphoreType.DMA],
    )
    def k(src_tab, dst_tab, src_pidx, dst_pidx, out_s, out_d,
          idx_v, rows_v, sem):
        base = _wid() * b_per_w
        for tab, idx, out in ((src_tab, src_pidx, out_s),
                              (dst_tab, dst_pidx, out_d)):
            pltpu.sync_copy(idx.at[pl.ds(base, b_per_w)], idx_v)
            descs = []
            for j in range(nch):
                descs.append(pltpu.async_copy(
                    tab.at[idx_v.at[pl.ds(j * CH, CH)]],
                    rows_v.at[pl.ds(j * CH, CH)], sem))
            for d in descs:
                d.wait()
            pltpu.sync_copy(rows_v, out.at[pl.ds(base, b_per_w)])

    return k


@functools.lru_cache(maxsize=None)
def _make_mlp(B, DN, DG, DH):
    BLK = 2048
    grid = B // BLK
    D2 = 2 * DN

    def body(ids_s, ids_d, gs, ns_, gd, nd_, wsr, wsn, wsl, bsr, bsn, bsl,
             wdr, wdn, wdl, bdr, bdn, bdl, os_, od_):
        f32 = jnp.float32
        i = pl.program_id(0)
        for ids, g2, n, wr, wn, wl, br, bn, bl, out in (
                (ids_s, gs, ns_, wsr, wsn, wsl, bsr, bsn, bsl, os_),
                (ids_d, gd, nd_, wdr, wdn, wdl, bdr, bdn, bdl, od_)):
            par = (ids[pl.ds(i * BLK, BLK)] & 1)[:, None]
            g2v = g2[...]
            g = jnp.where(par == 1, g2v[:, DN:2 * DN], g2v[:, 0:DN])
            wl_top = wl[0:DH, :]
            wl_bot = wl[DH:2 * DH, :]
            Wg = jnp.dot(wr[...], wl_top, preferred_element_type=f32)
            Wn = jnp.dot(wn[...], wl_bot, preferred_element_type=f32)
            b_eff = (jnp.dot(br[...], wl_top, preferred_element_type=f32)
                     + jnp.dot(bn[...], wl_bot, preferred_element_type=f32)
                     + bl[...])
            new = (jnp.dot(g, Wg, preferred_element_type=f32)
                   + jnp.dot(n[...], Wn, preferred_element_type=f32)
                   + b_eff)
            out[...] = jnp.concatenate([new, new], axis=1)

    whole = lambda n: pl.BlockSpec((n,), lambda i: (0,))
    full = lambda shape: pl.BlockSpec(shape, lambda i: (0,) * len(shape))
    row = lambda d: pl.BlockSpec((BLK, d), lambda i: (i, 0))
    return pl.pallas_call(
        body,
        grid=(grid,),
        in_specs=[whole(B), whole(B),
                  row(D2), row(DG), row(D2), row(DG),
                  full((DN, DH)), full((DG, DH)), full((2 * DH, DN)),
                  full((1, DH)), full((1, DH)), full((1, DN)),
                  full((DN, DH)), full((DG, DH)), full((2 * DH, DN)),
                  full((1, DH)), full((1, DH)), full((1, DN))],
        out_specs=[row(D2), row(D2)],
        out_shape=(jax.ShapeDtypeStruct((B, D2), jnp.float32),
                   jax.ShapeDtypeStruct((B, D2), jnp.float32)),
    )


@functools.lru_cache(maxsize=None)
def _make_to128(M, DN):
    BLKR = 2048
    grid = M // 2 // BLKR

    def body(x, o):
        xv = x[...]
        o[...] = jnp.concatenate([xv[:, 0, :], xv[:, 1, :]], axis=1)

    return pl.pallas_call(
        body,
        grid=(grid,),
        in_specs=[pl.BlockSpec((BLKR, 2, DN), lambda i: (i, 0, 0))],
        out_specs=pl.BlockSpec((BLKR, 2 * DN), lambda i: (i, 0)),
        out_shape=jax.ShapeDtypeStruct((M // 2, 2 * DN), jnp.float32),
    )


@functools.lru_cache(maxsize=None)
def _make_to64(M, DN):
    BLKR = 2048
    grid = M // 2 // BLKR

    def body(x, o):
        xv = x[...]
        o[...] = jnp.concatenate([xv[:, None, 0:DN], xv[:, None, DN:2 * DN]],
                                 axis=1)

    return pl.pallas_call(
        body,
        grid=(grid,),
        in_specs=[pl.BlockSpec((BLKR, 2 * DN), lambda i: (i, 0))],
        out_specs=pl.BlockSpec((BLKR, 2, DN), lambda i: (i, 0, 0)),
        out_shape=jax.ShapeDtypeStruct((M // 2, 2, DN), jnp.float32),
    )


@functools.lru_cache(maxsize=None)
def _make_scatter(MH, B, D2):
    SLABH = (MH // NW) & ~7
    NIT = B // L
    KROWS = 33
    DN = D2 // 2
    QW = DN // L
    mesh = plsc.VectorSubcoreMesh(core_axis_name="c", subcore_axis_name="s")

    @functools.partial(
        pl.kernel, mesh=mesh,
        out_type=(),
        compiler_params=pltpu.CompilerParams(needs_layout_passes=False),
        scratch_types=[pltpu.VMEM((B,), jnp.int32),
                       pltpu.VMEM((KROWS, CH), jnp.int32),
                       pltpu.VMEM((KROWS, CH), jnp.int32),
                       pltpu.VMEM((KROWS * CH,), jnp.int32),
                       pltpu.VMEM((KROWS * CH,), jnp.int32),
                       pltpu.VMEM((CH, D2), jnp.float32),
                       pltpu.VMEM((CH, D2), jnp.float32),
                       pltpu.SemaphoreType.DMA],
    )
    def k(tab_s, tab_d, src_idx, dst_idx, new_src, new_dst,
          ids_v, pair2d_e, pair2d_o, pos_e, pos_o,
          rows_st, vals_st, sem_rw):
        wid = _wid()
        plo = wid * SLABH
        lo = plo * 2
        hi = jnp.where(wid == NW - 1, 2 * MH, lo + SLABH * 2)

        iota = lax.iota(jnp.int32, L)
        one = jnp.int32(1)
        zero = jnp.int32(0)

        def splat_last(x):
            return plsc.cummax(lax.rev(plsc.cummax(x), (0,)))

        def scan_ids(idx_hbm):
            pltpu.sync_copy(idx_hbm, ids_v)

            def step(i, carry):
                cnt_e, cnt_o = carry
                v = ids_v[pl.ds(i * L, L)]
                posv = i * L + iota
                inb = (v >= lo) & (v < hi)
                pair = v >> 1
                odd = (v & 1) == 1
                m_e = inb & jnp.logical_not(odd)
                m_o = inb & odd
                for m, cnt, pair2d, pos in ((m_e, cnt_e, pair2d_e, pos_e),
                                            (m_o, cnt_o, pair2d_o, pos_o)):
                    incl = plsc.cumsum(jnp.where(m, one, zero))
                    tgt = jnp.maximum(cnt + incl - 1, 0)
                    plsc.store_scatter(pair2d, [tgt >> 7, tgt & (CH - 1)],
                                       pair, mask=m)
                    plsc.store_scatter(pos, [tgt], posv, mask=m)
                return (cnt_e + plsc.all_reduce_population_count(m_e),
                        cnt_o + plsc.all_reduce_population_count(m_o))

            zeros = jnp.zeros((L,), jnp.int32)
            cnt_e, cnt_o = lax.fori_loop(0, NIT, step, (zeros, zeros))

            def finish(cnt_v, pair2d, pos):
                n = cnt_v[L - 1]
                n_pad = ((n + CH - 1) // CH) * CH
                j = jnp.maximum(n - 1, 0)
                vrow = pair2d[j >> 7, pl.ds((j & (CH - 1)) & ~(L - 1), L)]
                vpos = pos[pl.ds(j & ~(L - 1), L)]
                lane = j & (L - 1)
                pad_pair = splat_last(jnp.where(iota == lane, vrow, -1))
                pad_pos = splat_last(jnp.where(iota == lane, vpos, -1))

                def pad_step(t, _):
                    p = n + t * L + iota
                    plsc.store_scatter(pair2d, [p >> 7, p & (CH - 1)],
                                       pad_pair)
                    plsc.store_scatter(pos, [p], pad_pos)
                    return 0

                lax.fori_loop(0, (n_pad - n + L - 1) // L, pad_step, 0)
                return n_pad

            return (finish(cnt_e, pair2d_e, pos_e),
                    finish(cnt_o, pair2d_o, pos_o))

        def apply_pass(new_hbm, out_hbm, pair2d, pos, n_pad, off):
            def chunk(c, _):
                pltpu.async_copy(out_hbm.at[pair2d.at[c]], rows_st,
                                 sem_rw).wait()
                pltpu.async_copy(new_hbm.at[pos.at[pl.ds(c * CH, CH)]],
                                 vals_st, sem_rw).wait()

                def merge(r, _):
                    for q in range(QW):
                        rows_st[r, pl.ds(off + q * L, L)] = \
                            vals_st[r, pl.ds(q * L, L)]
                    return 0

                lax.fori_loop(0, CH, merge, 0)
                pltpu.async_copy(rows_st, out_hbm.at[pair2d.at[c]],
                                 sem_rw).wait()
                return 0

            lax.fori_loop(0, n_pad // CH, chunk, 0)

        ne, no = scan_ids(src_idx)
        apply_pass(new_src, tab_s, pair2d_e, pos_e, ne, 0)
        apply_pass(new_src, tab_s, pair2d_o, pos_o, no, DN)
        ne, no = scan_ids(dst_idx)
        apply_pass(new_dst, tab_d, pair2d_e, pos_e, ne, 0)
        apply_pass(new_dst, tab_d, pair2d_o, pos_o, no, DN)

    return k


def kernel(src_node_ids, dst_node_ids, src_previous_embedding,
           dst_previous_embedding, batch_src_neighbor_embedding,
           batch_dst_neighbor_embedding, W_sn, b_sn, W_sr, b_sr, W_sl, b_sl,
           W_dn, b_dn, W_dr, b_dr, W_dl, b_dl):
    M, DN = src_previous_embedding.shape
    B = src_node_ids.shape[0]
    DG = batch_src_neighbor_embedding.shape[1]
    DH = W_sn.shape[1]
    MH, D2 = M // 2, 2 * DN

    sidx = src_node_ids.astype(jnp.int32)
    didx = dst_node_ids.astype(jnp.int32)
    to128 = _make_to128(M, DN)
    th_src = to128(src_previous_embedding.reshape(MH, 2, DN))
    th_dst = to128(dst_previous_embedding.reshape(MH, 2, DN))

    g2_src, g2_dst = _make_gather(MH, B, D2)(th_src, th_dst,
                                             sidx >> 1, didx >> 1)

    new_src, new_dst = _make_mlp(B, DN, DG, DH)(
        sidx, didx, g2_src, batch_src_neighbor_embedding, g2_dst,
        batch_dst_neighbor_embedding,
        W_sr, W_sn, W_sl, b_sr.reshape(1, DH), b_sn.reshape(1, DH),
        b_sl.reshape(1, DN),
        W_dr, W_dn, W_dl, b_dr.reshape(1, DH), b_dn.reshape(1, DH),
        b_dl.reshape(1, DN))

    r_s = jax.new_ref(th_src)
    r_d = jax.new_ref(th_dst)
    _make_scatter(MH, B, D2)(r_s, r_d, sidx, didx, new_src, new_dst)
    to64 = _make_to64(M, DN)
    return (to64(r_s[...]).reshape(M, DN), to64(r_d[...]).reshape(M, DN))

# --- scband reference (transcript-rebuilt; emitter-appended) ---
"""Pipeline reference for scband-batch-embedding-updater-38826504356034 (READ-ONLY COPY).

The authoritative reference and input builder live on the scoring server;
editing this copy changes nothing except your own understanding.
"""

import jax, jax.numpy as jnp
import numpy as np

M, B, DN, DG, DH = 1000000, 16384, 64, 64, 256

def _lin(k, fin, fout):
    k1, k2 = jax.random.split(k)
    bound = 1.0 / np.sqrt(fin)
    W = jax.random.uniform(k1, (fin, fout), minval=-bound, maxval=bound, dtype=jnp.float32)
    b = jax.random.uniform(k2, (fout,), minval=-bound, maxval=bound, dtype=jnp.float32)
    return W, b

def setup_inputs(seed: int = 0) -> dict:
    key = jax.random.key(seed)
    ks = jax.random.split(key, 12)
    src_node_ids = jax.random.randint(ks[0], (B,), 0, M, dtype=jnp.int64) if jax.config.jax_enable_x64 else jax.random.randint(ks[0], (B,), 0, M, dtype=jnp.int32)
    dst_node_ids = jax.random.randint(ks[1], (B,), 0, M, dtype=src_node_ids.dtype)
    src_previous_embedding = jax.random.normal(ks[2], (M, DN), dtype=jnp.float32)
    dst_previous_embedding = jax.random.normal(ks[3], (M, DN), dtype=jnp.float32)
    batch_src_neighbor_embedding = jax.random.normal(ks[4], (B, DG), dtype=jnp.float32)
    batch_dst_neighbor_embedding = jax.random.normal(ks[5], (B, DG), dtype=jnp.float32)
    W_sn, b_sn = _lin(ks[6], DG, DH)
    W_sr, b_sr = _lin(ks[7], DN, DH)
    W_sl, b_sl = _lin(ks[8], 2 * DH, DN)
    W_dn, b_dn = _lin(ks[9], DG, DH)
    W_dr, b_dr = _lin(ks[10], DN, DH)
    W_dl, b_dl = _lin(ks[11], 2 * DH, DN)
    return {
        'src_node_ids': src_node_ids, 'dst_node_ids': dst_node_ids,
        'src_previous_embedding': src_previous_embedding,
        'dst_previous_embedding': dst_previous_embedding,
        'batch_src_neighbor_embedding': batch_src_neighbor_embedding,
        'batch_dst_neighbor_embedding': batch_dst_neighbor_embedding,
        'W_sn': W_sn, 'b_sn': b_sn, 'W_sr': W_sr, 'b_sr': b_sr,
        'W_sl': W_sl, 'b_sl': b_sl, 'W_dn': W_dn, 'b_dn': b_dn,
        'W_dr': W_dr, 'b_dr': b_dr, 'W_dl': W_dl, 'b_dl': b_dl,
    }

def reference(src_node_ids, dst_node_ids, src_previous_embedding, dst_previous_embedding,
              batch_src_neighbor_embedding, batch_dst_neighbor_embedding,
              W_sn, b_sn, W_sr, b_sr, W_sl, b_sl,
              W_dn, b_dn, W_dr, b_dr, W_dl, b_dl):
    sel_src = jnp.take(src_previous_embedding, src_node_ids, axis=0) @ W_sr + b_sr
    sel_dst = jnp.take(dst_previous_embedding, dst_node_ids, axis=0) @ W_dr + b_dr
    src_shift = batch_src_neighbor_embedding @ W_sn + b_sn
    dst_shift = batch_dst_neighbor_embedding @ W_dn + b_dn
    src_node_embedding = jnp.concatenate([sel_src, src_shift], axis=1) @ W_sl + b_sl
    dst_node_embedding = jnp.concatenate([sel_dst, dst_shift], axis=1) @ W_dl + b_dl
    updated_src = jax.lax.stop_gradient(src_previous_embedding).at[src_node_ids].set(src_node_embedding)
    updated_dst = jax.lax.stop_gradient(dst_previous_embedding).at[dst_node_ids].set(dst_node_embedding)
    return (updated_src, updated_dst)

if __name__ == "__main__":
    import jax
    _d = setup_inputs()
    print(jax.jit(kernel)(*tuple(_d.values())))

</pallas_src>

<mosaic_0001>
#map = affine_map<(d0, d1) -> (0, 0)>
#map1 = affine_map<(d0, d1) -> (0)>
module attributes {stable_mosaic.version = 14 : i64} {
  func.func @new_body(%arg0: i32, %arg1: i32, %arg2: memref<500000x128xf32, #tpu.memory_space<hbm>>, %arg3: memref<500000x128xf32, #tpu.memory_space<hbm>>, %arg4: memref<16384xi32, #tpu.memory_space<hbm>>, %arg5: memref<16384xi32, #tpu.memory_space<hbm>>, %arg6: memref<16384x128xf32, #tpu.memory_space<hbm>>, %arg7: memref<16384x128xf32, #tpu.memory_space<hbm>>, %arg8: memref<500000x128xf32, #tpu.memory_space<hbm>>, %arg9: memref<500000x128xf32, #tpu.memory_space<hbm>>, %arg10: memref<16384xi32, #tpu.memory_space<vmem>>, %arg11: memref<33x128xi32, #tpu.memory_space<vmem>>, %arg12: memref<33x128xi32, #tpu.memory_space<vmem>>, %arg13: memref<4224xi32, #tpu.memory_space<vmem>>, %arg14: memref<4224xi32, #tpu.memory_space<vmem>>, %arg15: memref<128x128xf32, #tpu.memory_space<vmem>>, %arg16: memref<128x128xf32, #tpu.memory_space<vmem>>, %arg17: memref<!tpu.dma_semaphore, #tpu.memory_space<semaphore_mem>>) attributes {dimension_semantics = [#tpu.dimension_semantics<core_parallel>, #tpu.dimension_semantics<subcore_parallel>], iteration_bounds = array<i64: 2, 16>, scalar_prefetch = 0 : i64, scratch_operands = 8 : i64, tpu.core_type = #tpu.core_type<sc_vector_subcore>, window_params = [{transform_indices = #map}, {transform_indices = #map}, {transform_indices = #map1}, {transform_indices = #map1}, {transform_indices = #map}, {transform_indices = #map}, {transform_indices = #map}, {transform_indices = #map}]} {
    %mul3A = arith.constant 2 : i32
    %mul3A_0 = arith.muli %arg1, %mul3A : i32
    %add3A = arith.addi %mul3A_0, %arg0 : i32
    %mul3A_1 = arith.constant 15624 : i32
    %mul3A_2 = arith.muli %add3A, %mul3A_1 : i32
    %mul3A_3 = arith.constant 2 : i32
    %mul3A_4 = arith.muli %mul3A_2, %mul3A_3 : i32
    %eq3A = arith.constant 31 : i32
    %eq3A_5 = arith.cmpi eq, %add3A, %eq3A : i32
    %add3A_6 = arith.constant 31248 : i32
    %add3A_7 = arith.addi %mul3A_4, %add3A_6 : i32
    %jit3A = arith.constant 1000000 : i32
    %select_n3A = arith.select %eq3A_5, %jit3A, %add3A_7 : i32
    %iota3A = tpu.iota {dimensions = array<i32: 0>} : vector<16xi32>
    "tpu.region"() ({
      %run_scoped3A = tpu.sem_alloc : memref<!tpu.dma_semaphore, #tpu.memory_space<semaphore_mem>>
      tpu.enqueue_dma source(%arg4 : memref<16384xi32, #tpu.memory_space<hbm>>) target(%arg10 : memref<16384xi32, #tpu.memory_space<vmem>>) target_semaphore(%run_scoped3A : memref<!tpu.dma_semaphore, #tpu.memory_space<semaphore_mem>>)
      tpu.wait_dma2 semaphore(%run_scoped3A : memref<!tpu.dma_semaphore, #tpu.memory_space<semaphore_mem>>) src(%arg4 : memref<16384xi32, #tpu.memory_space<hbm>>) dst(%arg10 : memref<16384xi32, #tpu.memory_space<vmem>>)
      tpu.yield
    }) : () -> ()
    %broadcast_in_dim3A = arith.constant 0 : i32
    %broadcast_in_dim3A_8 = vector.broadcast %broadcast_in_dim3A : i32 to vector<16xi32>
    %scan3A = arith.constant 1 : i32
    %scan3A_9 = arith.constant 0 : i32
    %scan3A_10 = arith.constant 0 : i32
    %scan3A_11 = arith.constant 1024 : i32
    %scan3A_12 = arith.addi %scan3A_10, %scan3A_11 : i32
    %scan3A_13 = arith.constant 1 : i32
    %scan3A_14:2 = scf.for %scan3A_716 = %scan3A_10 to %scan3A_12 step %scan3A_13 iter_args(%scan3A_717 = %broadcast_in_dim3A_8, %scan3A_718 = %broadcast_in_dim3A_8) -> (vector<16xi32>, vector<16xi32>)  : i32 {
      %mul3A_719 = arith.constant 16 : i32
      %mul3A_720 = arith.muli %scan3A_716, %mul3A_719 : i32
      %get3A_721 = arith.index_cast %mul3A_720 : i32 to index
      %get3A_722 = tpu.vector_load %arg10[%get3A_721] {strides = array<i32>} : memref<16384xi32, #tpu.memory_space<vmem>>, vector<16xi32>,
      %mul3A_723 = arith.constant 16 : i32
      %mul3A_724 = arith.muli %scan3A_716, %mul3A_723 : i32
      %add3A_725 = vector.broadcast %mul3A_724 : i32 to vector<16xi32>
      %add3A_726 = arith.addi %add3A_725, %iota3A : vector<16xi32>
      %ge3A = vector.broadcast %mul3A_4 : i32 to vector<16xi32>
      %ge3A_727 = arith.cmpi sge, %get3A_722, %ge3A : vector<16xi32>
      %lt3A = vector.broadcast %select_n3A : i32 to vector<16xi32>
      %lt3A_728 = arith.cmpi slt, %get3A_722, %lt3A : vector<16xi32>
      %and3A_729 = arith.andi %ge3A_727, %lt3A_728 : vector<16xi1>
      %shift_right_arithmetic3A_730 = arith.constant 1 : i32
      %shift_right_arithmetic3A_731 = vector.broadcast %shift_right_arithmetic3A_730 : i32 to vector<16xi32>
      %shift_right_arithmetic3A_732 = arith.shrsi %get3A_722, %shift_right_arithmetic3A_731 : vector<16xi32>
      %and3A_733 = arith.constant 1 : i32
      %and3A_734 = vector.broadcast %and3A_733 : i32 to vector<16xi32>
      %and3A_735 = arith.andi %get3A_722, %and3A_734 : vector<16xi32>
      %eq3A_736 = arith.constant 1 : i32
      %eq3A_737 = vector.broadcast %eq3A_736 : i32 to vector<16xi32>
      %eq3A_738 = arith.cmpi eq, %and3A_735, %eq3A_737 : vector<16xi32>
      %not3A = arith.constant dense<true> : vector<16xi1>
      %not3A_739 = arith.xori %eq3A_738, %not3A : vector<16xi1>
      %and3A_740 = arith.andi %and3A_729, %not3A_739 : vector<16xi1>
      %and3A_741 = arith.andi %and3A_729, %eq3A_738 : vector<16xi1>
      %broadcast_in_dim3A_742 = vector.broadcast %scan3A : i32 to vector<16xi32>
      %broadcast_in_dim3A_743 = vector.broadcast %scan3A_9 : i32 to vector<16xi32>
      %select_n3A_744 = arith.select %and3A_740, %broadcast_in_dim3A_742, %broadcast_in_dim3A_743 : vector<16xi1>, vector<16xi32>
      %broadcast_in_dim3A_745 = arith.constant true
      %broadcast_in_dim3A_746 = vector.broadcast %broadcast_in_dim3A_745 : i1 to vector<16xi1>
      %masked_cumsum3A = tpu.scan <sum>, %select_n3A_744 masked %broadcast_in_dim3A_746 : vector<16xi32>, vector<16xi1> -> vector<16xi32>
      %add3A_747 = arith.addi %scan3A_717, %masked_cumsum3A : vector<16xi32>
      %sub3A_748 = arith.constant 1 : i32
      %sub3A_749 = vector.broadcast %sub3A_748 : i32 to vector<16xi32>
      %sub3A_750 = arith.subi %add3A_747, %sub3A_749 : vector<16xi32>
      %max3A_751 = arith.constant 0 : i32
      %max3A_752 = vector.broadcast %max3A_751 : i32 to vector<16xi32>
      %max3A_753 = arith.maxsi %sub3A_750, %max3A_752 : vector<16xi32>
      %shift_right_arithmetic3A_754 = arith.constant 7 : i32
      %shift_right_arithmetic3A_755 = vector.broadcast %shift_right_arithmetic3A_754 : i32 to vector<16xi32>
      %shift_right_arithmetic3A_756 = arith.shrsi %max3A_753, %shift_right_arithmetic3A_755 : vector<16xi32>
      %and3A_757 = arith.constant 127 : i32
      %and3A_758 = vector.broadcast %and3A_757 : i32 to vector<16xi32>
      %and3A_759 = arith.andi %max3A_753, %and3A_758 : vector<16xi32>
      tpu.vector_store_idx %arg11[%shift_right_arithmetic3A_756, %and3A_759], %shift_right_arithmetic3A_732 masked %and3A_740 : memref<33x128xi32, #tpu.memory_space<vmem>>[vector<16xi32>, vector<16xi32>], vector<16xi32>, vector<16xi1>
      tpu.vector_store_idx %arg13[%max3A_753], %add3A_726 masked %and3A_740 : memref<4224xi32, #tpu.memory_space<vmem>>[vector<16xi32>], vector<16xi32>, vector<16xi1>
      %broadcast_in_dim3A_760 = vector.broadcast %scan3A : i32 to vector<16xi32>
      %broadcast_in_dim3A_761 = vector.broadcast %scan3A_9 : i32 to vector<16xi32>
      %select_n3A_762 = arith.select %and3A_741, %broadcast_in_dim3A_760, %broadcast_in_dim3A_761 : vector<16xi1>, vector<16xi32>
      %broadcast_in_dim3A_763 = arith.constant true
      %broadcast_in_dim3A_764 = vector.broadcast %broadcast_in_dim3A_763 : i1 to vector<16xi1>
      %masked_cumsum3A_765 = tpu.scan <sum>, %select_n3A_762 masked %broadcast_in_dim3A_764 : vector<16xi32>, vector<16xi1> -> vector<16xi32>
      %add3A_766 = arith.addi %scan3A_718, %masked_cumsum3A_765 : vector<16xi32>
      %sub3A_767 = arith.constant 1 : i32
      %sub3A_768 = vector.broadcast %sub3A_767 : i32 to vector<16xi32>
      %sub3A_769 = arith.subi %add3A_766, %sub3A_768 : vector<16xi32>
      %max3A_770 = arith.constant 0 : i32
      %max3A_771 = vector.broadcast %max3A_770 : i32 to vector<16xi32>
      %max3A_772 = arith.maxsi %sub3A_769, %max3A_771 : vector<16xi32>
      %shift_right_arithmetic3A_773 = arith.constant 7 : i32
      %shift_right_arithmetic3A_774 = vector.broadcast %shift_right_arithmetic3A_773 : i32 to vector<16xi32>
      %shift_right_arithmetic3A_775 = arith.shrsi %max3A_772, %shift_right_arithmetic3A_774 : vector<16xi32>
      %and3A_776 = arith.constant 127 : i32
      %and3A_777 = vector.broadcast %and3A_776 : i32 to vector<16xi32>
      %and3A_778 = arith.andi %max3A_772, %and3A_777 : vector<16xi32>
      tpu.vector_store_idx %arg12[%shift_right_arithmetic3A_775, %and3A_778], %shift_right_arithmetic3A_732 masked %and3A_741 : memref<33x128xi32, #tpu.memory_space<vmem>>[vector<16xi32>, vector<16xi32>], vector<16xi32>, vector<16xi1>
      tpu.vector_store_idx %arg14[%max3A_772], %add3A_726 masked %and3A_741 : memref<4224xi32, #tpu.memory_space<vmem>>[vector<16xi32>], vector<16xi32>, vector<16xi1>
      %all_reduce_population_count3A = tpu.all_reduce %and3A_740 {dim = 0 : i64, kind = #tpu.reduction_kind<sum>} : vector<16xi1> -> vector<16xi32>
      %add3A_779 = arith.addi %scan3A_717, %all_reduce_population_count3A : vector<16xi32>
      %all_reduce_population_count3A_780 = tpu.all_reduce %and3A_741 {dim = 0 : i64, kind = #tpu.reduction_kind<sum>} : vector<16xi1> -> vector<16xi32>
      %add3A_781 = arith.addi %scan3A_718, %all_reduce_population_count3A_780 : vector<16xi32>
      scf.yield %add3A_779, %add3A_781 : vector<16xi32>, vector<16xi32>
    }
    %scan3A_15 = arith.constant 1024 : i32
    %slice3A = vector.extract_strided_slice %scan3A_14#0 {offsets = [15], sizes = [1], strides = [1]} : vector<16xi32> to vector<1xi32>
    %squeeze3A = vector.extract %slice3A[0] : i32 from vector<1xi32>
    %add3A_16 = arith.constant 128 : i32
    %add3A_17 = arith.addi %squeeze3A, %add3A_16 : i32
    %sub3A = arith.constant 1 : i32
    %sub3A_18 = arith.subi %add3A_17, %sub3A : i32
    %jit3A_19 = arith.constant 128 : i32
    %div3A = arith.divsi %sub3A_18, %jit3A_19 : i32
    %sign3A = arith.constant 0 : i32
    %sign3A_20 = arith.cmpi sgt, %sub3A_18, %sign3A : i32
    %sign3A_21 = arith.extui %sign3A_20 : i1 to i32
    %sign3A_22 = arith.constant 0 : i32
    %sign3A_23 = arith.cmpi slt, %sub3A_18, %sign3A_22 : i32
    %sign3A_24 = arith.extui %sign3A_23 : i1 to i32
    %sign3A_25 = arith.subi %sign3A_21, %sign3A_24 : i32
    %sign3A_26 = arith.constant 0 : i32
    %sign3A_27 = arith.cmpi sgt, %jit3A_19, %sign3A_26 : i32
    %sign3A_28 = arith.extui %sign3A_27 : i1 to i32
    %sign3A_29 = arith.constant 0 : i32
    %sign3A_30 = arith.cmpi slt, %jit3A_19, %sign3A_29 : i32
    %sign3A_31 = arith.extui %sign3A_30 : i1 to i32
    %sign3A_32 = arith.subi %sign3A_28, %sign3A_31 : i32
    %ne3A = arith.cmpi ne, %sign3A_25, %sign3A_32 : i32
    %rem3A = arith.remsi %sub3A_18, %jit3A_19 : i32
    %ne3A_33 = arith.constant 0 : i32
    %ne3A_34 = arith.cmpi ne, %rem3A, %ne3A_33 : i32
    %and3A = arith.andi %ne3A, %ne3A_34 : i1
    %sub3A_35 = arith.constant 1 : i32
    %sub3A_36 = arith.subi %div3A, %sub3A_35 : i32
    %select_n3A_37 = arith.select %and3A, %sub3A_36, %div3A : i32
    %mul3A_38 = arith.constant 128 : i32
    %mul3A_39 = arith.muli %select_n3A_37, %mul3A_38 : i32
    %sub3A_40 = arith.constant 1 : i32
    %sub3A_41 = arith.subi %squeeze3A, %sub3A_40 : i32
    %max3A = arith.constant 0 : i32
    %max3A_42 = arith.maxsi %sub3A_41, %max3A : i32
    %shift_right_arithmetic3A = arith.constant 7 : i32
    %shift_right_arithmetic3A_43 = arith.shrsi %max3A_42, %shift_right_arithmetic3A : i32
    %and3A_44 = arith.constant 127 : i32
    %and3A_45 = arith.andi %max3A_42, %and3A_44 : i32
    %and3A_46 = arith.constant -16 : i32
    %and3A_47 = arith.andi %and3A_45, %and3A_46 : i32
    %get3A = arith.index_cast %shift_right_arithmetic3A_43 : i32 to index
    %get3A_48 = arith.index_cast %and3A_47 : i32 to index
    %get3A_49 = tpu.vector_load %arg11[%get3A, %get3A_48] {strides = array<i32>} : memref<33x128xi32, #tpu.memory_space<vmem>>, vector<16xi32>,
    %and3A_50 = arith.constant -16 : i32
    %and3A_51 = arith.andi %max3A_42, %and3A_50 : i32
    %get3A_52 = arith.index_cast %and3A_51 : i32 to index
    %get3A_53 = tpu.vector_load %arg13[%get3A_52] {strides = array<i32>} : memref<4224xi32, #tpu.memory_space<vmem>>, vector<16xi32>,
    %and3A_54 = arith.constant 15 : i32
    %and3A_55 = arith.andi %max3A_42, %and3A_54 : i32
    %eq3A_56 = vector.broadcast %and3A_55 : i32 to vector<16xi32>
    %eq3A_57 = arith.cmpi eq, %iota3A, %eq3A_56 : vector<16xi32>
    %jit3A_58 = arith.constant -1 : i32
    %broadcast_in_dim3A_59 = vector.broadcast %jit3A_58 : i32 to vector<16xi32>
    %select_n3A_60 = arith.select %eq3A_57, %get3A_49, %broadcast_in_dim3A_59 : vector<16xi1>, vector<16xi32>
    %broadcast_in_dim3A_61 = arith.constant true
    %broadcast_in_dim3A_62 = vector.broadcast %broadcast_in_dim3A_61 : i1 to vector<16xi1>
    %masked_cummax3A = arith.constant -2147483648 : i32
    %masked_cummax3A_63 = vector.broadcast %masked_cummax3A : i32 to vector<16xi32>
    %masked_cummax3A_64 = arith.xori %select_n3A_60, %masked_cummax3A_63 : vector<16xi32>
    %masked_cummax3A_65 = tpu.scan <max>, %masked_cummax3A_64 masked %broadcast_in_dim3A_62 : vector<16xi32>, vector<16xi1> -> vector<16xi32>
    %masked_cummax3A_66 = arith.xori %masked_cummax3A_65, %masked_cummax3A_63 : vector<16xi32>
    %rev3A = arith.constant 15 : i32
    %rev3A_67 = vector.broadcast %rev3A : i32 to vector<16xi32>
    %rev3A_68 = tpu.iota {dimensions = array<i32: 0>} : vector<16xi32>
    %rev3A_69 = arith.subi %rev3A_67, %rev3A_68 : vector<16xi32>
    %rev3A_70 = tpu.dynamic_gather %masked_cummax3A_66[%rev3A_69] in [0] : vector<16xi32>, vector<16xi32> -> vector<16xi32>
    %broadcast_in_dim3A_71 = arith.constant true
    %broadcast_in_dim3A_72 = vector.broadcast %broadcast_in_dim3A_71 : i1 to vector<16xi1>
    %masked_cummax3A_73 = arith.constant -2147483648 : i32
    %masked_cummax3A_74 = vector.broadcast %masked_cummax3A_73 : i32 to vector<16xi32>
    %masked_cummax3A_75 = arith.xori %rev3A_70, %masked_cummax3A_74 : vector<16xi32>
    %masked_cummax3A_76 = tpu.scan <max>, %masked_cummax3A_75 masked %broadcast_in_dim3A_72 : vector<16xi32>, vector<16xi1> -> vector<16xi32>
    %masked_cummax3A_77 = arith.xori %masked_cummax3A_76, %masked_cummax3A_74 : vector<16xi32>
    %eq3A_78 = vector.broadcast %and3A_55 : i32 to vector<16xi32>
    %eq3A_79 = arith.cmpi eq, %iota3A, %eq3A_78 : vector<16xi32>
    %jit3A_80 = arith.constant -1 : i32
    %broadcast_in_dim3A_81 = vector.broadcast %jit3A_80 : i32 to vector<16xi32>
    %select_n3A_82 = arith.select %eq3A_79, %get3A_53, %broadcast_in_dim3A_81 : vector<16xi1>, vector<16xi32>
    %broadcast_in_dim3A_83 = arith.constant true
    %broadcast_in_dim3A_84 = vector.broadcast %broadcast_in_dim3A_83 : i1 to vector<16xi1>
    %masked_cummax3A_85 = arith.constant -2147483648 : i32
    %masked_cummax3A_86 = vector.broadcast %masked_cummax3A_85 : i32 to vector<16xi32>
    %masked_cummax3A_87 = arith.xori %select_n3A_82, %masked_cummax3A_86 : vector<16xi32>
    %masked_cummax3A_88 = tpu.scan <max>, %masked_cummax3A_87 masked %broadcast_in_dim3A_84 : vector<16xi32>, vector<16xi1> -> vector<16xi32>
    %masked_cummax3A_89 = arith.xori %masked_cummax3A_88, %masked_cummax3A_86 : vector<16xi32>
    %rev3A_90 = arith.constant 15 : i32
    %rev3A_91 = vector.broadcast %rev3A_90 : i32 to vector<16xi32>
    %rev3A_92 = tpu.iota {dimensions = array<i32: 0>} : vector<16xi32>
    %rev3A_93 = arith.subi %rev3A_91, %rev3A_92 : vector<16xi32>
    %rev3A_94 = tpu.dynamic_gather %masked_cummax3A_89[%rev3A_93] in [0] : vector<16xi32>, vector<16xi32> -> vector<16xi32>
    %broadcast_in_dim3A_95 = arith.constant true
    %broadcast_in_dim3A_96 = vector.broadcast %broadcast_in_dim3A_95 : i1 to vector<16xi1>
    %masked_cummax3A_97 = arith.constant -2147483648 : i32
    %masked_cummax3A_98 = vector.broadcast %masked_cummax3A_97 : i32 to vector<16xi32>
    %masked_cummax3A_99 = arith.xori %rev3A_94, %masked_cummax3A_98 : vector<16xi32>
    %masked_cummax3A_100 = tpu.scan <max>, %masked_cummax3A_99 masked %broadcast_in_dim3A_96 : vector<16xi32>, vector<16xi1> -> vector<16xi32>
    %masked_cummax3A_101 = arith.xori %masked_cummax3A_100, %masked_cummax3A_98 : vector<16xi32>
    %sub3A_102 = arith.subi %mul3A_39, %squeeze3A : i32
    %add3A_103 = arith.constant 16 : i32
    %add3A_104 = arith.addi %sub3A_102, %add3A_103 : i32
    %sub3A_105 = arith.constant 1 : i32
    %sub3A_106 = arith.subi %add3A_104, %sub3A_105 : i32
    %jit3A_107 = arith.constant 16 : i32
    %div3A_108 = arith.divsi %sub3A_106, %jit3A_107 : i32
    %sign3A_109 = arith.constant 0 : i32
    %sign3A_110 = arith.cmpi sgt, %sub3A_106, %sign3A_109 : i32
    %sign3A_111 = arith.extui %sign3A_110 : i1 to i32
    %sign3A_112 = arith.constant 0 : i32
    %sign3A_113 = arith.cmpi slt, %sub3A_106, %sign3A_112 : i32
    %sign3A_114 = arith.extui %sign3A_113 : i1 to i32
    %sign3A_115 = arith.subi %sign3A_111, %sign3A_114 : i32
    %sign3A_116 = arith.constant 0 : i32
    %sign3A_117 = arith.cmpi sgt, %jit3A_107, %sign3A_116 : i32
    %sign3A_118 = arith.extui %sign3A_117 : i1 to i32
    %sign3A_119 = arith.constant 0 : i32
    %sign3A_120 = arith.cmpi slt, %jit3A_107, %sign3A_119 : i32
    %sign3A_121 = arith.extui %sign3A_120 : i1 to i32
    %sign3A_122 = arith.subi %sign3A_118, %sign3A_121 : i32
    %ne3A_123 = arith.cmpi ne, %sign3A_115, %sign3A_122 : i32
    %rem3A_124 = arith.remsi %sub3A_106, %jit3A_107 : i32
    %ne3A_125 = arith.constant 0 : i32
    %ne3A_126 = arith.cmpi ne, %rem3A_124, %ne3A_125 : i32
    %and3A_127 = arith.andi %ne3A_123, %ne3A_126 : i1
    %sub3A_128 = arith.constant 1 : i32
    %sub3A_129 = arith.subi %div3A_108, %sub3A_128 : i32
    %select_n3A_130 = arith.select %and3A_127, %sub3A_129, %div3A_108 : i32
    %while3A = arith.constant 0 : i32
    %while3A_131 = arith.constant 0 : i32
    %while3A_132 = arith.subi %select_n3A_130, %while3A : i32
    %while3A_133 = arith.addi %while3A, %while3A_132 : i32
    %while3A_134 = arith.constant 1 : i32
    %while3A_135 = arith.divsi %while3A_132, %while3A_134 : i32
    %while3A_136 = arith.muli %while3A_135, %while3A_134 : i32
    %while3A_137 = arith.addi %while3A, %while3A_136 : i32
    %while3A_138 = arith.constant 1 : i32
    %while3A_139 = scf.for %while3A_716 = %while3A to %while3A_137 step %while3A_138 iter_args(%while3A_717 = %while3A_131) -> (i32)  : i32 {
      %mul3A_718 = arith.constant 16 : i32
      %mul3A_719 = arith.muli %while3A_716, %mul3A_718 : i32
      %add3A_720 = arith.addi %squeeze3A, %mul3A_719 : i32
      %add3A_721 = vector.broadcast %add3A_720 : i32 to vector<16xi32>
      %add3A_722 = arith.addi %add3A_721, %iota3A : vector<16xi32>
      %shift_right_arithmetic3A_723 = arith.constant 7 : i32
      %shift_right_arithmetic3A_724 = vector.broadcast %shift_right_arithmetic3A_723 : i32 to vector<16xi32>
      %shift_right_arithmetic3A_725 = arith.shrsi %add3A_722, %shift_right_arithmetic3A_724 : vector<16xi32>
      %and3A_726 = arith.constant 127 : i32
      %and3A_727 = vector.broadcast %and3A_726 : i32 to vector<16xi32>
      %and3A_728 = arith.andi %add3A_722, %and3A_727 : vector<16xi32>
      tpu.vector_store_idx %arg11[%shift_right_arithmetic3A_725, %and3A_728], %masked_cummax3A_77 : memref<33x128xi32, #tpu.memory_space<vmem>>[vector<16xi32>, vector<16xi32>], vector<16xi32>,
      tpu.vector_store_idx %arg13[%add3A_722], %masked_cummax3A_101 : memref<4224xi32, #tpu.memory_space<vmem>>[vector<16xi32>], vector<16xi32>,
      %while3A_729 = arith.constant 0 : i32
      scf.yield %while3A_729 : i32
    }
    %while3A_140 = arith.constant 1 : i32
    %while3A_141 = scf.for %while3A_716 = %while3A_137 to %while3A_133 step %while3A_140 iter_args(%while3A_717 = %while3A_139) -> (i32)  : i32 {
      %mul3A_718 = arith.constant 16 : i32
      %mul3A_719 = arith.muli %while3A_716, %mul3A_718 : i32
      %add3A_720 = arith.addi %squeeze3A, %mul3A_719 : i32
      %add3A_721 = vector.broadcast %add3A_720 : i32 to vector<16xi32>
      %add3A_722 = arith.addi %add3A_721, %iota3A : vector<16xi32>
      %shift_right_arithmetic3A_723 = arith.constant 7 : i32
      %shift_right_arithmetic3A_724 = vector.broadcast %shift_right_arithmetic3A_723 : i32 to vector<16xi32>
      %shift_right_arithmetic3A_725 = arith.shrsi %add3A_722, %shift_right_arithmetic3A_724 : vector<16xi32>
      %and3A_726 = arith.constant 127 : i32
      %and3A_727 = vector.broadcast %and3A_726 : i32 to vector<16xi32>
      %and3A_728 = arith.andi %add3A_722, %and3A_727 : vector<16xi32>
      tpu.vector_store_idx %arg11[%shift_right_arithmetic3A_725, %and3A_728], %masked_cummax3A_77 : memref<33x128xi32, #tpu.memory_space<vmem>>[vector<16xi32>, vector<16xi32>], vector<16xi32>,
      tpu.vector_store_idx %arg13[%add3A_722], %masked_cummax3A_101 : memref<4224xi32, #tpu.memory_space<vmem>>[vector<16xi32>], vector<16xi32>,
      %while3A_729 = arith.constant 0 : i32
      scf.yield %while3A_729 : i32
    }
    %slice3A_142 = vector.extract_strided_slice %scan3A_14#1 {offsets = [15], sizes = [1], strides = [1]} : vector<16xi32> to vector<1xi32>
    %squeeze3A_143 = vector.extract %slice3A_142[0] : i32 from vector<1xi32>
    %add3A_144 = arith.constant 128 : i32
    %add3A_145 = arith.addi %squeeze3A_143, %add3A_144 : i32
    %sub3A_146 = arith.constant 1 : i32
    %sub3A_147 = arith.subi %add3A_145, %sub3A_146 : i32
    %jit3A_148 = arith.constant 128 : i32
    %div3A_149 = arith.divsi %sub3A_147, %jit3A_148 : i32
    %sign3A_150 = arith.constant 0 : i32
    %sign3A_151 = arith.cmpi sgt, %sub3A_147, %sign3A_150 : i32
    %sign3A_152 = arith.extui %sign3A_151 : i1 to i32
    %sign3A_153 = arith.constant 0 : i32
    %sign3A_154 = arith.cmpi slt, %sub3A_147, %sign3A_153 : i32
    %sign3A_155 = arith.extui %sign3A_154 : i1 to i32
    %sign3A_156 = arith.subi %sign3A_152, %sign3A_155 : i32
    %sign3A_157 = arith.constant 0 : i32
    %sign3A_158 = arith.cmpi sgt, %jit3A_148, %sign3A_157 : i32
    %sign3A_159 = arith.extui %sign3A_158 : i1 to i32
    %sign3A_160 = arith.constant 0 : i32
    %sign3A_161 = arith.cmpi slt, %jit3A_148, %sign3A_160 : i32
    %sign3A_162 = arith.extui %sign3A_161 : i1 to i32
    %sign3A_163 = arith.subi %sign3A_159, %sign3A_162 : i32
    %ne3A_164 = arith.cmpi ne, %sign3A_156, %sign3A_163 : i32
    %rem3A_165 = arith.remsi %sub3A_147, %jit3A_148 : i32
    %ne3A_166 = arith.constant 0 : i32
    %ne3A_167 = arith.cmpi ne, %rem3A_165, %ne3A_166 : i32
    %and3A_168 = arith.andi %ne3A_164, %ne3A_167 : i1
    %sub3A_169 = arith.constant 1 : i32
    %sub3A_170 = arith.subi %div3A_149, %sub3A_169 : i32
    %select_n3A_171 = arith.select %and3A_168, %sub3A_170, %div3A_149 : i32
    %mul3A_172 = arith.constant 128 : i32
    %mul3A_173 = arith.muli %select_n3A_171, %mul3A_172 : i32
    %sub3A_174 = arith.constant 1 : i32
    %sub3A_175 = arith.subi %squeeze3A_143, %sub3A_174 : i32
    %max3A_176 = arith.constant 0 : i32
    %max3A_177 = arith.maxsi %sub3A_175, %max3A_176 : i32
    %shift_right_arithmetic3A_178 = arith.constant 7 : i32
    %shift_right_arithmetic3A_179 = arith.shrsi %max3A_177, %shift_right_arithmetic3A_178 : i32
    %and3A_180 = arith.constant 127 : i32
    %and3A_181 = arith.andi %max3A_177, %and3A_180 : i32
    %and3A_182 = arith.constant -16 : i32
    %and3A_183 = arith.andi %and3A_181, %and3A_182 : i32
    %get3A_184 = arith.index_cast %shift_right_arithmetic3A_179 : i32 to index
    %get3A_185 = arith.index_cast %and3A_183 : i32 to index
    %get3A_186 = tpu.vector_load %arg12[%get3A_184, %get3A_185] {strides = array<i32>} : memref<33x128xi32, #tpu.memory_space<vmem>>, vector<16xi32>,
    %and3A_187 = arith.constant -16 : i32
    %and3A_188 = arith.andi %max3A_177, %and3A_187 : i32
    %get3A_189 = arith.index_cast %and3A_188 : i32 to index
    %get3A_190 = tpu.vector_load %arg14[%get3A_189] {strides = array<i32>} : memref<4224xi32, #tpu.memory_space<vmem>>, vector<16xi32>,
    %and3A_191 = arith.constant 15 : i32
    %and3A_192 = arith.andi %max3A_177, %and3A_191 : i32
    %eq3A_193 = vector.broadcast %and3A_192 : i32 to vector<16xi32>
    %eq3A_194 = arith.cmpi eq, %iota3A, %eq3A_193 : vector<16xi32>
    %jit3A_195 = arith.constant -1 : i32
    %broadcast_in_dim3A_196 = vector.broadcast %jit3A_195 : i32 to vector<16xi32>
    %select_n3A_197 = arith.select %eq3A_194, %get3A_186, %broadcast_in_dim3A_196 : vector<16xi1>, vector<16xi32>
    %broadcast_in_dim3A_198 = arith.constant true
    %broadcast_in_dim3A_199 = vector.broadcast %broadcast_in_dim3A_198 : i1 to vector<16xi1>
    %masked_cummax3A_200 = arith.constant -2147483648 : i32
    %masked_cummax3A_201 = vector.broadcast %masked_cummax3A_200 : i32 to vector<16xi32>
    %masked_cummax3A_202 = arith.xori %select_n3A_197, %masked_cummax3A_201 : vector<16xi32>
    %masked_cummax3A_203 = tpu.scan <max>, %masked_cummax3A_202 masked %broadcast_in_dim3A_199 : vector<16xi32>, vector<16xi1> -> vector<16xi32>
    %masked_cummax3A_204 = arith.xori %masked_cummax3A_203, %masked_cummax3A_201 : vector<16xi32>
    %rev3A_205 = arith.constant 15 : i32
    %rev3A_206 = vector.broadcast %rev3A_205 : i32 to vector<16xi32>
    %rev3A_207 = tpu.iota {dimensions = array<i32: 0>} : vector<16xi32>
    %rev3A_208 = arith.subi %rev3A_206, %rev3A_207 : vector<16xi32>
    %rev3A_209 = tpu.dynamic_gather %masked_cummax3A_204[%rev3A_208] in [0] : vector<16xi32>, vector<16xi32> -> vector<16xi32>
    %broadcast_in_dim3A_210 = arith.constant true
    %broadcast_in_dim3A_211 = vector.broadcast %broadcast_in_dim3A_210 : i1 to vector<16xi1>
    %masked_cummax3A_212 = arith.constant -2147483648 : i32
    %masked_cummax3A_213 = vector.broadcast %masked_cummax3A_212 : i32 to vector<16xi32>
    %masked_cummax3A_214 = arith.xori %rev3A_209, %masked_cummax3A_213 : vector<16xi32>
    %masked_cummax3A_215 = tpu.scan <max>, %masked_cummax3A_214 masked %broadcast_in_dim3A_211 : vector<16xi32>, vector<16xi1> -> vector<16xi32>
    %masked_cummax3A_216 = arith.xori %masked_cummax3A_215, %masked_cummax3A_213 : vector<16xi32>
    %eq3A_217 = vector.broadcast %and3A_192 : i32 to vector<16xi32>
    %eq3A_218 = arith.cmpi eq, %iota3A, %eq3A_217 : vector<16xi32>
    %jit3A_219 = arith.constant -1 : i32
    %broadcast_in_dim3A_220 = vector.broadcast %jit3A_219 : i32 to vector<16xi32>
    %select_n3A_221 = arith.select %eq3A_218, %get3A_190, %broadcast_in_dim3A_220 : vector<16xi1>, vector<16xi32>
    %broadcast_in_dim3A_222 = arith.constant true
    %broadcast_in_dim3A_223 = vector.broadcast %broadcast_in_dim3A_222 : i1 to vector<16xi1>
    %masked_cummax3A_224 = arith.constant -2147483648 : i32
    %masked_cummax3A_225 = vector.broadcast %masked_cummax3A_224 : i32 to vector<16xi32>
    %masked_cummax3A_226 = arith.xori %select_n3A_221, %masked_cummax3A_225 : vector<16xi32>
    %masked_cummax3A_227 = tpu.scan <max>, %masked_cummax3A_226 masked %broadcast_in_dim3A_223 : vector<16xi32>, vector<16xi1> -> vector<16xi32>
    %masked_cummax3A_228 = arith.xori %masked_cummax3A_227, %masked_cummax3A_225 : vector<16xi32>
    %rev3A_229 = arith.constant 15 : i32
    %rev3A_230 = vector.broadcast %rev3A_229 : i32 to vector<16xi32>
    %rev3A_231 = tpu.iota {dimensions = array<i32: 0>} : vector<16xi32>
    %rev3A_232 = arith.subi %rev3A_230, %rev3A_231 : vector<16xi32>
    %rev3A_233 = tpu.dynamic_gather %masked_cummax3A_228[%rev3A_232] in [0] : vector<16xi32>, vector<16xi32> -> vector<16xi32>
    %broadcast_in_dim3A_234 = arith.constant true
    %broadcast_in_dim3A_235 = vector.broadcast %broadcast_in_dim3A_234 : i1 to vector<16xi1>
    %masked_cummax3A_236 = arith.constant -2147483648 : i32
    %masked_cummax3A_237 = vector.broadcast %masked_cummax3A_236 : i32 to vector<16xi32>
    %masked_cummax3A_238 = arith.xori %rev3A_233, %masked_cummax3A_237 : vector<16xi32>
    %masked_cummax3A_239 = tpu.scan <max>, %masked_cummax3A_238 masked %broadcast_in_dim3A_235 : vector<16xi32>, vector<16xi1> -> vector<16xi32>
    %masked_cummax3A_240 = arith.xori %masked_cummax3A_239, %masked_cummax3A_237 : vector<16xi32>
    %sub3A_241 = arith.subi %mul3A_173, %squeeze3A_143 : i32
    %add3A_242 = arith.constant 16 : i32
    %add3A_243 = arith.addi %sub3A_241, %add3A_242 : i32
    %sub3A_244 = arith.constant 1 : i32
    %sub3A_245 = arith.subi %add3A_243, %sub3A_244 : i32
    %jit3A_246 = arith.constant 16 : i32
    %div3A_247 = arith.divsi %sub3A_245, %jit3A_246 : i32
    %sign3A_248 = arith.constant 0 : i32
    %sign3A_249 = arith.cmpi sgt, %sub3A_245, %sign3A_248 : i32
    %sign3A_250 = arith.extui %sign3A_249 : i1 to i32
    %sign3A_251 = arith.constant 0 : i32
    %sign3A_252 = arith.cmpi slt, %sub3A_245, %sign3A_251 : i32
    %sign3A_253 = arith.extui %sign3A_252 : i1 to i32
    %sign3A_254 = arith.subi %sign3A_250, %sign3A_253 : i32
    %sign3A_255 = arith.constant 0 : i32
    %sign3A_256 = arith.cmpi sgt, %jit3A_246, %sign3A_255 : i32
    %sign3A_257 = arith.extui %sign3A_256 : i1 to i32
    %sign3A_258 = arith.constant 0 : i32
    %sign3A_259 = arith.cmpi slt, %jit3A_246, %sign3A_258 : i32
    %sign3A_260 = arith.extui %sign3A_259 : i1 to i32
    %sign3A_261 = arith.subi %sign3A_257, %sign3A_260 : i32
    %ne3A_262 = arith.cmpi ne, %sign3A_254, %sign3A_261 : i32
    %rem3A_263 = arith.remsi %sub3A_245, %jit3A_246 : i32
    %ne3A_264 = arith.constant 0 : i32
    %ne3A_265 = arith.cmpi ne, %rem3A_263, %ne3A_264 : i32
    %and3A_266 = arith.andi %ne3A_262, %ne3A_265 : i1
    %sub3A_267 = arith.constant 1 : i32
    %sub3A_268 = arith.subi %div3A_247, %sub3A_267 : i32
    %select_n3A_269 = arith.select %and3A_266, %sub3A_268, %div3A_247 : i32
    %while3A_270 = arith.constant 0 : i32
    %while3A_271 = arith.constant 0 : i32
    %while3A_272 = arith.subi %select_n3A_269, %while3A_270 : i32
    %while3A_273 = arith.addi %while3A_270, %while3A_272 : i32
    %while3A_274 = arith.constant 1 : i32
    %while3A_275 = arith.divsi %while3A_272, %while3A_274 : i32
    %while3A_276 = arith.muli %while3A_275, %while3A_274 : i32
    %while3A_277 = arith.addi %while3A_270, %while3A_276 : i32
    %while3A_278 = arith.constant 1 : i32
    %while3A_279 = scf.for %while3A_716 = %while3A_270 to %while3A_277 step %while3A_278 iter_args(%while3A_717 = %while3A_271) -> (i32)  : i32 {
      %mul3A_718 = arith.constant 16 : i32
      %mul3A_719 = arith.muli %while3A_716, %mul3A_718 : i32
      %add3A_720 = arith.addi %squeeze3A_143, %mul3A_719 : i32
      %add3A_721 = vector.broadcast %add3A_720 : i32 to vector<16xi32>
      %add3A_722 = arith.addi %add3A_721, %iota3A : vector<16xi32>
      %shift_right_arithmetic3A_723 = arith.constant 7 : i32
      %shift_right_arithmetic3A_724 = vector.broadcast %shift_right_arithmetic3A_723 : i32 to vector<16xi32>
      %shift_right_arithmetic3A_725 = arith.shrsi %add3A_722, %shift_right_arithmetic3A_724 : vector<16xi32>
      %and3A_726 = arith.constant 127 : i32
      %and3A_727 = vector.broadcast %and3A_726 : i32 to vector<16xi32>
      %and3A_728 = arith.andi %add3A_722, %and3A_727 : vector<16xi32>
      tpu.vector_store_idx %arg12[%shift_right_arithmetic3A_725, %and3A_728], %masked_cummax3A_216 : memref<33x128xi32, #tpu.memory_space<vmem>>[vector<16xi32>, vector<16xi32>], vector<16xi32>,
      tpu.vector_store_idx %arg14[%add3A_722], %masked_cummax3A_240 : memref<4224xi32, #tpu.memory_space<vmem>>[vector<16xi32>], vector<16xi32>,
      %while3A_729 = arith.constant 0 : i32
      scf.yield %while3A_729 : i32
    }
    %while3A_280 = arith.constant 1 : i32
    %while3A_281 = scf.for %while3A_716 = %while3A_277 to %while3A_273 step %while3A_280 iter_args(%while3A_717 = %while3A_279) -> (i32)  : i32 {
      %mul3A_718 = arith.constant 16 : i32
      %mul3A_719 = arith.muli %while3A_716, %mul3A_718 : i32
      %add3A_720 = arith.addi %squeeze3A_143, %mul3A_719 : i32
      %add3A_721 = vector.broadcast %add3A_720 : i32 to vector<16xi32>
      %add3A_722 = arith.addi %add3A_721, %iota3A : vector<16xi32>
      %shift_right_arithmetic3A_723 = arith.constant 7 : i32
      %shift_right_arithmetic3A_724 = vector.broadcast %shift_right_arithmetic3A_723 : i32 to vector<16xi32>
      %shift_right_arithmetic3A_725 = arith.shrsi %add3A_722, %shift_right_arithmetic3A_724 : vector<16xi32>
      %and3A_726 = arith.constant 127 : i32
      %and3A_727 = vector.broadcast %and3A_726 : i32 to vector<16xi32>
      %and3A_728 = arith.andi %add3A_722, %and3A_727 : vector<16xi32>
      tpu.vector_store_idx %arg12[%shift_right_arithmetic3A_725, %and3A_728], %masked_cummax3A_216 : memref<33x128xi32, #tpu.memory_space<vmem>>[vector<16xi32>, vector<16xi32>], vector<16xi32>,
      tpu.vector_store_idx %arg14[%add3A_722], %masked_cummax3A_240 : memref<4224xi32, #tpu.memory_space<vmem>>[vector<16xi32>], vector<16xi32>,
      %while3A_729 = arith.constant 0 : i32
      scf.yield %while3A_729 : i32
    }
    %jit3A_282 = arith.constant 128 : i32
    %div3A_283 = arith.divsi %mul3A_39, %jit3A_282 : i32
    %sign3A_284 = arith.constant 0 : i32
    %sign3A_285 = arith.cmpi sgt, %mul3A_39, %sign3A_284 : i32
    %sign3A_286 = arith.extui %sign3A_285 : i1 to i32
    %sign3A_287 = arith.constant 0 : i32
    %sign3A_288 = arith.cmpi slt, %mul3A_39, %sign3A_287 : i32
    %sign3A_289 = arith.extui %sign3A_288 : i1 to i32
    %sign3A_290 = arith.subi %sign3A_286, %sign3A_289 : i32
    %sign3A_291 = arith.constant 0 : i32
    %sign3A_292 = arith.cmpi sgt, %jit3A_282, %sign3A_291 : i32
    %sign3A_293 = arith.extui %sign3A_292 : i1 to i32
    %sign3A_294 = arith.constant 0 : i32
    %sign3A_295 = arith.cmpi slt, %jit3A_282, %sign3A_294 : i32
    %sign3A_296 = arith.extui %sign3A_295 : i1 to i32
    %sign3A_297 = arith.subi %sign3A_293, %sign3A_296 : i32
    %ne3A_298 = arith.cmpi ne, %sign3A_290, %sign3A_297 : i32
    %rem3A_299 = arith.remsi %mul3A_39, %jit3A_282 : i32
    %ne3A_300 = arith.constant 0 : i32
    %ne3A_301 = arith.cmpi ne, %rem3A_299, %ne3A_300 : i32
    %and3A_302 = arith.andi %ne3A_298, %ne3A_301 : i1
    %sub3A_303 = arith.constant 1 : i32
    %sub3A_304 = arith.subi %div3A_283, %sub3A_303 : i32
    %select_n3A_305 = arith.select %and3A_302, %sub3A_304, %div3A_283 : i32
    %while3A_306 = arith.constant 0 : i32
    %while3A_307 = arith.constant 0 : i32
    %while3A_308 = arith.subi %select_n3A_305, %while3A_306 : i32
    %while3A_309 = arith.addi %while3A_306, %while3A_308 : i32
    %while3A_310 = arith.constant 1 : i32
    %while3A_311 = arith.divsi %while3A_308, %while3A_310 : i32
    %while3A_312 = arith.muli %while3A_311, %while3A_310 : i32
    %while3A_313 = arith.addi %while3A_306, %while3A_312 : i32
    %while3A_314 = arith.constant 1 : i32
    %while3A_315 = scf.for %while3A_716 = %while3A_306 to %while3A_313 step %while3A_314 iter_args(%while3A_717 = %while3A_307) -> (i32)  : i32 {
      %dma_start3A = arith.constant 0 : i32
      %dma_start3A_718 = tpu.memref_slice %arg11[%while3A_716, %dma_start3A] : memref<33x128xi32, #tpu.memory_space<vmem>> -> memref<1x128xi32, #tpu.memory_space<vmem>>
      %dma_start3A_719 = tpu.memref_squeeze %dma_start3A_718 : memref<1x128xi32, #tpu.memory_space<vmem>> -> memref<128xi32, #tpu.memory_space<vmem>>
      %dma_start3A_720 = arith.constant 0 : i32
      %dma_start3A_721 = arith.constant 0 : i32
      %dma_start3A_722 = tpu.memref_slice %arg2[%dma_start3A_720, %dma_start3A_721] : memref<500000x128xf32, #tpu.memory_space<hbm>> -> memref<500000x128xf32, #tpu.memory_space<hbm>>
      tpu.enqueue_indirect_dma source(%dma_start3A_722 : memref<500000x128xf32, #tpu.memory_space<hbm>>) target(%arg15 : memref<128x128xf32, #tpu.memory_space<vmem>>) offsets(%dma_start3A_719 : memref<128xi32, #tpu.memory_space<vmem>>) semaphore(%arg17 : memref<!tpu.dma_semaphore, #tpu.memory_space<semaphore_mem>>)
      %dma_wait3A = arith.constant 0 : i32
      %dma_wait3A_723 = tpu.memref_slice %arg11[%while3A_716, %dma_wait3A] : memref<33x128xi32, #tpu.memory_space<vmem>> -> memref<1x128xi32, #tpu.memory_space<vmem>>
      %dma_wait3A_724 = tpu.memref_squeeze %dma_wait3A_723 : memref<1x128xi32, #tpu.memory_space<vmem>> -> memref<128xi32, #tpu.memory_space<vmem>>
      %dma_wait3A_725 = arith.constant 0 : i32
      %dma_wait3A_726 = arith.constant 0 : i32
      %dma_wait3A_727 = tpu.memref_slice %arg2[%dma_wait3A_725, %dma_wait3A_726] : memref<500000x128xf32, #tpu.memory_space<hbm>> -> memref<500000x128xf32, #tpu.memory_space<hbm>>
      tpu.wait_indirect_dma semaphore(%arg17 : memref<!tpu.dma_semaphore, #tpu.memory_space<semaphore_mem>>) src(%dma_wait3A_727 : memref<500000x128xf32, #tpu.memory_space<hbm>>) dst(%arg15 : memref<128x128xf32, #tpu.memory_space<vmem>>)
      %mul3A_728 = arith.constant 128 : i32
      %mul3A_729 = arith.muli %while3A_716, %mul3A_728 : i32
      %dma_start3A_730 = tpu.memref_slice %arg13[%mul3A_729] : memref<4224xi32, #tpu.memory_space<vmem>> -> memref<128xi32, #tpu.memory_space<vmem>>
      %dma_start3A_731 = arith.constant 0 : i32
      %dma_start3A_732 = arith.constant 0 : i32
      %dma_start3A_733 = tpu.memref_slice %arg6[%dma_start3A_731, %dma_start3A_732] : memref<16384x128xf32, #tpu.memory_space<hbm>> -> memref<16384x128xf32, #tpu.memory_space<hbm>>
      tpu.enqueue_indirect_dma source(%dma_start3A_733 : memref<16384x128xf32, #tpu.memory_space<hbm>>) target(%arg16 : memref<128x128xf32, #tpu.memory_space<vmem>>) offsets(%dma_start3A_730 : memref<128xi32, #tpu.memory_space<vmem>>) semaphore(%arg17 : memref<!tpu.dma_semaphore, #tpu.memory_space<semaphore_mem>>)
      %dma_wait3A_734 = tpu.memref_slice %arg13[%mul3A_729] : memref<4224xi32, #tpu.memory_space<vmem>> -> memref<128xi32, #tpu.memory_space<vmem>>
      %dma_wait3A_735 = arith.constant 0 : i32
      %dma_wait3A_736 = arith.constant 0 : i32
      %dma_wait3A_737 = tpu.memref_slice %arg6[%dma_wait3A_735, %dma_wait3A_736] : memref<16384x128xf32, #tpu.memory_space<hbm>> -> memref<16384x128xf32, #tpu.memory_space<hbm>>
      tpu.wait_indirect_dma semaphore(%arg17 : memref<!tpu.dma_semaphore, #tpu.memory_space<semaphore_mem>>) src(%dma_wait3A_737 : memref<16384x128xf32, #tpu.memory_space<hbm>>) dst(%arg16 : memref<128x128xf32, #tpu.memory_space<vmem>>)
      %scan3A_738 = arith.constant 0 : i32
      %scan3A_739 = arith.constant 0 : i32
      %scan3A_740 = arith.constant 128 : i32
      %scan3A_741 = arith.addi %scan3A_739, %scan3A_740 : i32
      %scan3A_742 = arith.constant 1 : i32
      %scan3A_743 = scf.for %scan3A_758 = %scan3A_739 to %scan3A_741 step %scan3A_742 iter_args(%scan3A_759 = %scan3A_738) -> (i32)  : i32 {
        %get3A_760 = arith.index_cast %scan3A_758 : i32 to index
        %get3A_761 = arith.constant 0 : index
        %get3A_762 = tpu.vector_load %arg16[%get3A_760, %get3A_761] {strides = array<i32>} : memref<128x128xf32, #tpu.memory_space<vmem>>, vector<16xf32>,
        %swap3A = arith.index_cast %scan3A_758 : i32 to index
        %swap3A_763 = arith.constant 0 : index
        %swap3A_764 = tpu.vector_load %arg15[%swap3A, %swap3A_763] {strides = array<i32>} : memref<128x128xf32, #tpu.memory_space<vmem>>, vector<16xf32>,
        tpu.vector_store %arg15[%swap3A, %swap3A_763], %get3A_762 {strides = array<i32>} : memref<128x128xf32, #tpu.memory_space<vmem>>, vector<16xf32>,
        %get3A_765 = arith.index_cast %scan3A_758 : i32 to index
        %get3A_766 = arith.constant 16 : index
        %get3A_767 = tpu.vector_load %arg16[%get3A_765, %get3A_766] {strides = array<i32>} : memref<128x128xf32, #tpu.memory_space<vmem>>, vector<16xf32>,
        %swap3A_768 = arith.index_cast %scan3A_758 : i32 to index
        %swap3A_769 = arith.constant 16 : index
        %swap3A_770 = tpu.vector_load %arg15[%swap3A_768, %swap3A_769] {strides = array<i32>} : memref<128x128xf32, #tpu.memory_space<vmem>>, vector<16xf32>,
        tpu.vector_store %arg15[%swap3A_768, %swap3A_769], %get3A_767 {strides = array<i32>} : memref<128x128xf32, #tpu.memory_space<vmem>>, vector<16xf32>,
        %get3A_771 = arith.index_cast %scan3A_758 : i32 to index
        %get3A_772 = arith.constant 32 : index
        %get3A_773 = tpu.vector_load %arg16[%get3A_771, %get3A_772] {strides = array<i32>} : memref<128x128xf32, #tpu.memory_space<vmem>>, vector<16xf32>,
        %swap3A_774 = arith.index_cast %scan3A_758 : i32 to index
        %swap3A_775 = arith.constant 32 : index
        %swap3A_776 = tpu.vector_load %arg15[%swap3A_774, %swap3A_775] {strides = array<i32>} : memref<128x128xf32, #tpu.memory_space<vmem>>, vector<16xf32>,
        tpu.vector_store %arg15[%swap3A_774, %swap3A_775], %get3A_773 {strides = array<i32>} : memref<128x128xf32, #tpu.memory_space<vmem>>, vector<16xf32>,
        %get3A_777 = arith.index_cast %scan3A_758 : i32 to index
        %get3A_778 = arith.constant 48 : index
        %get3A_779 = tpu.vector_load %arg16[%get3A_777, %get3A_778] {strides = array<i32>} : memref<128x128xf32, #tpu.memory_space<vmem>>, vector<16xf32>,
        %swap3A_780 = arith.index_cast %scan3A_758 : i32 to index
        %swap3A_781 = arith.constant 48 : index
        %swap3A_782 = tpu.vector_load %arg15[%swap3A_780, %swap3A_781] {strides = array<i32>} : memref<128x128xf32, #tpu.memory_space<vmem>>, vector<16xf32>,
        tpu.vector_store %arg15[%swap3A_780, %swap3A_781], %get3A_779 {strides = array<i32>} : memref<128x128xf32, #tpu.memory_space<vmem>>, vector<16xf32>,
        %scan3A_783 = arith.constant 0 : i32
        scf.yield %scan3A_783 : i32
      }
      %scan3A_744 = arith.constant 128 : i32
      %dma_start3A_745 = arith.constant 0 : i32
      %dma_start3A_746 = tpu.memref_slice %arg11[%while3A_716, %dma_start3A_745] : memref<33x128xi32, #tpu.memory_space<vmem>> -> memref<1x128xi32, #tpu.memory_space<vmem>>
      %dma_start3A_747 = tpu.memref_squeeze %dma_start3A_746 : memref<1x128xi32, #tpu.memory_space<vmem>> -> memref<128xi32, #tpu.memory_space<vmem>>
      %dma_start3A_748 = arith.constant 0 : i32
      %dma_start3A_749 = arith.constant 0 : i32
      %dma_start3A_750 = tpu.memref_slice %arg2[%dma_start3A_748, %dma_start3A_749] : memref<500000x128xf32, #tpu.memory_space<hbm>> -> memref<500000x128xf32, #tpu.memory_space<hbm>>
      tpu.enqueue_indirect_dma source(%arg15 : memref<128x128xf32, #tpu.memory_space<vmem>>) target(%dma_start3A_750 : memref<500000x128xf32, #tpu.memory_space<hbm>>) offsets(%dma_start3A_747 : memref<128xi32, #tpu.memory_space<vmem>>) semaphore(%arg17 : memref<!tpu.dma_semaphore, #tpu.memory_space<semaphore_mem>>)
      %dma_wait3A_751 = arith.constant 0 : i32
      %dma_wait3A_752 = tpu.memref_slice %arg11[%while3A_716, %dma_wait3A_751] : memref<33x128xi32, #tpu.memory_space<vmem>> -> memref<1x128xi32, #tpu.memory_space<vmem>>
      %dma_wait3A_753 = tpu.memref_squeeze %dma_wait3A_752 : memref<1x128xi32, #tpu.memory_space<vmem>> -> memref<128xi32, #tpu.memory_space<vmem>>
      %dma_wait3A_754 = arith.constant 0 : i32
      %dma_wait3A_755 = arith.constant 0 : i32
      %dma_wait3A_756 = tpu.memref_slice %arg2[%dma_wait3A_754, %dma_wait3A_755] : memref<500000x128xf32, #tpu.memory_space<hbm>> -> memref<500000x128xf32, #tpu.memory_space<hbm>>
      tpu.wait_indirect_dma semaphore(%arg17 : memref<!tpu.dma_semaphore, #tpu.memory_space<semaphore_mem>>) src(%arg15 : memref<128x128xf32, #tpu.memory_space<vmem>>) dst(%dma_wait3A_756 : memref<500000x128xf32, #tpu.memory_space<hbm>>)
      %while3A_757 = arith.constant 0 : i32
      scf.yield %while3A_757 : i32
    }
    %while3A_316 = arith.constant 1 : i32
    %while3A_317 = scf.for %while3A_716 = %while3A_313 to %while3A_309 step %while3A_316 iter_args(%while3A_717 = %while3A_315) -> (i32)  : i32 {
      %dma_start3A = arith.constant 0 : i32
      %dma_start3A_718 = tpu.memref_slice %arg11[%while3A_716, %dma_start3A] : memref<33x128xi32, #tpu.memory_space<vmem>> -> memref<1x128xi32, #tpu.memory_space<vmem>>
      %dma_start3A_719 = tpu.memref_squeeze %dma_start3A_718 : memref<1x128xi32, #tpu.memory_space<vmem>> -> memref<128xi32, #tpu.memory_space<vmem>>
      %dma_start3A_720 = arith.constant 0 : i32
      %dma_start3A_721 = arith.constant 0 : i32
      %dma_start3A_722 = tpu.memref_slice %arg2[%dma_start3A_720, %dma_start3A_721] : memref<500000x128xf32, #tpu.memory_space<hbm>> -> memref<500000x128xf32, #tpu.memory_space<hbm>>
      tpu.enqueue_indirect_dma source(%dma_start3A_722 : memref<500000x128xf32, #tpu.memory_space<hbm>>) target(%arg15 : memref<128x128xf32, #tpu.memory_space<vmem>>) offsets(%dma_start3A_719 : memref<128xi32, #tpu.memory_space<vmem>>) semaphore(%arg17 : memref<!tpu.dma_semaphore, #tpu.memory_space<semaphore_mem>>)
      %dma_wait3A = arith.constant 0 : i32
      %dma_wait3A_723 = tpu.memref_slice %arg11[%while3A_716, %dma_wait3A] : memref<33x128xi32, #tpu.memory_space<vmem>> -> memref<1x128xi32, #tpu.memory_space<vmem>>
      %dma_wait3A_724 = tpu.memref_squeeze %dma_wait3A_723 : memref<1x128xi32, #tpu.memory_space<vmem>> -> memref<128xi32, #tpu.memory_space<vmem>>
      %dma_wait3A_725 = arith.constant 0 : i32
      %dma_wait3A_726 = arith.constant 0 : i32
      %dma_wait3A_727 = tpu.memref_slice %arg2[%dma_wait3A_725, %dma_wait3A_726] : memref<500000x128xf32, #tpu.memory_space<hbm>> -> memref<500000x128xf32, #tpu.memory_space<hbm>>
      tpu.wait_indirect_dma semaphore(%arg17 : memref<!tpu.dma_semaphore, #tpu.memory_space<semaphore_mem>>) src(%dma_wait3A_727 : memref<500000x128xf32, #tpu.memory_space<hbm>>) dst(%arg15 : memref<128x128xf32, #tpu.memory_space<vmem>>)
      %mul3A_728 = arith.constant 128 : i32
      %mul3A_729 = arith.muli %while3A_716, %mul3A_728 : i32
      %dma_start3A_730 = tpu.memref_slice %arg13[%mul3A_729] : memref<4224xi32, #tpu.memory_space<vmem>> -> memref<128xi32, #tpu.memory_space<vmem>>
      %dma_start3A_731 = arith.constant 0 : i32
      %dma_start3A_732 = arith.constant 0 : i32
      %dma_start3A_733 = tpu.memref_slice %arg6[%dma_start3A_731, %dma_start3A_732] : memref<16384x128xf32, #tpu.memory_space<hbm>> -> memref<16384x128xf32, #tpu.memory_space<hbm>>
      tpu.enqueue_indirect_dma source(%dma_start3A_733 : memref<16384x128xf32, #tpu.memory_space<hbm>>) target(%arg16 : memref<128x128xf32, #tpu.memory_space<vmem>>) offsets(%dma_start3A_730 : memref<128xi32, #tpu.memory_space<vmem>>) semaphore(%arg17 : memref<!tpu.dma_semaphore, #tpu.memory_space<semaphore_mem>>)
      %dma_wait3A_734 = tpu.memref_slice %arg13[%mul3A_729] : memref<4224xi32, #tpu.memory_space<vmem>> -> memref<128xi32, #tpu.memory_space<vmem>>
      %dma_wait3A_735 = arith.constant 0 : i32
      %dma_wait3A_736 = arith.constant 0 : i32
      %dma_wait3A_737 = tpu.memref_slice %arg6[%dma_wait3A_735, %dma_wait3A_736] : memref<16384x128xf32, #tpu.memory_space<hbm>> -> memref<16384x128xf32, #tpu.memory_space<hbm>>
      tpu.wait_indirect_dma semaphore(%arg17 : memref<!tpu.dma_semaphore, #tpu.memory_space<semaphore_mem>>) src(%dma_wait3A_737 : memref<16384x128xf32, #tpu.memory_space<hbm>>) dst(%arg16 : memref<128x128xf32, #tpu.memory_space<vmem>>)
      %scan3A_738 = arith.constant 0 : i32
      %scan3A_739 = arith.constant 0 : i32
      %scan3A_740 = arith.constant 128 : i32
      %scan3A_741 = arith.addi %scan3A_739, %scan3A_740 : i32
      %scan3A_742 = arith.constant 1 : i32
      %scan3A_743 = scf.for %scan3A_758 = %scan3A_739 to %scan3A_741 step %scan3A_742 iter_args(%scan3A_759 = %scan3A_738) -> (i32)  : i32 {
        %get3A_760 = arith.index_cast %scan3A_758 : i32 to index
        %get3A_761 = arith.constant 0 : index
        %get3A_762 = tpu.vector_load %arg16[%get3A_760, %get3A_761] {strides = array<i32>} : memref<128x128xf32, #tpu.memory_space<vmem>>, vector<16xf32>,
        %swap3A = arith.index_cast %scan3A_758 : i32 to index
        %swap3A_763 = arith.constant 0 : index
        %swap3A_764 = tpu.vector_load %arg15[%swap3A, %swap3A_763] {strides = array<i32>} : memref<128x128xf32, #tpu.memory_space<vmem>>, vector<16xf32>,
        tpu.vector_store %arg15[%swap3A, %swap3A_763], %get3A_762 {strides = array<i32>} : memref<128x128xf32, #tpu.memory_space<vmem>>, vector<16xf32>,
        %get3A_765 = arith.index_cast %scan3A_758 : i32 to index
        %get3A_766 = arith.constant 16 : index
        %get3A_767 = tpu.vector_load %arg16[%get3A_765, %get3A_766] {strides = array<i32>} : memref<128x128xf32, #tpu.memory_space<vmem>>, vector<16xf32>,
        %swap3A_768 = arith.index_cast %scan3A_758 : i32 to index
        %swap3A_769 = arith.constant 16 : index
        %swap3A_770 = tpu.vector_load %arg15[%swap3A_768, %swap3A_769] {strides = array<i32>} : memref<128x128xf32, #tpu.memory_space<vmem>>, vector<16xf32>,
        tpu.vector_store %arg15[%swap3A_768, %swap3A_769], %get3A_767 {strides = array<i32>} : memref<128x128xf32, #tpu.memory_space<vmem>>, vector<16xf32>,
        %get3A_771 = arith.index_cast %scan3A_758 : i32 to index
        %get3A_772 = arith.constant 32 : index
        %get3A_773 = tpu.vector_load %arg16[%get3A_771, %get3A_772] {strides = array<i32>} : memref<128x128xf32, #tpu.memory_space<vmem>>, vector<16xf32>,
        %swap3A_774 = arith.index_cast %scan3A_758 : i32 to index
        %swap3A_775 = arith.constant 32 : index
        %swap3A_776 = tpu.vector_load %arg15[%swap3A_774, %swap3A_775] {strides = array<i32>} : memref<128x128xf32, #tpu.memory_space<vmem>>, vector<16xf32>,
        tpu.vector_store %arg15[%swap3A_774, %swap3A_775], %get3A_773 {strides = array<i32>} : memref<128x128xf32, #tpu.memory_space<vmem>>, vector<16xf32>,
        %get3A_777 = arith.index_cast %scan3A_758 : i32 to index
        %get3A_778 = arith.constant 48 : index
        %get3A_779 = tpu.vector_load %arg16[%get3A_777, %get3A_778] {strides = array<i32>} : memref<128x128xf32, #tpu.memory_space<vmem>>, vector<16xf32>,
        %swap3A_780 = arith.index_cast %scan3A_758 : i32 to index
        %swap3A_781 = arith.constant 48 : index
        %swap3A_782 = tpu.vector_load %arg15[%swap3A_780, %swap3A_781] {strides = array<i32>} : memref<128x128xf32, #tpu.memory_space<vmem>>, vector<16xf32>,
        tpu.vector_store %arg15[%swap3A_780, %swap3A_781], %get3A_779 {strides = array<i32>} : memref<128x128xf32, #tpu.memory_space<vmem>>, vector<16xf32>,
        %scan3A_783 = arith.constant 0 : i32
        scf.yield %scan3A_783 : i32
      }
      %scan3A_744 = arith.constant 128 : i32
      %dma_start3A_745 = arith.constant 0 : i32
      %dma_start3A_746 = tpu.memref_slice %arg11[%while3A_716, %dma_start3A_745] : memref<33x128xi32, #tpu.memory_space<vmem>> -> memref<1x128xi32, #tpu.memory_space<vmem>>
      %dma_start3A_747 = tpu.memref_squeeze %dma_start3A_746 : memref<1x128xi32, #tpu.memory_space<vmem>> -> memref<128xi32, #tpu.memory_space<vmem>>
      %dma_start3A_748 = arith.constant 0 : i32
      %dma_start3A_749 = arith.constant 0 : i32
      %dma_start3A_750 = tpu.memref_slice %arg2[%dma_start3A_748, %dma_start3A_749] : memref<500000x128xf32, #tpu.memory_space<hbm>> -> memref<500000x128xf32, #tpu.memory_space<hbm>>
      tpu.enqueue_indirect_dma source(%arg15 : memref<128x128xf32, #tpu.memory_space<vmem>>) target(%dma_start3A_750 : memref<500000x128xf32, #tpu.memory_space<hbm>>) offsets(%dma_start3A_747 : memref<128xi32, #tpu.memory_space<vmem>>) semaphore(%arg17 : memref<!tpu.dma_semaphore, #tpu.memory_space<semaphore_mem>>)
      %dma_wait3A_751 = arith.constant 0 : i32
      %dma_wait3A_752 = tpu.memref_slice %arg11[%while3A_716, %dma_wait3A_751] : memref<33x128xi32, #tpu.memory_space<vmem>> -> memref<1x128xi32, #tpu.memory_space<vmem>>
      %dma_wait3A_753 = tpu.memref_squeeze %dma_wait3A_752 : memref<1x128xi32, #tpu.memory_space<vmem>> -> memref<128xi32, #tpu.memory_space<vmem>>
      %dma_wait3A_754 = arith.constant 0 : i32
      %dma_wait3A_755 = arith.constant 0 : i32
      %dma_wait3A_756 = tpu.memref_slice %arg2[%dma_wait3A_754, %dma_wait3A_755] : memref<500000x128xf32, #tpu.memory_space<hbm>> -> memref<500000x128xf32, #tpu.memory_space<hbm>>
      tpu.wait_indirect_dma semaphore(%arg17 : memref<!tpu.dma_semaphore, #tpu.memory_space<semaphore_mem>>) src(%arg15 : memref<128x128xf32, #tpu.memory_space<vmem>>) dst(%dma_wait3A_756 : memref<500000x128xf32, #tpu.memory_space<hbm>>)
      %while3A_757 = arith.constant 0 : i32
      scf.yield %while3A_757 : i32
    }
    %jit3A_318 = arith.constant 128 : i32
    %div3A_319 = arith.divsi %mul3A_173, %jit3A_318 : i32
    %sign3A_320 = arith.constant 0 : i32
    %sign3A_321 = arith.cmpi sgt, %mul3A_173, %sign3A_320 : i32
    %sign3A_322 = arith.extui %sign3A_321 : i1 to i32
    %sign3A_323 = arith.constant 0 : i32
    %sign3A_324 = arith.cmpi slt, %mul3A_173, %sign3A_323 : i32
    %sign3A_325 = arith.extui %sign3A_324 : i1 to i32
    %sign3A_326 = arith.subi %sign3A_322, %sign3A_325 : i32
    %sign3A_327 = arith.constant 0 : i32
    %sign3A_328 = arith.cmpi sgt, %jit3A_318, %sign3A_327 : i32
    %sign3A_329 = arith.extui %sign3A_328 : i1 to i32
    %sign3A_330 = arith.constant 0 : i32
    %sign3A_331 = arith.cmpi slt, %jit3A_318, %sign3A_330 : i32
    %sign3A_332 = arith.extui %sign3A_331 : i1 to i32
    %sign3A_333 = arith.subi %sign3A_329, %sign3A_332 : i32
    %ne3A_334 = arith.cmpi ne, %sign3A_326, %sign3A_333 : i32
    %rem3A_335 = arith.remsi %mul3A_173, %jit3A_318 : i32
    %ne3A_336 = arith.constant 0 : i32
    %ne3A_337 = arith.cmpi ne, %rem3A_335, %ne3A_336 : i32
    %and3A_338 = arith.andi %ne3A_334, %ne3A_337 : i1
    %sub3A_339 = arith.constant 1 : i32
    %sub3A_340 = arith.subi %div3A_319, %sub3A_339 : i32
    %select_n3A_341 = arith.select %and3A_338, %sub3A_340, %div3A_319 : i32
    %while3A_342 = arith.constant 0 : i32
    %while3A_343 = arith.constant 0 : i32
    %while3A_344 = arith.subi %select_n3A_341, %while3A_342 : i32
    %while3A_345 = arith.addi %while3A_342, %while3A_344 : i32
    %while3A_346 = arith.constant 1 : i32
    %while3A_347 = arith.divsi %while3A_344, %while3A_346 : i32
    %while3A_348 = arith.muli %while3A_347, %while3A_346 : i32
    %while3A_349 = arith.addi %while3A_342, %while3A_348 : i32
    %while3A_350 = arith.constant 1 : i32
    %while3A_351 = scf.for %while3A_716 = %while3A_342 to %while3A_349 step %while3A_350 iter_args(%while3A_717 = %while3A_343) -> (i32)  : i32 {
      %dma_start3A = arith.constant 0 : i32
      %dma_start3A_718 = tpu.memref_slice %arg12[%while3A_716, %dma_start3A] : memref<33x128xi32, #tpu.memory_space<vmem>> -> memref<1x128xi32, #tpu.memory_space<vmem>>
      %dma_start3A_719 = tpu.memref_squeeze %dma_start3A_718 : memref<1x128xi32, #tpu.memory_space<vmem>> -> memref<128xi32, #tpu.memory_space<vmem>>
      %dma_start3A_720 = arith.constant 0 : i32
      %dma_start3A_721 = arith.constant 0 : i32
      %dma_start3A_722 = tpu.memref_slice %arg2[%dma_start3A_720, %dma_start3A_721] : memref<500000x128xf32, #tpu.memory_space<hbm>> -> memref<500000x128xf32, #tpu.memory_space<hbm>>
      tpu.enqueue_indirect_dma source(%dma_start3A_722 : memref<500000x128xf32, #tpu.memory_space<hbm>>) target(%arg15 : memref<128x128xf32, #tpu.memory_space<vmem>>) offsets(%dma_start3A_719 : memref<128xi32, #tpu.memory_space<vmem>>) semaphore(%arg17 : memref<!tpu.dma_semaphore, #tpu.memory_space<semaphore_mem>>)
      %dma_wait3A = arith.constant 0 : i32
      %dma_wait3A_723 = tpu.memref_slice %arg12[%while3A_716, %dma_wait3A] : memref<33x128xi32, #tpu.memory_space<vmem>> -> memref<1x128xi32, #tpu.memory_space<vmem>>
      %dma_wait3A_724 = tpu.memref_squeeze %dma_wait3A_723 : memref<1x128xi32, #tpu.memory_space<vmem>> -> memref<128xi32, #tpu.memory_space<vmem>>
      %dma_wait3A_725 = arith.constant 0 : i32
      %dma_wait3A_726 = arith.constant 0 : i32
      %dma_wait3A_727 = tpu.memref_slice %arg2[%dma_wait3A_725, %dma_wait3A_726] : memref<500000x128xf32, #tpu.memory_space<hbm>> -> memref<500000x128xf32, #tpu.memory_space<hbm>>
      tpu.wait_indirect_dma semaphore(%arg17 : memref<!tpu.dma_semaphore, #tpu.memory_space<semaphore_mem>>) src(%dma_wait3A_727 : memref<500000x128xf32, #tpu.memory_space<hbm>>) dst(%arg15 : memref<128x128xf32, #tpu.memory_space<vmem>>)
      %mul3A_728 = arith.constant 128 : i32
      %mul3A_729 = arith.muli %while3A_716, %mul3A_728 : i32
      %dma_start3A_730 = tpu.memref_slice %arg14[%mul3A_729] : memref<4224xi32, #tpu.memory_space<vmem>> -> memref<128xi32, #tpu.memory_space<vmem>>
      %dma_start3A_731 = arith.constant 0 : i32
      %dma_start3A_732 = arith.constant 0 : i32
      %dma_start3A_733 = tpu.memref_slice %arg6[%dma_start3A_731, %dma_start3A_732] : memref<16384x128xf32, #tpu.memory_space<hbm>> -> memref<16384x128xf32, #tpu.memory_space<hbm>>
      tpu.enqueue_indirect_dma source(%dma_start3A_733 : memref<16384x128xf32, #tpu.memory_space<hbm>>) target(%arg16 : memref<128x128xf32, #tpu.memory_space<vmem>>) offsets(%dma_start3A_730 : memref<128xi32, #tpu.memory_space<vmem>>) semaphore(%arg17 : memref<!tpu.dma_semaphore, #tpu.memory_space<semaphore_mem>>)
      %dma_wait3A_734 = tpu.memref_slice %arg14[%mul3A_729] : memref<4224xi32, #tpu.memory_space<vmem>> -> memref<128xi32, #tpu.memory_space<vmem>>
      %dma_wait3A_735 = arith.constant 0 : i32
      %dma_wait3A_736 = arith.constant 0 : i32
      %dma_wait3A_737 = tpu.memref_slice %arg6[%dma_wait3A_735, %dma_wait3A_736] : memref<16384x128xf32, #tpu.memory_space<hbm>> -> memref<16384x128xf32, #tpu.memory_space<hbm>>
      tpu.wait_indirect_dma semaphore(%arg17 : memref<!tpu.dma_semaphore, #tpu.memory_space<semaphore_mem>>) src(%dma_wait3A_737 : memref<16384x128xf32, #tpu.memory_space<hbm>>) dst(%arg16 : memref<128x128xf32, #tpu.memory_space<vmem>>)
      %scan3A_738 = arith.constant 0 : i32
      %scan3A_739 = arith.constant 0 : i32
      %scan3A_740 = arith.constant 128 : i32
      %scan3A_741 = arith.addi %scan3A_739, %scan3A_740 : i32
      %scan3A_742 = arith.constant 1 : i32
      %scan3A_743 = scf.for %scan3A_758 = %scan3A_739 to %scan3A_741 step %scan3A_742 iter_args(%scan3A_759 = %scan3A_738) -> (i32)  : i32 {
        %get3A_760 = arith.index_cast %scan3A_758 : i32 to index
        %get3A_761 = arith.constant 0 : index
        %get3A_762 = tpu.vector_load %arg16[%get3A_760, %get3A_761] {strides = array<i32>} : memref<128x128xf32, #tpu.memory_space<vmem>>, vector<16xf32>,
        %swap3A = arith.index_cast %scan3A_758 : i32 to index
        %swap3A_763 = arith.constant 64 : index
        %swap3A_764 = tpu.vector_load %arg15[%swap3A, %swap3A_763] {strides = array<i32>} : memref<128x128xf32, #tpu.memory_space<vmem>>, vector<16xf32>,
        tpu.vector_store %arg15[%swap3A, %swap3A_763], %get3A_762 {strides = array<i32>} : memref<128x128xf32, #tpu.memory_space<vmem>>, vector<16xf32>,
        %get3A_765 = arith.index_cast %scan3A_758 : i32 to index
        %get3A_766 = arith.constant 16 : index
        %get3A_767 = tpu.vector_load %arg16[%get3A_765, %get3A_766] {strides = array<i32>} : memref<128x128xf32, #tpu.memory_space<vmem>>, vector<16xf32>,
        %swap3A_768 = arith.index_cast %scan3A_758 : i32 to index
        %swap3A_769 = arith.constant 80 : index
        %swap3A_770 = tpu.vector_load %arg15[%swap3A_768, %swap3A_769] {strides = array<i32>} : memref<128x128xf32, #tpu.memory_space<vmem>>, vector<16xf32>,
        tpu.vector_store %arg15[%swap3A_768, %swap3A_769], %get3A_767 {strides = array<i32>} : memref<128x128xf32, #tpu.memory_space<vmem>>, vector<16xf32>,
        %get3A_771 = arith.index_cast %scan3A_758 : i32 to index
        %get3A_772 = arith.constant 32 : index
        %get3A_773 = tpu.vector_load %arg16[%get3A_771, %get3A_772] {strides = array<i32>} : memref<128x128xf32, #tpu.memory_space<vmem>>, vector<16xf32>,
        %swap3A_774 = arith.index_cast %scan3A_758 : i32 to index
        %swap3A_775 = arith.constant 96 : index
        %swap3A_776 = tpu.vector_load %arg15[%swap3A_774, %swap3A_775] {strides = array<i32>} : memref<128x128xf32, #tpu.memory_space<vmem>>, vector<16xf32>,
        tpu.vector_store %arg15[%swap3A_774, %swap3A_775], %get3A_773 {strides = array<i32>} : memref<128x128xf32, #tpu.memory_space<vmem>>, vector<16xf32>,
        %get3A_777 = arith.index_cast %scan3A_758 : i32 to index
        %get3A_778 = arith.constant 48 : index
        %get3A_779 = tpu.vector_load %arg16[%get3A_777, %get3A_778] {strides = array<i32>} : memref<128x128xf32, #tpu.memory_space<vmem>>, vector<16xf32>,
        %swap3A_780 = arith.index_cast %scan3A_758 : i32 to index
        %swap3A_781 = arith.constant 112 : index
        %swap3A_782 = tpu.vector_load %arg15[%swap3A_780, %swap3A_781] {strides = array<i32>} : memref<128x128xf32, #tpu.memory_space<vmem>>, vector<16xf32>,
        tpu.vector_store %arg15[%swap3A_780, %swap3A_781], %get3A_779 {strides = array<i32>} : memref<128x128xf32, #tpu.memory_space<vmem>>, vector<16xf32>,
        %scan3A_783 = arith.constant 0 : i32
        scf.yield %scan3A_783 : i32
      }
      %scan3A_744 = arith.constant 128 : i32
      %dma_start3A_745 = arith.constant 0 : i32
      %dma_start3A_746 = tpu.memref_slice %arg12[%while3A_716, %dma_start3A_745] : memref<33x128xi32, #tpu.memory_space<vmem>> -> memref<1x128xi32, #tpu.memory_space<vmem>>
      %dma_start3A_747 = tpu.memref_squeeze %dma_start3A_746 : memref<1x128xi32, #tpu.memory_space<vmem>> -> memref<128xi32, #tpu.memory_space<vmem>>
      %dma_start3A_748 = arith.constant 0 : i32
      %dma_start3A_749 = arith.constant 0 : i32
      %dma_start3A_750 = tpu.memref_slice %arg2[%dma_start3A_748, %dma_start3A_749] : memref<500000x128xf32, #tpu.memory_space<hbm>> -> memref<500000x128xf32, #tpu.memory_space<hbm>>
      tpu.enqueue_indirect_dma source(%arg15 : memref<128x128xf32, #tpu.memory_space<vmem>>) target(%dma_start3A_750 : memref<500000x128xf32, #tpu.memory_space<hbm>>) offsets(%dma_start3A_747 : memref<128xi32, #tpu.memory_space<vmem>>) semaphore(%arg17 : memref<!tpu.dma_semaphore, #tpu.memory_space<semaphore_mem>>)
      %dma_wait3A_751 = arith.constant 0 : i32
      %dma_wait3A_752 = tpu.memref_slice %arg12[%while3A_716, %dma_wait3A_751] : memref<33x128xi32, #tpu.memory_space<vmem>> -> memref<1x128xi32, #tpu.memory_space<vmem>>
      %dma_wait3A_753 = tpu.memref_squeeze %dma_wait3A_752 : memref<1x128xi32, #tpu.memory_space<vmem>> -> memref<128xi32, #tpu.memory_space<vmem>>
      %dma_wait3A_754 = arith.constant 0 : i32
      %dma_wait3A_755 = arith.constant 0 : i32
      %dma_wait3A_756 = tpu.memref_slice %arg2[%dma_wait3A_754, %dma_wait3A_755] : memref<500000x128xf32, #tpu.memory_space<hbm>> -> memref<500000x128xf32, #tpu.memory_space<hbm>>
      tpu.wait_indirect_dma semaphore(%arg17 : memref<!tpu.dma_semaphore, #tpu.memory_space<semaphore_mem>>) src(%arg15 : memref<128x128xf32, #tpu.memory_space<vmem>>) dst(%dma_wait3A_756 : memref<500000x128xf32, #tpu.memory_space<hbm>>)
      %while3A_757 = arith.constant 0 : i32
      scf.yield %while3A_757 : i32
    }
    %while3A_352 = arith.constant 1 : i32
    %while3A_353 = scf.for %while3A_716 = %while3A_349 to %while3A_345 step %while3A_352 iter_args(%while3A_717 = %while3A_351) -> (i32)  : i32 {
      %dma_start3A = arith.constant 0 : i32
      %dma_start3A_718 = tpu.memref_slice %arg12[%while3A_716, %dma_start3A] : memref<33x128xi32, #tpu.memory_space<vmem>> -> memref<1x128xi32, #tpu.memory_space<vmem>>
      %dma_start3A_719 = tpu.memref_squeeze %dma_start3A_718 : memref<1x128xi32, #tpu.memory_space<vmem>> -> memref<128xi32, #tpu.memory_space<vmem>>
      %dma_start3A_720 = arith.constant 0 : i32
      %dma_start3A_721 = arith.constant 0 : i32
      %dma_start3A_722 = tpu.memref_slice %arg2[%dma_start3A_720, %dma_start3A_721] : memref<500000x128xf32, #tpu.memory_space<hbm>> -> memref<500000x128xf32, #tpu.memory_space<hbm>>
      tpu.enqueue_indirect_dma source(%dma_start3A_722 : memref<500000x128xf32, #tpu.memory_space<hbm>>) target(%arg15 : memref<128x128xf32, #tpu.memory_space<vmem>>) offsets(%dma_start3A_719 : memref<128xi32, #tpu.memory_space<vmem>>) semaphore(%arg17 : memref<!tpu.dma_semaphore, #tpu.memory_space<semaphore_mem>>)
      %dma_wait3A = arith.constant 0 : i32
      %dma_wait3A_723 = tpu.memref_slice %arg12[%while3A_716, %dma_wait3A] : memref<33x128xi32, #tpu.memory_space<vmem>> -> memref<1x128xi32, #tpu.memory_space<vmem>>
      %dma_wait3A_724 = tpu.memref_squeeze %dma_wait3A_723 : memref<1x128xi32, #tpu.memory_space<vmem>> -> memref<128xi32, #tpu.memory_space<vmem>>
      %dma_wait3A_725 = arith.constant 0 : i32
      %dma_wait3A_726 = arith.constant 0 : i32
      %dma_wait3A_727 = tpu.memref_slice %arg2[%dma_wait3A_725, %dma_wait3A_726] : memref<500000x128xf32, #tpu.memory_space<hbm>> -> memref<500000x128xf32, #tpu.memory_space<hbm>>
      tpu.wait_indirect_dma semaphore(%arg17 : memref<!tpu.dma_semaphore, #tpu.memory_space<semaphore_mem>>) src(%dma_wait3A_727 : memref<500000x128xf32, #tpu.memory_space<hbm>>) dst(%arg15 : memref<128x128xf32, #tpu.memory_space<vmem>>)
      %mul3A_728 = arith.constant 128 : i32
      %mul3A_729 = arith.muli %while3A_716, %mul3A_728 : i32
      %dma_start3A_730 = tpu.memref_slice %arg14[%mul3A_729] : memref<4224xi32, #tpu.memory_space<vmem>> -> memref<128xi32, #tpu.memory_space<vmem>>
      %dma_start3A_731 = arith.constant 0 : i32
      %dma_start3A_732 = arith.constant 0 : i32
      %dma_start3A_733 = tpu.memref_slice %arg6[%dma_start3A_731, %dma_start3A_732] : memref<16384x128xf32, #tpu.memory_space<hbm>> -> memref<16384x128xf32, #tpu.memory_space<hbm>>
      tpu.enqueue_indirect_dma source(%dma_start3A_733 : memref<16384x128xf32, #tpu.memory_space<hbm>>) target(%arg16 : memref<128x128xf32, #tpu.memory_space<vmem>>) offsets(%dma_start3A_730 : memref<128xi32, #tpu.memory_space<vmem>>) semaphore(%arg17 : memref<!tpu.dma_semaphore, #tpu.memory_space<semaphore_mem>>)
      %dma_wait3A_734 = tpu.memref_slice %arg14[%mul3A_729] : memref<4224xi32, #tpu.memory_space<vmem>> -> memref<128xi32, #tpu.memory_space<vmem>>
      %dma_wait3A_735 = arith.constant 0 : i32
      %dma_wait3A_736 = arith.constant 0 : i32
      %dma_wait3A_737 = tpu.memref_slice %arg6[%dma_wait3A_735, %dma_wait3A_736] : memref<16384x128xf32, #tpu.memory_space<hbm>> -> memref<16384x128xf32, #tpu.memory_space<hbm>>
      tpu.wait_indirect_dma semaphore(%arg17 : memref<!tpu.dma_semaphore, #tpu.memory_space<semaphore_mem>>) src(%dma_wait3A_737 : memref<16384x128xf32, #tpu.memory_space<hbm>>) dst(%arg16 : memref<128x128xf32, #tpu.memory_space<vmem>>)
      %scan3A_738 = arith.constant 0 : i32
      %scan3A_739 = arith.constant 0 : i32
      %scan3A_740 = arith.constant 128 : i32
      %scan3A_741 = arith.addi %scan3A_739, %scan3A_740 : i32
      %scan3A_742 = arith.constant 1 : i32
      %scan3A_743 = scf.for %scan3A_758 = %scan3A_739 to %scan3A_741 step %scan3A_742 iter_args(%scan3A_759 = %scan3A_738) -> (i32)  : i32 {
        %get3A_760 = arith.index_cast %scan3A_758 : i32 to index
        %get3A_761 = arith.constant 0 : index
        %get3A_762 = tpu.vector_load %arg16[%get3A_760, %get3A_761] {strides = array<i32>} : memref<128x128xf32, #tpu.memory_space<vmem>>, vector<16xf32>,
        %swap3A = arith.index_cast %scan3A_758 : i32 to index
        %swap3A_763 = arith.constant 64 : index
        %swap3A_764 = tpu.vector_load %arg15[%swap3A, %swap3A_763] {strides = array<i32>} : memref<128x128xf32, #tpu.memory_space<vmem>>, vector<16xf32>,
        tpu.vector_store %arg15[%swap3A, %swap3A_763], %get3A_762 {strides = array<i32>} : memref<128x128xf32, #tpu.memory_space<vmem>>, vector<16xf32>,
        %get3A_765 = arith.index_cast %scan3A_758 : i32 to index
        %get3A_766 = arith.constant 16 : index
        %get3A_767 = tpu.vector_load %arg16[%get3A_765, %get3A_766] {strides = array<i32>} : memref<128x128xf32, #tpu.memory_space<vmem>>, vector<16xf32>,
        %swap3A_768 = arith.index_cast %scan3A_758 : i32 to index
        %swap3A_769 = arith.constant 80 : index
        %swap3A_770 = tpu.vector_load %arg15[%swap3A_768, %swap3A_769] {strides = array<i32>} : memref<128x128xf32, #tpu.memory_space<vmem>>, vector<16xf32>,
        tpu.vector_store %arg15[%swap3A_768, %swap3A_769], %get3A_767 {strides = array<i32>} : memref<128x128xf32, #tpu.memory_space<vmem>>, vector<16xf32>,
        %get3A_771 = arith.index_cast %scan3A_758 : i32 to index
        %get3A_772 = arith.constant 32 : index
        %get3A_773 = tpu.vector_load %arg16[%get3A_771, %get3A_772] {strides = array<i32>} : memref<128x128xf32, #tpu.memory_space<vmem>>, vector<16xf32>,
        %swap3A_774 = arith.index_cast %scan3A_758 : i32 to index
        %swap3A_775 = arith.constant 96 : index
        %swap3A_776 = tpu.vector_load %arg15[%swap3A_774, %swap3A_775] {strides = array<i32>} : memref<128x128xf32, #tpu.memory_space<vmem>>, vector<16xf32>,
        tpu.vector_store %arg15[%swap3A_774, %swap3A_775], %get3A_773 {strides = array<i32>} : memref<128x128xf32, #tpu.memory_space<vmem>>, vector<16xf32>,
        %get3A_777 = arith.index_cast %scan3A_758 : i32 to index
        %get3A_778 = arith.constant 48 : index
        %get3A_779 = tpu.vector_load %arg16[%get3A_777, %get3A_778] {strides = array<i32>} : memref<128x128xf32, #tpu.memory_space<vmem>>, vector<16xf32>,
        %swap3A_780 = arith.index_cast %scan3A_758 : i32 to index
        %swap3A_781 = arith.constant 112 : index
        %swap3A_782 = tpu.vector_load %arg15[%swap3A_780, %swap3A_781] {strides = array<i32>} : memref<128x128xf32, #tpu.memory_space<vmem>>, vector<16xf32>,
        tpu.vector_store %arg15[%swap3A_780, %swap3A_781], %get3A_779 {strides = array<i32>} : memref<128x128xf32, #tpu.memory_space<vmem>>, vector<16xf32>,
        %scan3A_783 = arith.constant 0 : i32
        scf.yield %scan3A_783 : i32
      }
      %scan3A_744 = arith.constant 128 : i32
      %dma_start3A_745 = arith.constant 0 : i32
      %dma_start3A_746 = tpu.memref_slice %arg12[%while3A_716, %dma_start3A_745] : memref<33x128xi32, #tpu.memory_space<vmem>> -> memref<1x128xi32, #tpu.memory_space<vmem>>
      %dma_start3A_747 = tpu.memref_squeeze %dma_start3A_746 : memref<1x128xi32, #tpu.memory_space<vmem>> -> memref<128xi32, #tpu.memory_space<vmem>>
      %dma_start3A_748 = arith.constant 0 : i32
      %dma_start3A_749 = arith.constant 0 : i32
      %dma_start3A_750 = tpu.memref_slice %arg2[%dma_start3A_748, %dma_start3A_749] : memref<500000x128xf32, #tpu.memory_space<hbm>> -> memref<500000x128xf32, #tpu.memory_space<hbm>>
      tpu.enqueue_indirect_dma source(%arg15 : memref<128x128xf32, #tpu.memory_space<vmem>>) target(%dma_start3A_750 : memref<500000x128xf32, #tpu.memory_space<hbm>>) offsets(%dma_start3A_747 : memref<128xi32, #tpu.memory_space<vmem>>) semaphore(%arg17 : memref<!tpu.dma_semaphore, #tpu.memory_space<semaphore_mem>>)
      %dma_wait3A_751 = arith.constant 0 : i32
      %dma_wait3A_752 = tpu.memref_slice %arg12[%while3A_716, %dma_wait3A_751] : memref<33x128xi32, #tpu.memory_space<vmem>> -> memref<1x128xi32, #tpu.memory_space<vmem>>
      %dma_wait3A_753 = tpu.memref_squeeze %dma_wait3A_752 : memref<1x128xi32, #tpu.memory_space<vmem>> -> memref<128xi32, #tpu.memory_space<vmem>>
      %dma_wait3A_754 = arith.constant 0 : i32
      %dma_wait3A_755 = arith.constant 0 : i32
      %dma_wait3A_756 = tpu.memref_slice %arg2[%dma_wait3A_754, %dma_wait3A_755] : memref<500000x128xf32, #tpu.memory_space<hbm>> -> memref<500000x128xf32, #tpu.memory_space<hbm>>
      tpu.wait_indirect_dma semaphore(%arg17 : memref<!tpu.dma_semaphore, #tpu.memory_space<semaphore_mem>>) src(%arg15 : memref<128x128xf32, #tpu.memory_space<vmem>>) dst(%dma_wait3A_756 : memref<500000x128xf32, #tpu.memory_space<hbm>>)
      %while3A_757 = arith.constant 0 : i32
      scf.yield %while3A_757 : i32
    }
    "tpu.region"() ({
      %run_scoped3A = tpu.sem_alloc : memref<!tpu.dma_semaphore, #tpu.memory_space<semaphore_mem>>
      tpu.enqueue_dma source(%arg5 : memref<16384xi32, #tpu.memory_space<hbm>>) target(%arg10 : memref<16384xi32, #tpu.memory_space<vmem>>) target_semaphore(%run_scoped3A : memref<!tpu.dma_semaphore, #tpu.memory_space<semaphore_mem>>)
      tpu.wait_dma2 semaphore(%run_scoped3A : memref<!tpu.dma_semaphore, #tpu.memory_space<semaphore_mem>>) src(%arg5 : memref<16384xi32, #tpu.memory_space<hbm>>) dst(%arg10 : memref<16384xi32, #tpu.memory_space<vmem>>)
      tpu.yield
    }) : () -> ()
    %broadcast_in_dim3A_354 = arith.constant 0 : i32
    %broadcast_in_dim3A_355 = vector.broadcast %broadcast_in_dim3A_354 : i32 to vector<16xi32>
    %scan3A_356 = arith.constant 1 : i32
    %scan3A_357 = arith.constant 0 : i32
    %scan3A_358 = arith.constant 0 : i32
    %scan3A_359 = arith.constant 1024 : i32
    %scan3A_360 = arith.addi %scan3A_358, %scan3A_359 : i32
    %scan3A_361 = arith.constant 1 : i32
    %scan3A_362:2 = scf.for %scan3A_716 = %scan3A_358 to %scan3A_360 step %scan3A_361 iter_args(%scan3A_717 = %broadcast_in_dim3A_355, %scan3A_718 = %broadcast_in_dim3A_355) -> (vector<16xi32>, vector<16xi32>)  : i32 {
      %mul3A_719 = arith.constant 16 : i32
      %mul3A_720 = arith.muli %scan3A_716, %mul3A_719 : i32
      %get3A_721 = arith.index_cast %mul3A_720 : i32 to index
      %get3A_722 = tpu.vector_load %arg10[%get3A_721] {strides = array<i32>} : memref<16384xi32, #tpu.memory_space<vmem>>, vector<16xi32>,
      %mul3A_723 = arith.constant 16 : i32
      %mul3A_724 = arith.muli %scan3A_716, %mul3A_723 : i32
      %add3A_725 = vector.broadcast %mul3A_724 : i32 to vector<16xi32>
      %add3A_726 = arith.addi %add3A_725, %iota3A : vector<16xi32>
      %ge3A = vector.broadcast %mul3A_4 : i32 to vector<16xi32>
      %ge3A_727 = arith.cmpi sge, %get3A_722, %ge3A : vector<16xi32>
      %lt3A = vector.broadcast %select_n3A : i32 to vector<16xi32>
      %lt3A_728 = arith.cmpi slt, %get3A_722, %lt3A : vector<16xi32>
      %and3A_729 = arith.andi %ge3A_727, %lt3A_728 : vector<16xi1>
      %shift_right_arithmetic3A_730 = arith.constant 1 : i32
      %shift_right_arithmetic3A_731 = vector.broadcast %shift_right_arithmetic3A_730 : i32 to vector<16xi32>
      %shift_right_arithmetic3A_732 = arith.shrsi %get3A_722, %shift_right_arithmetic3A_731 : vector<16xi32>
      %and3A_733 = arith.constant 1 : i32
      %and3A_734 = vector.broadcast %and3A_733 : i32 to vector<16xi32>
      %and3A_735 = arith.andi %get3A_722, %and3A_734 : vector<16xi32>
      %eq3A_736 = arith.constant 1 : i32
      %eq3A_737 = vector.broadcast %eq3A_736 : i32 to vector<16xi32>
      %eq3A_738 = arith.cmpi eq, %and3A_735, %eq3A_737 : vector<16xi32>
      %not3A = arith.constant dense<true> : vector<16xi1>
      %not3A_739 = arith.xori %eq3A_738, %not3A : vector<16xi1>
      %and3A_740 = arith.andi %and3A_729, %not3A_739 : vector<16xi1>
      %and3A_741 = arith.andi %and3A_729, %eq3A_738 : vector<16xi1>
      %broadcast_in_dim3A_742 = vector.broadcast %scan3A_356 : i32 to vector<16xi32>
      %broadcast_in_dim3A_743 = vector.broadcast %scan3A_357 : i32 to vector<16xi32>
      %select_n3A_744 = arith.select %and3A_740, %broadcast_in_dim3A_742, %broadcast_in_dim3A_743 : vector<16xi1>, vector<16xi32>
      %broadcast_in_dim3A_745 = arith.constant true
      %broadcast_in_dim3A_746 = vector.broadcast %broadcast_in_dim3A_745 : i1 to vector<16xi1>
      %masked_cumsum3A = tpu.scan <sum>, %select_n3A_744 masked %broadcast_in_dim3A_746 : vector<16xi32>, vector<16xi1> -> vector<16xi32>
      %add3A_747 = arith.addi %scan3A_717, %masked_cumsum3A : vector<16xi32>
      %sub3A_748 = arith.constant 1 : i32
      %sub3A_749 = vector.broadcast %sub3A_748 : i32 to vector<16xi32>
      %sub3A_750 = arith.subi %add3A_747, %sub3A_749 : vector<16xi32>
      %max3A_751 = arith.constant 0 : i32
      %max3A_752 = vector.broadcast %max3A_751 : i32 to vector<16xi32>
      %max3A_753 = arith.maxsi %sub3A_750, %max3A_752 : vector<16xi32>
      %shift_right_arithmetic3A_754 = arith.constant 7 : i32
      %shift_right_arithmetic3A_755 = vector.broadcast %shift_right_arithmetic3A_754 : i32 to vector<16xi32>
      %shift_right_arithmetic3A_756 = arith.shrsi %max3A_753, %shift_right_arithmetic3A_755 : vector<16xi32>
      %and3A_757 = arith.constant 127 : i32
      %and3A_758 = vector.broadcast %and3A_757 : i32 to vector<16xi32>
      %and3A_759 = arith.andi %max3A_753, %and3A_758 : vector<16xi32>
      tpu.vector_store_idx %arg11[%shift_right_arithmetic3A_756, %and3A_759], %shift_right_arithmetic3A_732 masked %and3A_740 : memref<33x128xi32, #tpu.memory_space<vmem>>[vector<16xi32>, vector<16xi32>], vector<16xi32>, vector<16xi1>
      tpu.vector_store_idx %arg13[%max3A_753], %add3A_726 masked %and3A_740 : memref<4224xi32, #tpu.memory_space<vmem>>[vector<16xi32>], vector<16xi32>, vector<16xi1>
      %broadcast_in_dim3A_760 = vector.broadcast %scan3A_356 : i32 to vector<16xi32>
      %broadcast_in_dim3A_761 = vector.broadcast %scan3A_357 : i32 to vector<16xi32>
      %select_n3A_762 = arith.select %and3A_741, %broadcast_in_dim3A_760, %broadcast_in_dim3A_761 : vector<16xi1>, vector<16xi32>
      %broadcast_in_dim3A_763 = arith.constant true
      %broadcast_in_dim3A_764 = vector.broadcast %broadcast_in_dim3A_763 : i1 to vector<16xi1>
      %masked_cumsum3A_765 = tpu.scan <sum>, %select_n3A_762 masked %broadcast_in_dim3A_764 : vector<16xi32>, vector<16xi1> -> vector<16xi32>
      %add3A_766 = arith.addi %scan3A_718, %masked_cumsum3A_765 : vector<16xi32>
      %sub3A_767 = arith.constant 1 : i32
      %sub3A_768 = vector.broadcast %sub3A_767 : i32 to vector<16xi32>
      %sub3A_769 = arith.subi %add3A_766, %sub3A_768 : vector<16xi32>
      %max3A_770 = arith.constant 0 : i32
      %max3A_771 = vector.broadcast %max3A_770 : i32 to vector<16xi32>
      %max3A_772 = arith.maxsi %sub3A_769, %max3A_771 : vector<16xi32>
      %shift_right_arithmetic3A_773 = arith.constant 7 : i32
      %shift_right_arithmetic3A_774 = vector.broadcast %shift_right_arithmetic3A_773 : i32 to vector<16xi32>
      %shift_right_arithmetic3A_775 = arith.shrsi %max3A_772, %shift_right_arithmetic3A_774 : vector<16xi32>
      %and3A_776 = arith.constant 127 : i32
      %and3A_777 = vector.broadcast %and3A_776 : i32 to vector<16xi32>
      %and3A_778 = arith.andi %max3A_772, %and3A_777 : vector<16xi32>
      tpu.vector_store_idx %arg12[%shift_right_arithmetic3A_775, %and3A_778], %shift_right_arithmetic3A_732 masked %and3A_741 : memref<33x128xi32, #tpu.memory_space<vmem>>[vector<16xi32>, vector<16xi32>], vector<16xi32>, vector<16xi1>
      tpu.vector_store_idx %arg14[%max3A_772], %add3A_726 masked %and3A_741 : memref<4224xi32, #tpu.memory_space<vmem>>[vector<16xi32>], vector<16xi32>, vector<16xi1>
      %all_reduce_population_count3A = tpu.all_reduce %and3A_740 {dim = 0 : i64, kind = #tpu.reduction_kind<sum>} : vector<16xi1> -> vector<16xi32>
      %add3A_779 = arith.addi %scan3A_717, %all_reduce_population_count3A : vector<16xi32>
      %all_reduce_population_count3A_780 = tpu.all_reduce %and3A_741 {dim = 0 : i64, kind = #tpu.reduction_kind<sum>} : vector<16xi1> -> vector<16xi32>
      %add3A_781 = arith.addi %scan3A_718, %all_reduce_population_count3A_780 : vector<16xi32>
      scf.yield %add3A_779, %add3A_781 : vector<16xi32>, vector<16xi32>
    }
    %scan3A_363 = arith.constant 1024 : i32
    %slice3A_364 = vector.extract_strided_slice %scan3A_362#0 {offsets = [15], sizes = [1], strides = [1]} : vector<16xi32> to vector<1xi32>
    %squeeze3A_365 = vector.extract %slice3A_364[0] : i32 from vector<1xi32>
    %add3A_366 = arith.constant 128 : i32
    %add3A_367 = arith.addi %squeeze3A_365, %add3A_366 : i32
    %sub3A_368 = arith.constant 1 : i32
    %sub3A_369 = arith.subi %add3A_367, %sub3A_368 : i32
    %jit3A_370 = arith.constant 128 : i32
    %div3A_371 = arith.divsi %sub3A_369, %jit3A_370 : i32
    %sign3A_372 = arith.constant 0 : i32
    %sign3A_373 = arith.cmpi sgt, %sub3A_369, %sign3A_372 : i32
    %sign3A_374 = arith.extui %sign3A_373 : i1 to i32
    %sign3A_375 = arith.constant 0 : i32
    %sign3A_376 = arith.cmpi slt, %sub3A_369, %sign3A_375 : i32
    %sign3A_377 = arith.extui %sign3A_376 : i1 to i32
    %sign3A_378 = arith.subi %sign3A_374, %sign3A_377 : i32
    %sign3A_379 = arith.constant 0 : i32
    %sign3A_380 = arith.cmpi sgt, %jit3A_370, %sign3A_379 : i32
    %sign3A_381 = arith.extui %sign3A_380 : i1 to i32
    %sign3A_382 = arith.constant 0 : i32
    %sign3A_383 = arith.cmpi slt, %jit3A_370, %sign3A_382 : i32
    %sign3A_384 = arith.extui %sign3A_383 : i1 to i32
    %sign3A_385 = arith.subi %sign3A_381, %sign3A_384 : i32
    %ne3A_386 = arith.cmpi ne, %sign3A_378, %sign3A_385 : i32
    %rem3A_387 = arith.remsi %sub3A_369, %jit3A_370 : i32
    %ne3A_388 = arith.constant 0 : i32
    %ne3A_389 = arith.cmpi ne, %rem3A_387, %ne3A_388 : i32
    %and3A_390 = arith.andi %ne3A_386, %ne3A_389 : i1
    %sub3A_391 = arith.constant 1 : i32
    %sub3A_392 = arith.subi %div3A_371, %sub3A_391 : i32
    %select_n3A_393 = arith.select %and3A_390, %sub3A_392, %div3A_371 : i32
    %mul3A_394 = arith.constant 128 : i32
    %mul3A_395 = arith.muli %select_n3A_393, %mul3A_394 : i32
    %sub3A_396 = arith.constant 1 : i32
    %sub3A_397 = arith.subi %squeeze3A_365, %sub3A_396 : i32
    %max3A_398 = arith.constant 0 : i32
    %max3A_399 = arith.maxsi %sub3A_397, %max3A_398 : i32
    %shift_right_arithmetic3A_400 = arith.constant 7 : i32
    %shift_right_arithmetic3A_401 = arith.shrsi %max3A_399, %shift_right_arithmetic3A_400 : i32
    %and3A_402 = arith.constant 127 : i32
    %and3A_403 = arith.andi %max3A_399, %and3A_402 : i32
    %and3A_404 = arith.constant -16 : i32
    %and3A_405 = arith.andi %and3A_403, %and3A_404 : i32
    %get3A_406 = arith.index_cast %shift_right_arithmetic3A_401 : i32 to index
    %get3A_407 = arith.index_cast %and3A_405 : i32 to index
    %get3A_408 = tpu.vector_load %arg11[%get3A_406, %get3A_407] {strides = array<i32>} : memref<33x128xi32, #tpu.memory_space<vmem>>, vector<16xi32>,
    %and3A_409 = arith.constant -16 : i32
    %and3A_410 = arith.andi %max3A_399, %and3A_409 : i32
    %get3A_411 = arith.index_cast %and3A_410 : i32 to index
    %get3A_412 = tpu.vector_load %arg13[%get3A_411] {strides = array<i32>} : memref<4224xi32, #tpu.memory_space<vmem>>, vector<16xi32>,
    %and3A_413 = arith.constant 15 : i32
    %and3A_414 = arith.andi %max3A_399, %and3A_413 : i32
    %eq3A_415 = vector.broadcast %and3A_414 : i32 to vector<16xi32>
    %eq3A_416 = arith.cmpi eq, %iota3A, %eq3A_415 : vector<16xi32>
    %jit3A_417 = arith.constant -1 : i32
    %broadcast_in_dim3A_418 = vector.broadcast %jit3A_417 : i32 to vector<16xi32>
    %select_n3A_419 = arith.select %eq3A_416, %get3A_408, %broadcast_in_dim3A_418 : vector<16xi1>, vector<16xi32>
    %broadcast_in_dim3A_420 = arith.constant true
    %broadcast_in_dim3A_421 = vector.broadcast %broadcast_in_dim3A_420 : i1 to vector<16xi1>
    %masked_cummax3A_422 = arith.constant -2147483648 : i32
    %masked_cummax3A_423 = vector.broadcast %masked_cummax3A_422 : i32 to vector<16xi32>
    %masked_cummax3A_424 = arith.xori %select_n3A_419, %masked_cummax3A_423 : vector<16xi32>
    %masked_cummax3A_425 = tpu.scan <max>, %masked_cummax3A_424 masked %broadcast_in_dim3A_421 : vector<16xi32>, vector<16xi1> -> vector<16xi32>
    %masked_cummax3A_426 = arith.xori %masked_cummax3A_425, %masked_cummax3A_423 : vector<16xi32>
    %rev3A_427 = arith.constant 15 : i32
    %rev3A_428 = vector.broadcast %rev3A_427 : i32 to vector<16xi32>
    %rev3A_429 = tpu.iota {dimensions = array<i32: 0>} : vector<16xi32>
    %rev3A_430 = arith.subi %rev3A_428, %rev3A_429 : vector<16xi32>
    %rev3A_431 = tpu.dynamic_gather %masked_cummax3A_426[%rev3A_430] in [0] : vector<16xi32>, vector<16xi32> -> vector<16xi32>
    %broadcast_in_dim3A_432 = arith.constant true
    %broadcast_in_dim3A_433 = vector.broadcast %broadcast_in_dim3A_432 : i1 to vector<16xi1>
    %masked_cummax3A_434 = arith.constant -2147483648 : i32
    %masked_cummax3A_435 = vector.broadcast %masked_cummax3A_434 : i32 to vector<16xi32>
    %masked_cummax3A_436 = arith.xori %rev3A_431, %masked_cummax3A_435 : vector<16xi32>
    %masked_cummax3A_437 = tpu.scan <max>, %masked_cummax3A_436 masked %broadcast_in_dim3A_433 : vector<16xi32>, vector<16xi1> -> vector<16xi32>
    %masked_cummax3A_438 = arith.xori %masked_cummax3A_437, %masked_cummax3A_435 : vector<16xi32>
    %eq3A_439 = vector.broadcast %and3A_414 : i32 to vector<16xi32>
    %eq3A_440 = arith.cmpi eq, %iota3A, %eq3A_439 : vector<16xi32>
    %jit3A_441 = arith.constant -1 : i32
    %broadcast_in_dim3A_442 = vector.broadcast %jit3A_441 : i32 to vector<16xi32>
    %select_n3A_443 = arith.select %eq3A_440, %get3A_412, %broadcast_in_dim3A_442 : vector<16xi1>, vector<16xi32>
    %broadcast_in_dim3A_444 = arith.constant true
    %broadcast_in_dim3A_445 = vector.broadcast %broadcast_in_dim3A_444 : i1 to vector<16xi1>
    %masked_cummax3A_446 = arith.constant -2147483648 : i32
    %masked_cummax3A_447 = vector.broadcast %masked_cummax3A_446 : i32 to vector<16xi32>
    %masked_cummax3A_448 = arith.xori %select_n3A_443, %masked_cummax3A_447 : vector<16xi32>
    %masked_cummax3A_449 = tpu.scan <max>, %masked_cummax3A_448 masked %broadcast_in_dim3A_445 : vector<16xi32>, vector<16xi1> -> vector<16xi32>
    %masked_cummax3A_450 = arith.xori %masked_cummax3A_449, %masked_cummax3A_447 : vector<16xi32>
    %rev3A_451 = arith.constant 15 : i32
    %rev3A_452 = vector.broadcast %rev3A_451 : i32 to vector<16xi32>
    %rev3A_453 = tpu.iota {dimensions = array<i32: 0>} : vector<16xi32>
    %rev3A_454 = arith.subi %rev3A_452, %rev3A_453 : vector<16xi32>
    %rev3A_455 = tpu.dynamic_gather %masked_cummax3A_450[%rev3A_454] in [0] : vector<16xi32>, vector<16xi32> -> vector<16xi32>
    %broadcast_in_dim3A_456 = arith.constant true
    %broadcast_in_dim3A_457 = vector.broadcast %broadcast_in_dim3A_456 : i1 to vector<16xi1>
    %masked_cummax3A_458 = arith.constant -2147483648 : i32
    %masked_cummax3A_459 = vector.broadcast %masked_cummax3A_458 : i32 to vector<16xi32>
    %masked_cummax3A_460 = arith.xori %rev3A_455, %masked_cummax3A_459 : vector<16xi32>
    %masked_cummax3A_461 = tpu.scan <max>, %masked_cummax3A_460 masked %broadcast_in_dim3A_457 : vector<16xi32>, vector<16xi1> -> vector<16xi32>
    %masked_cummax3A_462 = arith.xori %masked_cummax3A_461, %masked_cummax3A_459 : vector<16xi32>
    %sub3A_463 = arith.subi %mul3A_395, %squeeze3A_365 : i32
    %add3A_464 = arith.constant 16 : i32
    %add3A_465 = arith.addi %sub3A_463, %add3A_464 : i32
    %sub3A_466 = arith.constant 1 : i32
    %sub3A_467 = arith.subi %add3A_465, %sub3A_466 : i32
    %jit3A_468 = arith.constant 16 : i32
    %div3A_469 = arith.divsi %sub3A_467, %jit3A_468 : i32
    %sign3A_470 = arith.constant 0 : i32
    %sign3A_471 = arith.cmpi sgt, %sub3A_467, %sign3A_470 : i32
    %sign3A_472 = arith.extui %sign3A_471 : i1 to i32
    %sign3A_473 = arith.constant 0 : i32
    %sign3A_474 = arith.cmpi slt, %sub3A_467, %sign3A_473 : i32
    %sign3A_475 = arith.extui %sign3A_474 : i1 to i32
    %sign3A_476 = arith.subi %sign3A_472, %sign3A_475 : i32
    %sign3A_477 = arith.constant 0 : i32
    %sign3A_478 = arith.cmpi sgt, %jit3A_468, %sign3A_477 : i32
    %sign3A_479 = arith.extui %sign3A_478 : i1 to i32
    %sign3A_480 = arith.constant 0 : i32
    %sign3A_481 = arith.cmpi slt, %jit3A_468, %sign3A_480 : i32
    %sign3A_482 = arith.extui %sign3A_481 : i1 to i32
    %sign3A_483 = arith.subi %sign3A_479, %sign3A_482 : i32
    %ne3A_484 = arith.cmpi ne, %sign3A_476, %sign3A_483 : i32
    %rem3A_485 = arith.remsi %sub3A_467, %jit3A_468 : i32
    %ne3A_486 = arith.constant 0 : i32
    %ne3A_487 = arith.cmpi ne, %rem3A_485, %ne3A_486 : i32
    %and3A_488 = arith.andi %ne3A_484, %ne3A_487 : i1
    %sub3A_489 = arith.constant 1 : i32
    %sub3A_490 = arith.subi %div3A_469, %sub3A_489 : i32
    %select_n3A_491 = arith.select %and3A_488, %sub3A_490, %div3A_469 : i32
    %while3A_492 = arith.constant 0 : i32
    %while3A_493 = arith.constant 0 : i32
    %while3A_494 = arith.subi %select_n3A_491, %while3A_492 : i32
    %while3A_495 = arith.addi %while3A_492, %while3A_494 : i32
    %while3A_496 = arith.constant 1 : i32
    %while3A_497 = arith.divsi %while3A_494, %while3A_496 : i32
    %while3A_498 = arith.muli %while3A_497, %while3A_496 : i32
    %while3A_499 = arith.addi %while3A_492, %while3A_498 : i32
    %while3A_500 = arith.constant 1 : i32
    %while3A_501 = scf.for %while3A_716 = %while3A_492 to %while3A_499 step %while3A_500 iter_args(%while3A_717 = %while3A_493) -> (i32)  : i32 {
      %mul3A_718 = arith.constant 16 : i32
      %mul3A_719 = arith.muli %while3A_716, %mul3A_718 : i32
      %add3A_720 = arith.addi %squeeze3A_365, %mul3A_719 : i32
      %add3A_721 = vector.broadcast %add3A_720 : i32 to vector<16xi32>
      %add3A_722 = arith.addi %add3A_721, %iota3A : vector<16xi32>
      %shift_right_arithmetic3A_723 = arith.constant 7 : i32
      %shift_right_arithmetic3A_724 = vector.broadcast %shift_right_arithmetic3A_723 : i32 to vector<16xi32>
      %shift_right_arithmetic3A_725 = arith.shrsi %add3A_722, %shift_right_arithmetic3A_724 : vector<16xi32>
      %and3A_726 = arith.constant 127 : i32
      %and3A_727 = vector.broadcast %and3A_726 : i32 to vector<16xi32>
      %and3A_728 = arith.andi %add3A_722, %and3A_727 : vector<16xi32>
      tpu.vector_store_idx %arg11[%shift_right_arithmetic3A_725, %and3A_728], %masked_cummax3A_438 : memref<33x128xi32, #tpu.memory_space<vmem>>[vector<16xi32>, vector<16xi32>], vector<16xi32>,
      tpu.vector_store_idx %arg13[%add3A_722], %masked_cummax3A_462 : memref<4224xi32, #tpu.memory_space<vmem>>[vector<16xi32>], vector<16xi32>,
      %while3A_729 = arith.constant 0 : i32
      scf.yield %while3A_729 : i32
    }
    %while3A_502 = arith.constant 1 : i32
    %while3A_503 = scf.for %while3A_716 = %while3A_499 to %while3A_495 step %while3A_502 iter_args(%while3A_717 = %while3A_501) -> (i32)  : i32 {
      %mul3A_718 = arith.constant 16 : i32
      %mul3A_719 = arith.muli %while3A_716, %mul3A_718 : i32
      %add3A_720 = arith.addi %squeeze3A_365, %mul3A_719 : i32
      %add3A_721 = vector.broadcast %add3A_720 : i32 to vector<16xi32>
      %add3A_722 = arith.addi %add3A_721, %iota3A : vector<16xi32>
      %shift_right_arithmetic3A_723 = arith.constant 7 : i32
      %shift_right_arithmetic3A_724 = vector.broadcast %shift_right_arithmetic3A_723 : i32 to vector<16xi32>
      %shift_right_arithmetic3A_725 = arith.shrsi %add3A_722, %shift_right_arithmetic3A_724 : vector<16xi32>
      %and3A_726 = arith.constant 127 : i32
      %and3A_727 = vector.broadcast %and3A_726 : i32 to vector<16xi32>
      %and3A_728 = arith.andi %add3A_722, %and3A_727 : vector<16xi32>
      tpu.vector_store_idx %arg11[%shift_right_arithmetic3A_725, %and3A_728], %masked_cummax3A_438 : memref<33x128xi32, #tpu.memory_space<vmem>>[vector<16xi32>, vector<16xi32>], vector<16xi32>,
      tpu.vector_store_idx %arg13[%add3A_722], %masked_cummax3A_462 : memref<4224xi32, #tpu.memory_space<vmem>>[vector<16xi32>], vector<16xi32>,
      %while3A_729 = arith.constant 0 : i32
      scf.yield %while3A_729 : i32
    }
    %slice3A_504 = vector.extract_strided_slice %scan3A_362#1 {offsets = [15], sizes = [1], strides = [1]} : vector<16xi32> to vector<1xi32>
    %squeeze3A_505 = vector.extract %slice3A_504[0] : i32 from vector<1xi32>
    %add3A_506 = arith.constant 128 : i32
    %add3A_507 = arith.addi %squeeze3A_505, %add3A_506 : i32
    %sub3A_508 = arith.constant 1 : i32
    %sub3A_509 = arith.subi %add3A_507, %sub3A_508 : i32
    %jit3A_510 = arith.constant 128 : i32
    %div3A_511 = arith.divsi %sub3A_509, %jit3A_510 : i32
    %sign3A_512 = arith.constant 0 : i32
    %sign3A_513 = arith.cmpi sgt, %sub3A_509, %sign3A_512 : i32
    %sign3A_514 = arith.extui %sign3A_513 : i1 to i32
    %sign3A_515 = arith.constant 0 : i32
    %sign3A_516 = arith.cmpi slt, %sub3A_509, %sign3A_515 : i32
    %sign3A_517 = arith.extui %sign3A_516 : i1 to i32
    %sign3A_518 = arith.subi %sign3A_514, %sign3A_517 : i32
    %sign3A_519 = arith.constant 0 : i32
    %sign3A_520 = arith.cmpi sgt, %jit3A_510, %sign3A_519 : i32
    %sign3A_521 = arith.extui %sign3A_520 : i1 to i32
    %sign3A_522 = arith.constant 0 : i32
    %sign3A_523 = arith.cmpi slt, %jit3A_510, %sign3A_522 : i32
    %sign3A_524 = arith.extui %sign3A_523 : i1 to i32
    %sign3A_525 = arith.subi %sign3A_521, %sign3A_524 : i32
    %ne3A_526 = arith.cmpi ne, %sign3A_518, %sign3A_525 : i32
    %rem3A_527 = arith.remsi %sub3A_509, %jit3A_510 : i32
    %ne3A_528 = arith.constant 0 : i32
    %ne3A_529 = arith.cmpi ne, %rem3A_527, %ne3A_528 : i32
    %and3A_530 = arith.andi %ne3A_526, %ne3A_529 : i1
    %sub3A_531 = arith.constant 1 : i32
    %sub3A_532 = arith.subi %div3A_511, %sub3A_531 : i32
    %select_n3A_533 = arith.select %and3A_530, %sub3A_532, %div3A_511 : i32
    %mul3A_534 = arith.constant 128 : i32
    %mul3A_535 = arith.muli %select_n3A_533, %mul3A_534 : i32
    %sub3A_536 = arith.constant 1 : i32
    %sub3A_537 = arith.subi %squeeze3A_505, %sub3A_536 : i32
    %max3A_538 = arith.constant 0 : i32
    %max3A_539 = arith.maxsi %sub3A_537, %max3A_538 : i32
    %shift_right_arithmetic3A_540 = arith.constant 7 : i32
    %shift_right_arithmetic3A_541 = arith.shrsi %max3A_539, %shift_right_arithmetic3A_540 : i32
    %and3A_542 = arith.constant 127 : i32
    %and3A_543 = arith.andi %max3A_539, %and3A_542 : i32
    %and3A_544 = arith.constant -16 : i32
    %and3A_545 = arith.andi %and3A_543, %and3A_544 : i32
    %get3A_546 = arith.index_cast %shift_right_arithmetic3A_541 : i32 to index
    %get3A_547 = arith.index_cast %and3A_545 : i32 to index
    %get3A_548 = tpu.vector_load %arg12[%get3A_546, %get3A_547] {strides = array<i32>} : memref<33x128xi32, #tpu.memory_space<vmem>>, vector<16xi32>,
    %and3A_549 = arith.constant -16 : i32
    %and3A_550 = arith.andi %max3A_539, %and3A_549 : i32
    %get3A_551 = arith.index_cast %and3A_550 : i32 to index
    %get3A_552 = tpu.vector_load %arg14[%get3A_551] {strides = array<i32>} : memref<4224xi32, #tpu.memory_space<vmem>>, vector<16xi32>,
    %and3A_553 = arith.constant 15 : i32
    %and3A_554 = arith.andi %max3A_539, %and3A_553 : i32
    %eq3A_555 = vector.broadcast %and3A_554 : i32 to vector<16xi32>
    %eq3A_556 = arith.cmpi eq, %iota3A, %eq3A_555 : vector<16xi32>
    %jit3A_557 = arith.constant -1 : i32
    %broadcast_in_dim3A_558 = vector.broadcast %jit3A_557 : i32 to vector<16xi32>
    %select_n3A_559 = arith.select %eq3A_556, %get3A_548, %broadcast_in_dim3A_558 : vector<16xi1>, vector<16xi32>
    %broadcast_in_dim3A_560 = arith.constant true
    %broadcast_in_dim3A_561 = vector.broadcast %broadcast_in_dim3A_560 : i1 to vector<16xi1>
    %masked_cummax3A_562 = arith.constant -2147483648 : i32
    %masked_cummax3A_563 = vector.broadcast %masked_cummax3A_562 : i32 to vector<16xi32>
    %masked_cummax3A_564 = arith.xori %select_n3A_559, %masked_cummax3A_563 : vector<16xi32>
    %masked_cummax3A_565 = tpu.scan <max>, %masked_cummax3A_564 masked %broadcast_in_dim3A_561 : vector<16xi32>, vector<16xi1> -> vector<16xi32>
    %masked_cummax3A_566 = arith.xori %masked_cummax3A_565, %masked_cummax3A_563 : vector<16xi32>
    %rev3A_567 = arith.constant 15 : i32
    %rev3A_568 = vector.broadcast %rev3A_567 : i32 to vector<16xi32>
    %rev3A_569 = tpu.iota {dimensions = array<i32: 0>} : vector<16xi32>
    %rev3A_570 = arith.subi %rev3A_568, %rev3A_569 : vector<16xi32>
    %rev3A_571 = tpu.dynamic_gather %masked_cummax3A_566[%rev3A_570] in [0] : vector<16xi32>, vector<16xi32> -> vector<16xi32>
    %broadcast_in_dim3A_572 = arith.constant true
    %broadcast_in_dim3A_573 = vector.broadcast %broadcast_in_dim3A_572 : i1 to vector<16xi1>
    %masked_cummax3A_574 = arith.constant -2147483648 : i32
    %masked_cummax3A_575 = vector.broadcast %masked_cummax3A_574 : i32 to vector<16xi32>
    %masked_cummax3A_576 = arith.xori %rev3A_571, %masked_cummax3A_575 : vector<16xi32>
    %masked_cummax3A_577 = tpu.scan <max>, %masked_cummax3A_576 masked %broadcast_in_dim3A_573 : vector<16xi32>, vector<16xi1> -> vector<16xi32>
    %masked_cummax3A_578 = arith.xori %masked_cummax3A_577, %masked_cummax3A_575 : vector<16xi32>
    %eq3A_579 = vector.broadcast %and3A_554 : i32 to vector<16xi32>
    %eq3A_580 = arith.cmpi eq, %iota3A, %eq3A_579 : vector<16xi32>
    %jit3A_581 = arith.constant -1 : i32
    %broadcast_in_dim3A_582 = vector.broadcast %jit3A_581 : i32 to vector<16xi32>
    %select_n3A_583 = arith.select %eq3A_580, %get3A_552, %broadcast_in_dim3A_582 : vector<16xi1>, vector<16xi32>
    %broadcast_in_dim3A_584 = arith.constant true
    %broadcast_in_dim3A_585 = vector.broadcast %broadcast_in_dim3A_584 : i1 to vector<16xi1>
    %masked_cummax3A_586 = arith.constant -2147483648 : i32
    %masked_cummax3A_587 = vector.broadcast %masked_cummax3A_586 : i32 to vector<16xi32>
    %masked_cummax3A_588 = arith.xori %select_n3A_583, %masked_cummax3A_587 : vector<16xi32>
    %masked_cummax3A_589 = tpu.scan <max>, %masked_cummax3A_588 masked %broadcast_in_dim3A_585 : vector<16xi32>, vector<16xi1> -> vector<16xi32>
    %masked_cummax3A_590 = arith.xori %masked_cummax3A_589, %masked_cummax3A_587 : vector<16xi32>
    %rev3A_591 = arith.constant 15 : i32
    %rev3A_592 = vector.broadcast %rev3A_591 : i32 to vector<16xi32>
    %rev3A_593 = tpu.iota {dimensions = array<i32: 0>} : vector<16xi32>
    %rev3A_594 = arith.subi %rev3A_592, %rev3A_593 : vector<16xi32>
    %rev3A_595 = tpu.dynamic_gather %masked_cummax3A_590[%rev3A_594] in [0] : vector<16xi32>, vector<16xi32> -> vector<16xi32>
    %broadcast_in_dim3A_596 = arith.constant true
    %broadcast_in_dim3A_597 = vector.broadcast %broadcast_in_dim3A_596 : i1 to vector<16xi1>
    %masked_cummax3A_598 = arith.constant -2147483648 : i32
    %masked_cummax3A_599 = vector.broadcast %masked_cummax3A_598 : i32 to vector<16xi32>
    %masked_cummax3A_600 = arith.xori %rev3A_595, %masked_cummax3A_599 : vector<16xi32>
    %masked_cummax3A_601 = tpu.scan <max>, %masked_cummax3A_600 masked %broadcast_in_dim3A_597 : vector<16xi32>, vector<16xi1> -> vector<16xi32>
    %masked_cummax3A_602 = arith.xori %masked_cummax3A_601, %masked_cummax3A_599 : vector<16xi32>
    %sub3A_603 = arith.subi %mul3A_535, %squeeze3A_505 : i32
    %add3A_604 = arith.constant 16 : i32
    %add3A_605 = arith.addi %sub3A_603, %add3A_604 : i32
    %sub3A_606 = arith.constant 1 : i32
    %sub3A_607 = arith.subi %add3A_605, %sub3A_606 : i32
    %jit3A_608 = arith.constant 16 : i32
    %div3A_609 = arith.divsi %sub3A_607, %jit3A_608 : i32
    %sign3A_610 = arith.constant 0 : i32
    %sign3A_611 = arith.cmpi sgt, %sub3A_607, %sign3A_610 : i32
    %sign3A_612 = arith.extui %sign3A_611 : i1 to i32
    %sign3A_613 = arith.constant 0 : i32
    %sign3A_614 = arith.cmpi slt, %sub3A_607, %sign3A_613 : i32
    %sign3A_615 = arith.extui %sign3A_614 : i1 to i32
    %sign3A_616 = arith.subi %sign3A_612, %sign3A_615 : i32
    %sign3A_617 = arith.constant 0 : i32
    %sign3A_618 = arith.cmpi sgt, %jit3A_608, %sign3A_617 : i32
    %sign3A_619 = arith.extui %sign3A_618 : i1 to i32
    %sign3A_620 = arith.constant 0 : i32
    %sign3A_621 = arith.cmpi slt, %jit3A_608, %sign3A_620 : i32
    %sign3A_622 = arith.extui %sign3A_621 : i1 to i32
    %sign3A_623 = arith.subi %sign3A_619, %sign3A_622 : i32
    %ne3A_624 = arith.cmpi ne, %sign3A_616, %sign3A_623 : i32
    %rem3A_625 = arith.remsi %sub3A_607, %jit3A_608 : i32
    %ne3A_626 = arith.constant 0 : i32
    %ne3A_627 = arith.cmpi ne, %rem3A_625, %ne3A_626 : i32
    %and3A_628 = arith.andi %ne3A_624, %ne3A_627 : i1
    %sub3A_629 = arith.constant 1 : i32
    %sub3A_630 = arith.subi %div3A_609, %sub3A_629 : i32
    %select_n3A_631 = arith.select %and3A_628, %sub3A_630, %div3A_609 : i32
    %while3A_632 = arith.constant 0 : i32
    %while3A_633 = arith.constant 0 : i32
    %while3A_634 = arith.subi %select_n3A_631, %while3A_632 : i32
    %while3A_635 = arith.addi %while3A_632, %while3A_634 : i32
    %while3A_636 = arith.constant 1 : i32
    %while3A_637 = arith.divsi %while3A_634, %while3A_636 : i32
    %while3A_638 = arith.muli %while3A_637, %while3A_636 : i32
    %while3A_639 = arith.addi %while3A_632, %while3A_638 : i32
    %while3A_640 = arith.constant 1 : i32
    %while3A_641 = scf.for %while3A_716 = %while3A_632 to %while3A_639 step %while3A_640 iter_args(%while3A_717 = %while3A_633) -> (i32)  : i32 {
      %mul3A_718 = arith.constant 16 : i32
      %mul3A_719 = arith.muli %while3A_716, %mul3A_718 : i32
      %add3A_720 = arith.addi %squeeze3A_505, %mul3A_719 : i32
      %add3A_721 = vector.broadcast %add3A_720 : i32 to vector<16xi32>
      %add3A_722 = arith.addi %add3A_721, %iota3A : vector<16xi32>
      %shift_right_arithmetic3A_723 = arith.constant 7 : i32
      %shift_right_arithmetic3A_724 = vector.broadcast %shift_right_arithmetic3A_723 : i32 to vector<16xi32>
      %shift_right_arithmetic3A_725 = arith.shrsi %add3A_722, %shift_right_arithmetic3A_724 : vector<16xi32>
      %and3A_726 = arith.constant 127 : i32
      %and3A_727 = vector.broadcast %and3A_726 : i32 to vector<16xi32>
      %and3A_728 = arith.andi %add3A_722, %and3A_727 : vector<16xi32>
      tpu.vector_store_idx %arg12[%shift_right_arithmetic3A_725, %and3A_728], %masked_cummax3A_578 : memref<33x128xi32, #tpu.memory_space<vmem>>[vector<16xi32>, vector<16xi32>], vector<16xi32>,
      tpu.vector_store_idx %arg14[%add3A_722], %masked_cummax3A_602 : memref<4224xi32, #tpu.memory_space<vmem>>[vector<16xi32>], vector<16xi32>,
      %while3A_729 = arith.constant 0 : i32
      scf.yield %while3A_729 : i32
    }
    %while3A_642 = arith.constant 1 : i32
    %while3A_643 = scf.for %while3A_716 = %while3A_639 to %while3A_635 step %while3A_642 iter_args(%while3A_717 = %while3A_641) -> (i32)  : i32 {
      %mul3A_718 = arith.constant 16 : i32
      %mul3A_719 = arith.muli %while3A_716, %mul3A_718 : i32
      %add3A_720 = arith.addi %squeeze3A_505, %mul3A_719 : i32
      %add3A_721 = vector.broadcast %add3A_720 : i32 to vector<16xi32>
      %add3A_722 = arith.addi %add3A_721, %iota3A : vector<16xi32>
      %shift_right_arithmetic3A_723 = arith.constant 7 : i32
      %shift_right_arithmetic3A_724 = vector.broadcast %shift_right_arithmetic3A_723 : i32 to vector<16xi32>
      %shift_right_arithmetic3A_725 = arith.shrsi %add3A_722, %shift_right_arithmetic3A_724 : vector<16xi32>
      %and3A_726 = arith.constant 127 : i32
      %and3A_727 = vector.broadcast %and3A_726 : i32 to vector<16xi32>
      %and3A_728 = arith.andi %add3A_722, %and3A_727 : vector<16xi32>
      tpu.vector_store_idx %arg12[%shift_right_arithmetic3A_725, %and3A_728], %masked_cummax3A_578 : memref<33x128xi32, #tpu.memory_space<vmem>>[vector<16xi32>, vector<16xi32>], vector<16xi32>,
      tpu.vector_store_idx %arg14[%add3A_722], %masked_cummax3A_602 : memref<4224xi32, #tpu.memory_space<vmem>>[vector<16xi32>], vector<16xi32>,
      %while3A_729 = arith.constant 0 : i32
      scf.yield %while3A_729 : i32
    }
    %jit3A_644 = arith.constant 128 : i32
    %div3A_645 = arith.divsi %mul3A_395, %jit3A_644 : i32
    %sign3A_646 = arith.constant 0 : i32
    %sign3A_647 = arith.cmpi sgt, %mul3A_395, %sign3A_646 : i32
    %sign3A_648 = arith.extui %sign3A_647 : i1 to i32
    %sign3A_649 = arith.constant 0 : i32
    %sign3A_650 = arith.cmpi slt, %mul3A_395, %sign3A_649 : i32
    %sign3A_651 = arith.extui %sign3A_650 : i1 to i32
    %sign3A_652 = arith.subi %sign3A_648, %sign3A_651 : i32
    %sign3A_653 = arith.constant 0 : i32
    %sign3A_654 = arith.cmpi sgt, %jit3A_644, %sign3A_653 : i32
    %sign3A_655 = arith.extui %sign3A_654 : i1 to i32
    %sign3A_656 = arith.constant 0 : i32
    %sign3A_657 = arith.cmpi slt, %jit3A_644, %sign3A_656 : i32
    %sign3A_658 = arith.extui %sign3A_657 : i1 to i32
    %sign3A_659 = arith.subi %sign3A_655, %sign3A_658 : i32
    %ne3A_660 = arith.cmpi ne, %sign3A_652, %sign3A_659 : i32
    %rem3A_661 = arith.remsi %mul3A_395, %jit3A_644 : i32
    %ne3A_662 = arith.constant 0 : i32
    %ne3A_663 = arith.cmpi ne, %rem3A_661, %ne3A_662 : i32
    %and3A_664 = arith.andi %ne3A_660, %ne3A_663 : i1
    %sub3A_665 = arith.constant 1 : i32
    %sub3A_666 = arith.subi %div3A_645, %sub3A_665 : i32
    %select_n3A_667 = arith.select %and3A_664, %sub3A_666, %div3A_645 : i32
    %while3A_668 = arith.constant 0 : i32
    %while3A_669 = arith.constant 0 : i32
    %while3A_670 = arith.subi %select_n3A_667, %while3A_668 : i32
    %while3A_671 = arith.addi %while3A_668, %while3A_670 : i32
    %while3A_672 = arith.constant 1 : i32
    %while3A_673 = arith.divsi %while3A_670, %while3A_672 : i32
    %while3A_674 = arith.muli %while3A_673, %while3A_672 : i32
    %while3A_675 = arith.addi %while3A_668, %while3A_674 : i32
    %while3A_676 = arith.constant 1 : i32
    %while3A_677 = scf.for %while3A_716 = %while3A_668 to %while3A_675 step %while3A_676 iter_args(%while3A_717 = %while3A_669) -> (i32)  : i32 {
      %dma_start3A = arith.constant 0 : i32
      %dma_start3A_718 = tpu.memref_slice %arg11[%while3A_716, %dma_start3A] : memref<33x128xi32, #tpu.memory_space<vmem>> -> memref<1x128xi32, #tpu.memory_space<vmem>>
      %dma_start3A_719 = tpu.memref_squeeze %dma_start3A_718 : memref<1x128xi32, #tpu.memory_space<vmem>> -> memref<128xi32, #tpu.memory_space<vmem>>
      %dma_start3A_720 = arith.constant 0 : i32
      %dma_start3A_721 = arith.constant 0 : i32
      %dma_start3A_722 = tpu.memref_slice %arg3[%dma_start3A_720, %dma_start3A_721] : memref<500000x128xf32, #tpu.memory_space<hbm>> -> memref<500000x128xf32, #tpu.memory_space<hbm>>
      tpu.enqueue_indirect_dma source(%dma_start3A_722 : memref<500000x128xf32, #tpu.memory_space<hbm>>) target(%arg15 : memref<128x128xf32, #tpu.memory_space<vmem>>) offsets(%dma_start3A_719 : memref<128xi32, #tpu.memory_space<vmem>>) semaphore(%arg17 : memref<!tpu.dma_semaphore, #tpu.memory_space<semaphore_mem>>)
      %dma_wait3A = arith.constant 0 : i32
      %dma_wait3A_723 = tpu.memref_slice %arg11[%while3A_716, %dma_wait3A] : memref<33x128xi32, #tpu.memory_space<vmem>> -> memref<1x128xi32, #tpu.memory_space<vmem>>
      %dma_wait3A_724 = tpu.memref_squeeze %dma_wait3A_723 : memref<1x128xi32, #tpu.memory_space<vmem>> -> memref<128xi32, #tpu.memory_space<vmem>>
      %dma_wait3A_725 = arith.constant 0 : i32
      %dma_wait3A_726 = arith.constant 0 : i32
      %dma_wait3A_727 = tpu.memref_slice %arg3[%dma_wait3A_725, %dma_wait3A_726] : memref<500000x128xf32, #tpu.memory_space<hbm>> -> memref<500000x128xf32, #tpu.memory_space<hbm>>
      tpu.wait_indirect_dma semaphore(%arg17 : memref<!tpu.dma_semaphore, #tpu.memory_space<semaphore_mem>>) src(%dma_wait3A_727 : memref<500000x128xf32, #tpu.memory_space<hbm>>) dst(%arg15 : memref<128x128xf32, #tpu.memory_space<vmem>>)
      %mul3A_728 = arith.constant 128 : i32
      %mul3A_729 = arith.muli %while3A_716, %mul3A_728 : i32
      %dma_start3A_730 = tpu.memref_slice %arg13[%mul3A_729] : memref<4224xi32, #tpu.memory_space<vmem>> -> memref<128xi32, #tpu.memory_space<vmem>>
      %dma_start3A_731 = arith.constant 0 : i32
      %dma_start3A_732 = arith.constant 0 : i32
      %dma_start3A_733 = tpu.memref_slice %arg7[%dma_start3A_731, %dma_start3A_732] : memref<16384x128xf32, #tpu.memory_space<hbm>> -> memref<16384x128xf32, #tpu.memory_space<hbm>>
      tpu.enqueue_indirect_dma source(%dma_start3A_733 : memref<16384x128xf32, #tpu.memory_space<hbm>>) target(%arg16 : memref<128x128xf32, #tpu.memory_space<vmem>>) offsets(%dma_start3A_730 : memref<128xi32, #tpu.memory_space<vmem>>) semaphore(%arg17 : memref<!tpu.dma_semaphore, #tpu.memory_space<semaphore_mem>>)
      %dma_wait3A_734 = tpu.memref_slice %arg13[%mul3A_729] : memref<4224xi32, #tpu.memory_space<vmem>> -> memref<128xi32, #tpu.memory_space<vmem>>
      %dma_wait3A_735 = arith.constant 0 : i32
      %dma_wait3A_736 = arith.constant 0 : i32
      %dma_wait3A_737 = tpu.memref_slice %arg7[%dma_wait3A_735, %dma_wait3A_736] : memref<16384x128xf32, #tpu.memory_space<hbm>> -> memref<16384x128xf32, #tpu.memory_space<hbm>>
      tpu.wait_indirect_dma semaphore(%arg17 : memref<!tpu.dma_semaphore, #tpu.memory_space<semaphore_mem>>) src(%dma_wait3A_737 : memref<16384x128xf32, #tpu.memory_space<hbm>>) dst(%arg16 : memref<128x128xf32, #tpu.memory_space<vmem>>)
      %scan3A_738 = arith.constant 0 : i32
      %scan3A_739 = arith.constant 0 : i32
      %scan3A_740 = arith.constant 128 : i32
      %scan3A_741 = arith.addi %scan3A_739, %scan3A_740 : i32
      %scan3A_742 = arith.constant 1 : i32
      %scan3A_743 = scf.for %scan3A_758 = %scan3A_739 to %scan3A_741 step %scan3A_742 iter_args(%scan3A_759 = %scan3A_738) -> (i32)  : i32 {
        %get3A_760 = arith.index_cast %scan3A_758 : i32 to index
        %get3A_761 = arith.constant 0 : index
        %get3A_762 = tpu.vector_load %arg16[%get3A_760, %get3A_761] {strides = array<i32>} : memref<128x128xf32, #tpu.memory_space<vmem>>, vector<16xf32>,
        %swap3A = arith.index_cast %scan3A_758 : i32 to index
        %swap3A_763 = arith.constant 0 : index
        %swap3A_764 = tpu.vector_load %arg15[%swap3A, %swap3A_763] {strides = array<i32>} : memref<128x128xf32, #tpu.memory_space<vmem>>, vector<16xf32>,
        tpu.vector_store %arg15[%swap3A, %swap3A_763], %get3A_762 {strides = array<i32>} : memref<128x128xf32, #tpu.memory_space<vmem>>, vector<16xf32>,
        %get3A_765 = arith.index_cast %scan3A_758 : i32 to index
        %get3A_766 = arith.constant 16 : index
        %get3A_767 = tpu.vector_load %arg16[%get3A_765, %get3A_766] {strides = array<i32>} : memref<128x128xf32, #tpu.memory_space<vmem>>, vector<16xf32>,
        %swap3A_768 = arith.index_cast %scan3A_758 : i32 to index
        %swap3A_769 = arith.constant 16 : index
        %swap3A_770 = tpu.vector_load %arg15[%swap3A_768, %swap3A_769] {strides = array<i32>} : memref<128x128xf32, #tpu.memory_space<vmem>>, vector<16xf32>,
        tpu.vector_store %arg15[%swap3A_768, %swap3A_769], %get3A_767 {strides = array<i32>} : memref<128x128xf32, #tpu.memory_space<vmem>>, vector<16xf32>,
        %get3A_771 = arith.index_cast %scan3A_758 : i32 to index
        %get3A_772 = arith.constant 32 : index
        %get3A_773 = tpu.vector_load %arg16[%get3A_771, %get3A_772] {strides = array<i32>} : memref<128x128xf32, #tpu.memory_space<vmem>>, vector<16xf32>,
        %swap3A_774 = arith.index_cast %scan3A_758 : i32 to index
        %swap3A_775 = arith.constant 32 : index
        %swap3A_776 = tpu.vector_load %arg15[%swap3A_774, %swap3A_775] {strides = array<i32>} : memref<128x128xf32, #tpu.memory_space<vmem>>, vector<16xf32>,
        tpu.vector_store %arg15[%swap3A_774, %swap3A_775], %get3A_773 {strides = array<i32>} : memref<128x128xf32, #tpu.memory_space<vmem>>, vector<16xf32>,
        %get3A_777 = arith.index_cast %scan3A_758 : i32 to index
        %get3A_778 = arith.constant 48 : index
        %get3A_779 = tpu.vector_load %arg16[%get3A_777, %get3A_778] {strides = array<i32>} : memref<128x128xf32, #tpu.memory_space<vmem>>, vector<16xf32>,
        %swap3A_780 = arith.index_cast %scan3A_758 : i32 to index
        %swap3A_781 = arith.constant 48 : index
        %swap3A_782 = tpu.vector_load %arg15[%swap3A_780, %swap3A_781] {strides = array<i32>} : memref<128x128xf32, #tpu.memory_space<vmem>>, vector<16xf32>,
        tpu.vector_store %arg15[%swap3A_780, %swap3A_781], %get3A_779 {strides = array<i32>} : memref<128x128xf32, #tpu.memory_space<vmem>>, vector<16xf32>,
        %scan3A_783 = arith.constant 0 : i32
        scf.yield %scan3A_783 : i32
      }
      %scan3A_744 = arith.constant 128 : i32
      %dma_start3A_745 = arith.constant 0 : i32
      %dma_start3A_746 = tpu.memref_slice %arg11[%while3A_716, %dma_start3A_745] : memref<33x128xi32, #tpu.memory_space<vmem>> -> memref<1x128xi32, #tpu.memory_space<vmem>>
      %dma_start3A_747 = tpu.memref_squeeze %dma_start3A_746 : memref<1x128xi32, #tpu.memory_space<vmem>> -> memref<128xi32, #tpu.memory_space<vmem>>
      %dma_start3A_748 = arith.constant 0 : i32
      %dma_start3A_749 = arith.constant 0 : i32
      %dma_start3A_750 = tpu.memref_slice %arg3[%dma_start3A_748, %dma_start3A_749] : memref<500000x128xf32, #tpu.memory_space<hbm>> -> memref<500000x128xf32, #tpu.memory_space<hbm>>
      tpu.enqueue_indirect_dma source(%arg15 : memref<128x128xf32, #tpu.memory_space<vmem>>) target(%dma_start3A_750 : memref<500000x128xf32, #tpu.memory_space<hbm>>) offsets(%dma_start3A_747 : memref<128xi32, #tpu.memory_space<vmem>>) semaphore(%arg17 : memref<!tpu.dma_semaphore, #tpu.memory_space<semaphore_mem>>)
      %dma_wait3A_751 = arith.constant 0 : i32
      %dma_wait3A_752 = tpu.memref_slice %arg11[%while3A_716, %dma_wait3A_751] : memref<33x128xi32, #tpu.memory_space<vmem>> -> memref<1x128xi32, #tpu.memory_space<vmem>>
      %dma_wait3A_753 = tpu.memref_squeeze %dma_wait3A_752 : memref<1x128xi32, #tpu.memory_space<vmem>> -> memref<128xi32, #tpu.memory_space<vmem>>
      %dma_wait3A_754 = arith.constant 0 : i32
      %dma_wait3A_755 = arith.constant 0 : i32
      %dma_wait3A_756 = tpu.memref_slice %arg3[%dma_wait3A_754, %dma_wait3A_755] : memref<500000x128xf32, #tpu.memory_space<hbm>> -> memref<500000x128xf32, #tpu.memory_space<hbm>>
      tpu.wait_indirect_dma semaphore(%arg17 : memref<!tpu.dma_semaphore, #tpu.memory_space<semaphore_mem>>) src(%arg15 : memref<128x128xf32, #tpu.memory_space<vmem>>) dst(%dma_wait3A_756 : memref<500000x128xf32, #tpu.memory_space<hbm>>)
      %while3A_757 = arith.constant 0 : i32
      scf.yield %while3A_757 : i32
    }
    %while3A_678 = arith.constant 1 : i32
    %while3A_679 = scf.for %while3A_716 = %while3A_675 to %while3A_671 step %while3A_678 iter_args(%while3A_717 = %while3A_677) -> (i32)  : i32 {
      %dma_start3A = arith.constant 0 : i32
      %dma_start3A_718 = tpu.memref_slice %arg11[%while3A_716, %dma_start3A] : memref<33x128xi32, #tpu.memory_space<vmem>> -> memref<1x128xi32, #tpu.memory_space<vmem>>
      %dma_start3A_719 = tpu.memref_squeeze %dma_start3A_718 : memref<1x128xi32, #tpu.memory_space<vmem>> -> memref<128xi32, #tpu.memory_space<vmem>>
      %dma_start3A_720 = arith.constant 0 : i32
      %dma_start3A_721 = arith.constant 0 : i32
      %dma_start3A_722 = tpu.memref_slice %arg3[%dma_start3A_720, %dma_start3A_721] : memref<500000x128xf32, #tpu.memory_space<hbm>> -> memref<500000x128xf32, #tpu.memory_space<hbm>>
      tpu.enqueue_indirect_dma source(%dma_start3A_722 : memref<500000x128xf32, #tpu.memory_space<hbm>>) target(%arg15 : memref<128x128xf32, #tpu.memory_space<vmem>>) offsets(%dma_start3A_719 : memref<128xi32, #tpu.memory_space<vmem>>) semaphore(%arg17 : memref<!tpu.dma_semaphore, #tpu.memory_space<semaphore_mem>>)
      %dma_wait3A = arith.constant 0 : i32
      %dma_wait3A_723 = tpu.memref_slice %arg11[%while3A_716, %dma_wait3A] : memref<33x128xi32, #tpu.memory_space<vmem>> -> memref<1x128xi32, #tpu.memory_space<vmem>>
      %dma_wait3A_724 = tpu.memref_squeeze %dma_wait3A_723 : memref<1x128xi32, #tpu.memory_space<vmem>> -> memref<128xi32, #tpu.memory_space<vmem>>
      %dma_wait3A_725 = arith.constant 0 : i32
      %dma_wait3A_726 = arith.constant 0 : i32
      %dma_wait3A_727 = tpu.memref_slice %arg3[%dma_wait3A_725, %dma_wait3A_726] : memref<500000x128xf32, #tpu.memory_space<hbm>> -> memref<500000x128xf32, #tpu.memory_space<hbm>>
      tpu.wait_indirect_dma semaphore(%arg17 : memref<!tpu.dma_semaphore, #tpu.memory_space<semaphore_mem>>) src(%dma_wait3A_727 : memref<500000x128xf32, #tpu.memory_space<hbm>>) dst(%arg15 : memref<128x128xf32, #tpu.memory_space<vmem>>)
      %mul3A_728 = arith.constant 128 : i32
      %mul3A_729 = arith.muli %while3A_716, %mul3A_728 : i32
      %dma_start3A_730 = tpu.memref_slice %arg13[%mul3A_729] : memref<4224xi32, #tpu.memory_space<vmem>> -> memref<128xi32, #tpu.memory_space<vmem>>
      %dma_start3A_731 = arith.constant 0 : i32
      %dma_start3A_732 = arith.constant 0 : i32
      %dma_start3A_733 = tpu.memref_slice %arg7[%dma_start3A_731, %dma_start3A_732] : memref<16384x128xf32, #tpu.memory_space<hbm>> -> memref<16384x128xf32, #tpu.memory_space<hbm>>
      tpu.enqueue_indirect_dma source(%dma_start3A_733 : memref<16384x128xf32, #tpu.memory_space<hbm>>) target(%arg16 : memref<128x128xf32, #tpu.memory_space<vmem>>) offsets(%dma_start3A_730 : memref<128xi32, #tpu.memory_space<vmem>>) semaphore(%arg17 : memref<!tpu.dma_semaphore, #tpu.memory_space<semaphore_mem>>)
      %dma_wait3A_734 = tpu.memref_slice %arg13[%mul3A_729] : memref<4224xi32, #tpu.memory_space<vmem>> -> memref<128xi32, #tpu.memory_space<vmem>>
      %dma_wait3A_735 = arith.constant 0 : i32
      %dma_wait3A_736 = arith.constant 0 : i32
      %dma_wait3A_737 = tpu.memref_slice %arg7[%dma_wait3A_735, %dma_wait3A_736] : memref<16384x128xf32, #tpu.memory_space<hbm>> -> memref<16384x128xf32, #tpu.memory_space<hbm>>
      tpu.wait_indirect_dma semaphore(%arg17 : memref<!tpu.dma_semaphore, #tpu.memory_space<semaphore_mem>>) src(%dma_wait3A_737 : memref<16384x128xf32, #tpu.memory_space<hbm>>) dst(%arg16 : memref<128x128xf32, #tpu.memory_space<vmem>>)
      %scan3A_738 = arith.constant 0 : i32
      %scan3A_739 = arith.constant 0 : i32
      %scan3A_740 = arith.constant 128 : i32
      %scan3A_741 = arith.addi %scan3A_739, %scan3A_740 : i32
      %scan3A_742 = arith.constant 1 : i32
      %scan3A_743 = scf.for %scan3A_758 = %scan3A_739 to %scan3A_741 step %scan3A_742 iter_args(%scan3A_759 = %scan3A_738) -> (i32)  : i32 {
        %get3A_760 = arith.index_cast %scan3A_758 : i32 to index
        %get3A_761 = arith.constant 0 : index
        %get3A_762 = tpu.vector_load %arg16[%get3A_760, %get3A_761] {strides = array<i32>} : memref<128x128xf32, #tpu.memory_space<vmem>>, vector<16xf32>,
        %swap3A = arith.index_cast %scan3A_758 : i32 to index
        %swap3A_763 = arith.constant 0 : index
        %swap3A_764 = tpu.vector_load %arg15[%swap3A, %swap3A_763] {strides = array<i32>} : memref<128x128xf32, #tpu.memory_space<vmem>>, vector<16xf32>,
        tpu.vector_store %arg15[%swap3A, %swap3A_763], %get3A_762 {strides = array<i32>} : memref<128x128xf32, #tpu.memory_space<vmem>>, vector<16xf32>,
        %get3A_765 = arith.index_cast %scan3A_758 : i32 to index
        %get3A_766 = arith.constant 16 : index
        %get3A_767 = tpu.vector_load %arg16[%get3A_765, %get3A_766] {strides = array<i32>} : memref<128x128xf32, #tpu.memory_space<vmem>>, vector<16xf32>,
        %swap3A_768 = arith.index_cast %scan3A_758 : i32 to index
        %swap3A_769 = arith.constant 16 : index
        %swap3A_770 = tpu.vector_load %arg15[%swap3A_768, %swap3A_769] {strides = array<i32>} : memref<128x128xf32, #tpu.memory_space<vmem>>, vector<16xf32>,
        tpu.vector_store %arg15[%swap3A_768, %swap3A_769], %get3A_767 {strides = array<i32>} : memref<128x128xf32, #tpu.memory_space<vmem>>, vector<16xf32>,
        %get3A_771 = arith.index_cast %scan3A_758 : i32 to index
        %get3A_772 = arith.constant 32 : index
        %get3A_773 = tpu.vector_load %arg16[%get3A_771, %get3A_772] {strides = array<i32>} : memref<128x128xf32, #tpu.memory_space<vmem>>, vector<16xf32>,
        %swap3A_774 = arith.index_cast %scan3A_758 : i32 to index
        %swap3A_775 = arith.constant 32 : index
        %swap3A_776 = tpu.vector_load %arg15[%swap3A_774, %swap3A_775] {strides = array<i32>} : memref<128x128xf32, #tpu.memory_space<vmem>>, vector<16xf32>,
        tpu.vector_store %arg15[%swap3A_774, %swap3A_775], %get3A_773 {strides = array<i32>} : memref<128x128xf32, #tpu.memory_space<vmem>>, vector<16xf32>,
        %get3A_777 = arith.index_cast %scan3A_758 : i32 to index
        %get3A_778 = arith.constant 48 : index
        %get3A_779 = tpu.vector_load %arg16[%get3A_777, %get3A_778] {strides = array<i32>} : memref<128x128xf32, #tpu.memory_space<vmem>>, vector<16xf32>,
        %swap3A_780 = arith.index_cast %scan3A_758 : i32 to index
        %swap3A_781 = arith.constant 48 : index
        %swap3A_782 = tpu.vector_load %arg15[%swap3A_780, %swap3A_781] {strides = array<i32>} : memref<128x128xf32, #tpu.memory_space<vmem>>, vector<16xf32>,
        tpu.vector_store %arg15[%swap3A_780, %swap3A_781], %get3A_779 {strides = array<i32>} : memref<128x128xf32, #tpu.memory_space<vmem>>, vector<16xf32>,
        %scan3A_783 = arith.constant 0 : i32
        scf.yield %scan3A_783 : i32
      }
      %scan3A_744 = arith.constant 128 : i32
      %dma_start3A_745 = arith.constant 0 : i32
      %dma_start3A_746 = tpu.memref_slice %arg11[%while3A_716, %dma_start3A_745] : memref<33x128xi32, #tpu.memory_space<vmem>> -> memref<1x128xi32, #tpu.memory_space<vmem>>
      %dma_start3A_747 = tpu.memref_squeeze %dma_start3A_746 : memref<1x128xi32, #tpu.memory_space<vmem>> -> memref<128xi32, #tpu.memory_space<vmem>>
      %dma_start3A_748 = arith.constant 0 : i32
      %dma_start3A_749 = arith.constant 0 : i32
      %dma_start3A_750 = tpu.memref_slice %arg3[%dma_start3A_748, %dma_start3A_749] : memref<500000x128xf32, #tpu.memory_space<hbm>> -> memref<500000x128xf32, #tpu.memory_space<hbm>>
      tpu.enqueue_indirect_dma source(%arg15 : memref<128x128xf32, #tpu.memory_space<vmem>>) target(%dma_start3A_750 : memref<500000x128xf32, #tpu.memory_space<hbm>>) offsets(%dma_start3A_747 : memref<128xi32, #tpu.memory_space<vmem>>) semaphore(%arg17 : memref<!tpu.dma_semaphore, #tpu.memory_space<semaphore_mem>>)
      %dma_wait3A_751 = arith.constant 0 : i32
      %dma_wait3A_752 = tpu.memref_slice %arg11[%while3A_716, %dma_wait3A_751] : memref<33x128xi32, #tpu.memory_space<vmem>> -> memref<1x128xi32, #tpu.memory_space<vmem>>
      %dma_wait3A_753 = tpu.memref_squeeze %dma_wait3A_752 : memref<1x128xi32, #tpu.memory_space<vmem>> -> memref<128xi32, #tpu.memory_space<vmem>>
      %dma_wait3A_754 = arith.constant 0 : i32
      %dma_wait3A_755 = arith.constant 0 : i32
      %dma_wait3A_756 = tpu.memref_slice %arg3[%dma_wait3A_754, %dma_wait3A_755] : memref<500000x128xf32, #tpu.memory_space<hbm>> -> memref<500000x128xf32, #tpu.memory_space<hbm>>
      tpu.wait_indirect_dma semaphore(%arg17 : memref<!tpu.dma_semaphore, #tpu.memory_space<semaphore_mem>>) src(%arg15 : memref<128x128xf32, #tpu.memory_space<vmem>>) dst(%dma_wait3A_756 : memref<500000x128xf32, #tpu.memory_space<hbm>>)
      %while3A_757 = arith.constant 0 : i32
      scf.yield %while3A_757 : i32
    }
    %jit3A_680 = arith.constant 128 : i32
    %div3A_681 = arith.divsi %mul3A_535, %jit3A_680 : i32
    %sign3A_682 = arith.constant 0 : i32
    %sign3A_683 = arith.cmpi sgt, %mul3A_535, %sign3A_682 : i32
    %sign3A_684 = arith.extui %sign3A_683 : i1 to i32
    %sign3A_685 = arith.constant 0 : i32
    %sign3A_686 = arith.cmpi slt, %mul3A_535, %sign3A_685 : i32
    %sign3A_687 = arith.extui %sign3A_686 : i1 to i32
    %sign3A_688 = arith.subi %sign3A_684, %sign3A_687 : i32
    %sign3A_689 = arith.constant 0 : i32
    %sign3A_690 = arith.cmpi sgt, %jit3A_680, %sign3A_689 : i32
    %sign3A_691 = arith.extui %sign3A_690 : i1 to i32
    %sign3A_692 = arith.constant 0 : i32
    %sign3A_693 = arith.cmpi slt, %jit3A_680, %sign3A_692 : i32
    %sign3A_694 = arith.extui %sign3A_693 : i1 to i32
    %sign3A_695 = arith.subi %sign3A_691, %sign3A_694 : i32
    %ne3A_696 = arith.cmpi ne, %sign3A_688, %sign3A_695 : i32
    %rem3A_697 = arith.remsi %mul3A_535, %jit3A_680 : i32
    %ne3A_698 = arith.constant 0 : i32
    %ne3A_699 = arith.cmpi ne, %rem3A_697, %ne3A_698 : i32
    %and3A_700 = arith.andi %ne3A_696, %ne3A_699 : i1
    %sub3A_701 = arith.constant 1 : i32
    %sub3A_702 = arith.subi %div3A_681, %sub3A_701 : i32
    %select_n3A_703 = arith.select %and3A_700, %sub3A_702, %div3A_681 : i32
    %while3A_704 = arith.constant 0 : i32
    %while3A_705 = arith.constant 0 : i32
    %while3A_706 = arith.subi %select_n3A_703, %while3A_704 : i32
    %while3A_707 = arith.addi %while3A_704, %while3A_706 : i32
    %while3A_708 = arith.constant 1 : i32
    %while3A_709 = arith.divsi %while3A_706, %while3A_708 : i32
    %while3A_710 = arith.muli %while3A_709, %while3A_708 : i32
    %while3A_711 = arith.addi %while3A_704, %while3A_710 : i32
    %while3A_712 = arith.constant 1 : i32
    %while3A_713 = scf.for %while3A_716 = %while3A_704 to %while3A_711 step %while3A_712 iter_args(%while3A_717 = %while3A_705) -> (i32)  : i32 {
      %dma_start3A = arith.constant 0 : i32
      %dma_start3A_718 = tpu.memref_slice %arg12[%while3A_716, %dma_start3A] : memref<33x128xi32, #tpu.memory_space<vmem>> -> memref<1x128xi32, #tpu.memory_space<vmem>>
      %dma_start3A_719 = tpu.memref_squeeze %dma_start3A_718 : memref<1x128xi32, #tpu.memory_space<vmem>> -> memref<128xi32, #tpu.memory_space<vmem>>
      %dma_start3A_720 = arith.constant 0 : i32
      %dma_start3A_721 = arith.constant 0 : i32
      %dma_start3A_722 = tpu.memref_slice %arg3[%dma_start3A_720, %dma_start3A_721] : memref<500000x128xf32, #tpu.memory_space<hbm>> -> memref<500000x128xf32, #tpu.memory_space<hbm>>
      tpu.enqueue_indirect_dma source(%dma_start3A_722 : memref<500000x128xf32, #tpu.memory_space<hbm>>) target(%arg15 : memref<128x128xf32, #tpu.memory_space<vmem>>) offsets(%dma_start3A_719 : memref<128xi32, #tpu.memory_space<vmem>>) semaphore(%arg17 : memref<!tpu.dma_semaphore, #tpu.memory_space<semaphore_mem>>)
      %dma_wait3A = arith.constant 0 : i32
      %dma_wait3A_723 = tpu.memref_slice %arg12[%while3A_716, %dma_wait3A] : memref<33x128xi32, #tpu.memory_space<vmem>> -> memref<1x128xi32, #tpu.memory_space<vmem>>
      %dma_wait3A_724 = tpu.memref_squeeze %dma_wait3A_723 : memref<1x128xi32, #tpu.memory_space<vmem>> -> memref<128xi32, #tpu.memory_space<vmem>>
      %dma_wait3A_725 = arith.constant 0 : i32
      %dma_wait3A_726 = arith.constant 0 : i32
      %dma_wait3A_727 = tpu.memref_slice %arg3[%dma_wait3A_725, %dma_wait3A_726] : memref<500000x128xf32, #tpu.memory_space<hbm>> -> memref<500000x128xf32, #tpu.memory_space<hbm>>
      tpu.wait_indirect_dma semaphore(%arg17 : memref<!tpu.dma_semaphore, #tpu.memory_space<semaphore_mem>>) src(%dma_wait3A_727 : memref<500000x128xf32, #tpu.memory_space<hbm>>) dst(%arg15 : memref<128x128xf32, #tpu.memory_space<vmem>>)
      %mul3A_728 = arith.constant 128 : i32
      %mul3A_729 = arith.muli %while3A_716, %mul3A_728 : i32
      %dma_start3A_730 = tpu.memref_slice %arg14[%mul3A_729] : memref<4224xi32, #tpu.memory_space<vmem>> -> memref<128xi32, #tpu.memory_space<vmem>>
      %dma_start3A_731 = arith.constant 0 : i32
      %dma_start3A_732 = arith.constant 0 : i32
      %dma_start3A_733 = tpu.memref_slice %arg7[%dma_start3A_731, %dma_start3A_732] : memref<16384x128xf32, #tpu.memory_space<hbm>> -> memref<16384x128xf32, #tpu.memory_space<hbm>>
      tpu.enqueue_indirect_dma source(%dma_start3A_733 : memref<16384x128xf32, #tpu.memory_space<hbm>>) target(%arg16 : memref<128x128xf32, #tpu.memory_space<vmem>>) offsets(%dma_start3A_730 : memref<128xi32, #tpu.memory_space<vmem>>) semaphore(%arg17 : memref<!tpu.dma_semaphore, #tpu.memory_space<semaphore_mem>>)
      %dma_wait3A_734 = tpu.memref_slice %arg14[%mul3A_729] : memref<4224xi32, #tpu.memory_space<vmem>> -> memref<128xi32, #tpu.memory_space<vmem>>
      %dma_wait3A_735 = arith.constant 0 : i32
      %dma_wait3A_736 = arith.constant 0 : i32
      %dma_wait3A_737 = tpu.memref_slice %arg7[%dma_wait3A_735, %dma_wait3A_736] : memref<16384x128xf32, #tpu.memory_space<hbm>> -> memref<16384x128xf32, #tpu.memory_space<hbm>>
      tpu.wait_indirect_dma semaphore(%arg17 : memref<!tpu.dma_semaphore, #tpu.memory_space<semaphore_mem>>) src(%dma_wait3A_737 : memref<16384x128xf32, #tpu.memory_space<hbm>>) dst(%arg16 : memref<128x128xf32, #tpu.memory_space<vmem>>)
      %scan3A_738 = arith.constant 0 : i32
      %scan3A_739 = arith.constant 0 : i32
      %scan3A_740 = arith.constant 128 : i32
      %scan3A_741 = arith.addi %scan3A_739, %scan3A_740 : i32
      %scan3A_742 = arith.constant 1 : i32
      %scan3A_743 = scf.for %scan3A_758 = %scan3A_739 to %scan3A_741 step %scan3A_742 iter_args(%scan3A_759 = %scan3A_738) -> (i32)  : i32 {
        %get3A_760 = arith.index_cast %scan3A_758 : i32 to index
        %get3A_761 = arith.constant 0 : index
        %get3A_762 = tpu.vector_load %arg16[%get3A_760, %get3A_761] {strides = array<i32>} : memref<128x128xf32, #tpu.memory_space<vmem>>, vector<16xf32>,
        %swap3A = arith.index_cast %scan3A_758 : i32 to index
        %swap3A_763 = arith.constant 64 : index
        %swap3A_764 = tpu.vector_load %arg15[%swap3A, %swap3A_763] {strides = array<i32>} : memref<128x128xf32, #tpu.memory_space<vmem>>, vector<16xf32>,
        tpu.vector_store %arg15[%swap3A, %swap3A_763], %get3A_762 {strides = array<i32>} : memref<128x128xf32, #tpu.memory_space<vmem>>, vector<16xf32>,
        %get3A_765 = arith.index_cast %scan3A_758 : i32 to index
        %get3A_766 = arith.constant 16 : index
        %get3A_767 = tpu.vector_load %arg16[%get3A_765, %get3A_766] {strides = array<i32>} : memref<128x128xf32, #tpu.memory_space<vmem>>, vector<16xf32>,
        %swap3A_768 = arith.index_cast %scan3A_758 : i32 to index
        %swap3A_769 = arith.constant 80 : index
        %swap3A_770 = tpu.vector_load %arg15[%swap3A_768, %swap3A_769] {strides = array<i32>} : memref<128x128xf32, #tpu.memory_space<vmem>>, vector<16xf32>,
        tpu.vector_store %arg15[%swap3A_768, %swap3A_769], %get3A_767 {strides = array<i32>} : memref<128x128xf32, #tpu.memory_space<vmem>>, vector<16xf32>,
        %get3A_771 = arith.index_cast %scan3A_758 : i32 to index
        %get3A_772 = arith.constant 32 : index
        %get3A_773 = tpu.vector_load %arg16[%get3A_771, %get3A_772] {strides = array<i32>} : memref<128x128xf32, #tpu.memory_space<vmem>>, vector<16xf32>,
        %swap3A_774 = arith.index_cast %scan3A_758 : i32 to index
        %swap3A_775 = arith.constant 96 : index
        %swap3A_776 = tpu.vector_load %arg15[%swap3A_774, %swap3A_775] {strides = array<i32>} : memref<128x128xf32, #tpu.memory_space<vmem>>, vector<16xf32>,
        tpu.vector_store %arg15[%swap3A_774, %swap3A_775], %get3A_773 {strides = array<i32>} : memref<128x128xf32, #tpu.memory_space<vmem>>, vector<16xf32>,
        %get3A_777 = arith.index_cast %scan3A_758 : i32 to index
        %get3A_778 = arith.constant 48 : index
        %get3A_779 = tpu.vector_load %arg16[%get3A_777, %get3A_778] {strides = array<i32>} : memref<128x128xf32, #tpu.memory_space<vmem>>, vector<16xf32>,
        %swap3A_780 = arith.index_cast %scan3A_758 : i32 to index
        %swap3A_781 = arith.constant 112 : index
        %swap3A_782 = tpu.vector_load %arg15[%swap3A_780, %swap3A_781] {strides = array<i32>} : memref<128x128xf32, #tpu.memory_space<vmem>>, vector<16xf32>,
        tpu.vector_store %arg15[%swap3A_780, %swap3A_781], %get3A_779 {strides = array<i32>} : memref<128x128xf32, #tpu.memory_space<vmem>>, vector<16xf32>,
        %scan3A_783 = arith.constant 0 : i32
        scf.yield %scan3A_783 : i32
      }
      %scan3A_744 = arith.constant 128 : i32
      %dma_start3A_745 = arith.constant 0 : i32
      %dma_start3A_746 = tpu.memref_slice %arg12[%while3A_716, %dma_start3A_745] : memref<33x128xi32, #tpu.memory_space<vmem>> -> memref<1x128xi32, #tpu.memory_space<vmem>>
      %dma_start3A_747 = tpu.memref_squeeze %dma_start3A_746 : memref<1x128xi32, #tpu.memory_space<vmem>> -> memref<128xi32, #tpu.memory_space<vmem>>
      %dma_start3A_748 = arith.constant 0 : i32
      %dma_start3A_749 = arith.constant 0 : i32
      %dma_start3A_750 = tpu.memref_slice %arg3[%dma_start3A_748, %dma_start3A_749] : memref<500000x128xf32, #tpu.memory_space<hbm>> -> memref<500000x128xf32, #tpu.memory_space<hbm>>
      tpu.enqueue_indirect_dma source(%arg15 : memref<128x128xf32, #tpu.memory_space<vmem>>) target(%dma_start3A_750 : memref<500000x128xf32, #tpu.memory_space<hbm>>) offsets(%dma_start3A_747 : memref<128xi32, #tpu.memory_space<vmem>>) semaphore(%arg17 : memref<!tpu.dma_semaphore, #tpu.memory_space<semaphore_mem>>)
      %dma_wait3A_751 = arith.constant 0 : i32
      %dma_wait3A_752 = tpu.memref_slice %arg12[%while3A_716, %dma_wait3A_751] : memref<33x128xi32, #tpu.memory_space<vmem>> -> memref<1x128xi32, #tpu.memory_space<vmem>>
      %dma_wait3A_753 = tpu.memref_squeeze %dma_wait3A_752 : memref<1x128xi32, #tpu.memory_space<vmem>> -> memref<128xi32, #tpu.memory_space<vmem>>
      %dma_wait3A_754 = arith.constant 0 : i32
      %dma_wait3A_755 = arith.constant 0 : i32
      %dma_wait3A_756 = tpu.memref_slice %arg3[%dma_wait3A_754, %dma_wait3A_755] : memref<500000x128xf32, #tpu.memory_space<hbm>> -> memref<500000x128xf32, #tpu.memory_space<hbm>>
      tpu.wait_indirect_dma semaphore(%arg17 : memref<!tpu.dma_semaphore, #tpu.memory_space<semaphore_mem>>) src(%arg15 : memref<128x128xf32, #tpu.memory_space<vmem>>) dst(%dma_wait3A_756 : memref<500000x128xf32, #tpu.memory_space<hbm>>)
      %while3A_757 = arith.constant 0 : i32
      scf.yield %while3A_757 : i32
    }
    %while3A_714 = arith.constant 1 : i32
    %while3A_715 = scf.for %while3A_716 = %while3A_711 to %while3A_707 step %while3A_714 iter_args(%while3A_717 = %while3A_713) -> (i32)  : i32 {
      %dma_start3A = arith.constant 0 : i32
      %dma_start3A_718 = tpu.memref_slice %arg12[%while3A_716, %dma_start3A] : memref<33x128xi32, #tpu.memory_space<vmem>> -> memref<1x128xi32, #tpu.memory_space<vmem>>
      %dma_start3A_719 = tpu.memref_squeeze %dma_start3A_718 : memref<1x128xi32, #tpu.memory_space<vmem>> -> memref<128xi32, #tpu.memory_space<vmem>>
      %dma_start3A_720 = arith.constant 0 : i32
      %dma_start3A_721 = arith.constant 0 : i32
      %dma_start3A_722 = tpu.memref_slice %arg3[%dma_start3A_720, %dma_start3A_721] : memref<500000x128xf32, #tpu.memory_space<hbm>> -> memref<500000x128xf32, #tpu.memory_space<hbm>>
      tpu.enqueue_indirect_dma source(%dma_start3A_722 : memref<500000x128xf32, #tpu.memory_space<hbm>>) target(%arg15 : memref<128x128xf32, #tpu.memory_space<vmem>>) offsets(%dma_start3A_719 : memref<128xi32, #tpu.memory_space<vmem>>) semaphore(%arg17 : memref<!tpu.dma_semaphore, #tpu.memory_space<semaphore_mem>>)
      %dma_wait3A = arith.constant 0 : i32
      %dma_wait3A_723 = tpu.memref_slice %arg12[%while3A_716, %dma_wait3A] : memref<33x128xi32, #tpu.memory_space<vmem>> -> memref<1x128xi32, #tpu.memory_space<vmem>>
      %dma_wait3A_724 = tpu.memref_squeeze %dma_wait3A_723 : memref<1x128xi32, #tpu.memory_space<vmem>> -> memref<128xi32, #tpu.memory_space<vmem>>
      %dma_wait3A_725 = arith.constant 0 : i32
      %dma_wait3A_726 = arith.constant 0 : i32
      %dma_wait3A_727 = tpu.memref_slice %arg3[%dma_wait3A_725, %dma_wait3A_726] : memref<500000x128xf32, #tpu.memory_space<hbm>> -> memref<500000x128xf32, #tpu.memory_space<hbm>>
      tpu.wait_indirect_dma semaphore(%arg17 : memref<!tpu.dma_semaphore, #tpu.memory_space<semaphore_mem>>) src(%dma_wait3A_727 : memref<500000x128xf32, #tpu.memory_space<hbm>>) dst(%arg15 : memref<128x128xf32, #tpu.memory_space<vmem>>)
      %mul3A_728 = arith.constant 128 : i32
      %mul3A_729 = arith.muli %while3A_716, %mul3A_728 : i32
      %dma_start3A_730 = tpu.memref_slice %arg14[%mul3A_729] : memref<4224xi32, #tpu.memory_space<vmem>> -> memref<128xi32, #tpu.memory_space<vmem>>
      %dma_start3A_731 = arith.constant 0 : i32
      %dma_start3A_732 = arith.constant 0 : i32
      %dma_start3A_733 = tpu.memref_slice %arg7[%dma_start3A_731, %dma_start3A_732] : memref<16384x128xf32, #tpu.memory_space<hbm>> -> memref<16384x128xf32, #tpu.memory_space<hbm>>
      tpu.enqueue_indirect_dma source(%dma_start3A_733 : memref<16384x128xf32, #tpu.memory_space<hbm>>) target(%arg16 : memref<128x128xf32, #tpu.memory_space<vmem>>) offsets(%dma_start3A_730 : memref<128xi32, #tpu.memory_space<vmem>>) semaphore(%arg17 : memref<!tpu.dma_semaphore, #tpu.memory_space<semaphore_mem>>)
      %dma_wait3A_734 = tpu.memref_slice %arg14[%mul3A_729] : memref<4224xi32, #tpu.memory_space<vmem>> -> memref<128xi32, #tpu.memory_space<vmem>>
      %dma_wait3A_735 = arith.constant 0 : i32
      %dma_wait3A_736 = arith.constant 0 : i32
      %dma_wait3A_737 = tpu.memref_slice %arg7[%dma_wait3A_735, %dma_wait3A_736] : memref<16384x128xf32, #tpu.memory_space<hbm>> -> memref<16384x128xf32, #tpu.memory_space<hbm>>
      tpu.wait_indirect_dma semaphore(%arg17 : memref<!tpu.dma_semaphore, #tpu.memory_space<semaphore_mem>>) src(%dma_wait3A_737 : memref<16384x128xf32, #tpu.memory_space<hbm>>) dst(%arg16 : memref<128x128xf32, #tpu.memory_space<vmem>>)
      %scan3A_738 = arith.constant 0 : i32
      %scan3A_739 = arith.constant 0 : i32
      %scan3A_740 = arith.constant 128 : i32
      %scan3A_741 = arith.addi %scan3A_739, %scan3A_740 : i32
      %scan3A_742 = arith.constant 1 : i32
      %scan3A_743 = scf.for %scan3A_758 = %scan3A_739 to %scan3A_741 step %scan3A_742 iter_args(%scan3A_759 = %scan3A_738) -> (i32)  : i32 {
        %get3A_760 = arith.index_cast %scan3A_758 : i32 to index
        %get3A_761 = arith.constant 0 : index
        %get3A_762 = tpu.vector_load %arg16[%get3A_760, %get3A_761] {strides = array<i32>} : memref<128x128xf32, #tpu.memory_space<vmem>>, vector<16xf32>,
        %swap3A = arith.index_cast %scan3A_758 : i32 to index
        %swap3A_763 = arith.constant 64 : index
        %swap3A_764 = tpu.vector_load %arg15[%swap3A, %swap3A_763] {strides = array<i32>} : memref<128x128xf32, #tpu.memory_space<vmem>>, vector<16xf32>,
        tpu.vector_store %arg15[%swap3A, %swap3A_763], %get3A_762 {strides = array<i32>} : memref<128x128xf32, #tpu.memory_space<vmem>>, vector<16xf32>,
        %get3A_765 = arith.index_cast %scan3A_758 : i32 to index
        %get3A_766 = arith.constant 16 : index
        %get3A_767 = tpu.vector_load %arg16[%get3A_765, %get3A_766] {strides = array<i32>} : memref<128x128xf32, #tpu.memory_space<vmem>>, vector<16xf32>,
        %swap3A_768 = arith.index_cast %scan3A_758 : i32 to index
        %swap3A_769 = arith.constant 80 : index
        %swap3A_770 = tpu.vector_load %arg15[%swap3A_768, %swap3A_769] {strides = array<i32>} : memref<128x128xf32, #tpu.memory_space<vmem>>, vector<16xf32>,
        tpu.vector_store %arg15[%swap3A_768, %swap3A_769], %get3A_767 {strides = array<i32>} : memref<128x128xf32, #tpu.memory_space<vmem>>, vector<16xf32>,
        %get3A_771 = arith.index_cast %scan3A_758 : i32 to index
        %get3A_772 = arith.constant 32 : index
        %get3A_773 = tpu.vector_load %arg16[%get3A_771, %get3A_772] {strides = array<i32>} : memref<128x128xf32, #tpu.memory_space<vmem>>, vector<16xf32>,
        %swap3A_774 = arith.index_cast %scan3A_758 : i32 to index
        %swap3A_775 = arith.constant 96 : index
        %swap3A_776 = tpu.vector_load %arg15[%swap3A_774, %swap3A_775] {strides = array<i32>} : memref<128x128xf32, #tpu.memory_space<vmem>>, vector<16xf32>,
        tpu.vector_store %arg15[%swap3A_774, %swap3A_775], %get3A_773 {strides = array<i32>} : memref<128x128xf32, #tpu.memory_space<vmem>>, vector<16xf32>,
        %get3A_777 = arith.index_cast %scan3A_758 : i32 to index
        %get3A_778 = arith.constant 48 : index
        %get3A_779 = tpu.vector_load %arg16[%get3A_777, %get3A_778] {strides = array<i32>} : memref<128x128xf32, #tpu.memory_space<vmem>>, vector<16xf32>,
        %swap3A_780 = arith.index_cast %scan3A_758 : i32 to index
        %swap3A_781 = arith.constant 112 : index
        %swap3A_782 = tpu.vector_load %arg15[%swap3A_780, %swap3A_781] {strides = array<i32>} : memref<128x128xf32, #tpu.memory_space<vmem>>, vector<16xf32>,
        tpu.vector_store %arg15[%swap3A_780, %swap3A_781], %get3A_779 {strides = array<i32>} : memref<128x128xf32, #tpu.memory_space<vmem>>, vector<16xf32>,
        %scan3A_783 = arith.constant 0 : i32
        scf.yield %scan3A_783 : i32
      }
      %scan3A_744 = arith.constant 128 : i32
      %dma_start3A_745 = arith.constant 0 : i32
      %dma_start3A_746 = tpu.memref_slice %arg12[%while3A_716, %dma_start3A_745] : memref<33x128xi32, #tpu.memory_space<vmem>> -> memref<1x128xi32, #tpu.memory_space<vmem>>
      %dma_start3A_747 = tpu.memref_squeeze %dma_start3A_746 : memref<1x128xi32, #tpu.memory_space<vmem>> -> memref<128xi32, #tpu.memory_space<vmem>>
      %dma_start3A_748 = arith.constant 0 : i32
      %dma_start3A_749 = arith.constant 0 : i32
      %dma_start3A_750 = tpu.memref_slice %arg3[%dma_start3A_748, %dma_start3A_749] : memref<500000x128xf32, #tpu.memory_space<hbm>> -> memref<500000x128xf32, #tpu.memory_space<hbm>>
      tpu.enqueue_indirect_dma source(%arg15 : memref<128x128xf32, #tpu.memory_space<vmem>>) target(%dma_start3A_750 : memref<500000x128xf32, #tpu.memory_space<hbm>>) offsets(%dma_start3A_747 : memref<128xi32, #tpu.memory_space<vmem>>) semaphore(%arg17 : memref<!tpu.dma_semaphore, #tpu.memory_space<semaphore_mem>>)
      %dma_wait3A_751 = arith.constant 0 : i32
      %dma_wait3A_752 = tpu.memref_slice %arg12[%while3A_716, %dma_wait3A_751] : memref<33x128xi32, #tpu.memory_space<vmem>> -> memref<1x128xi32, #tpu.memory_space<vmem>>
      %dma_wait3A_753 = tpu.memref_squeeze %dma_wait3A_752 : memref<1x128xi32, #tpu.memory_space<vmem>> -> memref<128xi32, #tpu.memory_space<vmem>>
      %dma_wait3A_754 = arith.constant 0 : i32
      %dma_wait3A_755 = arith.constant 0 : i32
      %dma_wait3A_756 = tpu.memref_slice %arg3[%dma_wait3A_754, %dma_wait3A_755] : memref<500000x128xf32, #tpu.memory_space<hbm>> -> memref<500000x128xf32, #tpu.memory_space<hbm>>
      tpu.wait_indirect_dma semaphore(%arg17 : memref<!tpu.dma_semaphore, #tpu.memory_space<semaphore_mem>>) src(%arg15 : memref<128x128xf32, #tpu.memory_space<vmem>>) dst(%dma_wait3A_756 : memref<500000x128xf32, #tpu.memory_space<hbm>>)
      %while3A_757 = arith.constant 0 : i32
      scf.yield %while3A_757 : i32
    }
    return
  }
}

#map = affine_map<(d0, d1) -> (0, 0)>
#map1 = affine_map<(d0, d1) -> (0)>
module attributes {stable_mosaic.version = 14 : i64} {
  func.func @k(%arg0: i32, %arg1: i32, %arg2: memref<500000x128xf32, #tpu.memory_space<hbm>>, %arg3: memref<500000x128xf32, #tpu.memory_space<hbm>>, %arg4: memref<16384xi32, #tpu.memory_space<hbm>>, %arg5: memref<16384xi32, #tpu.memory_space<hbm>>, %arg6: memref<16384x128xf32, #tpu.memory_space<hbm>>, %arg7: memref<16384x128xf32, #tpu.memory_space<hbm>>, %arg8: memref<512xi32, #tpu.memory_space<vmem>>, %arg9: memref<512x128xf32, #tpu.memory_space<vmem>>, %arg10: memref<!tpu.dma_semaphore, #tpu.memory_space<semaphore_mem>>) attributes {dimension_semantics = [#tpu.dimension_semantics<core_parallel>, #tpu.dimension_semantics<subcore_parallel>], iteration_bounds = array<i64: 2, 16>, scalar_prefetch = 0 : i64, scratch_operands = 3 : i64, tpu.core_type = #tpu.core_type<sc_vector_subcore>, window_params = [{transform_indices = #map}, {transform_indices = #map}, {transform_indices = #map1}, {transform_indices = #map1}, {transform_indices = #map}, {transform_indices = #map}]} {
    %mul3A = arith.constant 2 : i32
    %mul3A_0 = arith.muli %arg1, %mul3A : i32
    %add3A = arith.addi %mul3A_0, %arg0 : i32
    %mul3A_1 = arith.constant 512 : i32
    %mul3A_2 = arith.muli %add3A, %mul3A_1 : i32
    "tpu.region"() ({
      %run_scoped3A = tpu.sem_alloc : memref<!tpu.dma_semaphore, #tpu.memory_space<semaphore_mem>>
      %dma_start3A_129 = tpu.memref_slice %arg4[%mul3A_2] : memref<16384xi32, #tpu.memory_space<hbm>> -> memref<512xi32, #tpu.memory_space<hbm>>
      %dma_start3A_130 = tpu.memref_slice %arg4[%mul3A_2] : memref<16384xi32, #tpu.memory_space<hbm>> -> memref<512xi32, #tpu.memory_space<hbm>>
      tpu.enqueue_dma source(%dma_start3A_130 : memref<512xi32, #tpu.memory_space<hbm>>) target(%arg8 : memref<512xi32, #tpu.memory_space<vmem>>) target_semaphore(%run_scoped3A : memref<!tpu.dma_semaphore, #tpu.memory_space<semaphore_mem>>)
      %dma_wait3A_131 = tpu.memref_slice %arg4[%mul3A_2] : memref<16384xi32, #tpu.memory_space<hbm>> -> memref<512xi32, #tpu.memory_space<hbm>>
      %dma_wait3A_132 = tpu.memref_slice %arg4[%mul3A_2] : memref<16384xi32, #tpu.memory_space<hbm>> -> memref<512xi32, #tpu.memory_space<hbm>>
      tpu.wait_dma2 semaphore(%run_scoped3A : memref<!tpu.dma_semaphore, #tpu.memory_space<semaphore_mem>>) src(%dma_wait3A_132 : memref<512xi32, #tpu.memory_space<hbm>>) dst(%arg8 : memref<512xi32, #tpu.memory_space<vmem>>)
      tpu.yield
    }) : () -> ()
    %dma_start3A = arith.constant 0 : i32
    %dma_start3A_3 = arith.constant 0 : i32
    %dma_start3A_4 = tpu.memref_slice %arg9[%dma_start3A, %dma_start3A_3] : memref<512x128xf32, #tpu.memory_space<vmem>> -> memref<128x128xf32, #tpu.memory_space<vmem>>
    %dma_start3A_5 = arith.constant 0 : i32
    %dma_start3A_6 = tpu.memref_slice %arg8[%dma_start3A_5] : memref<512xi32, #tpu.memory_space<vmem>> -> memref<128xi32, #tpu.memory_space<vmem>>
    %dma_start3A_7 = arith.constant 0 : i32
    %dma_start3A_8 = arith.constant 0 : i32
    %dma_start3A_9 = tpu.memref_slice %arg2[%dma_start3A_7, %dma_start3A_8] : memref<500000x128xf32, #tpu.memory_space<hbm>> -> memref<500000x128xf32, #tpu.memory_space<hbm>>
    tpu.enqueue_indirect_dma source(%dma_start3A_9 : memref<500000x128xf32, #tpu.memory_space<hbm>>) target(%dma_start3A_4 : memref<128x128xf32, #tpu.memory_space<vmem>>) offsets(%dma_start3A_6 : memref<128xi32, #tpu.memory_space<vmem>>) semaphore(%arg10 : memref<!tpu.dma_semaphore, #tpu.memory_space<semaphore_mem>>)
    %dma_start3A_10 = arith.constant 128 : i32
    %dma_start3A_11 = arith.constant 0 : i32
    %dma_start3A_12 = tpu.memref_slice %arg9[%dma_start3A_10, %dma_start3A_11] : memref<512x128xf32, #tpu.memory_space<vmem>> -> memref<128x128xf32, #tpu.memory_space<vmem>>
    %dma_start3A_13 = arith.constant 128 : i32
    %dma_start3A_14 = tpu.memref_slice %arg8[%dma_start3A_13] : memref<512xi32, #tpu.memory_space<vmem>> -> memref<128xi32, #tpu.memory_space<vmem>>
    %dma_start3A_15 = arith.constant 0 : i32
    %dma_start3A_16 = arith.constant 0 : i32
    %dma_start3A_17 = tpu.memref_slice %arg2[%dma_start3A_15, %dma_start3A_16] : memref<500000x128xf32, #tpu.memory_space<hbm>> -> memref<500000x128xf32, #tpu.memory_space<hbm>>
    tpu.enqueue_indirect_dma source(%dma_start3A_17 : memref<500000x128xf32, #tpu.memory_space<hbm>>) target(%dma_start3A_12 : memref<128x128xf32, #tpu.memory_space<vmem>>) offsets(%dma_start3A_14 : memref<128xi32, #tpu.memory_space<vmem>>) semaphore(%arg10 : memref<!tpu.dma_semaphore, #tpu.memory_space<semaphore_mem>>)
    %dma_start3A_18 = arith.constant 256 : i32
    %dma_start3A_19 = arith.constant 0 : i32
    %dma_start3A_20 = tpu.memref_slice %arg9[%dma_start3A_18, %dma_start3A_19] : memref<512x128xf32, #tpu.memory_space<vmem>> -> memref<128x128xf32, #tpu.memory_space<vmem>>
    %dma_start3A_21 = arith.constant 256 : i32
    %dma_start3A_22 = tpu.memref_slice %arg8[%dma_start3A_21] : memref<512xi32, #tpu.memory_space<vmem>> -> memref<128xi32, #tpu.memory_space<vmem>>
    %dma_start3A_23 = arith.constant 0 : i32
    %dma_start3A_24 = arith.constant 0 : i32
    %dma_start3A_25 = tpu.memref_slice %arg2[%dma_start3A_23, %dma_start3A_24] : memref<500000x128xf32, #tpu.memory_space<hbm>> -> memref<500000x128xf32, #tpu.memory_space<hbm>>
    tpu.enqueue_indirect_dma source(%dma_start3A_25 : memref<500000x128xf32, #tpu.memory_space<hbm>>) target(%dma_start3A_20 : memref<128x128xf32, #tpu.memory_space<vmem>>) offsets(%dma_start3A_22 : memref<128xi32, #tpu.memory_space<vmem>>) semaphore(%arg10 : memref<!tpu.dma_semaphore, #tpu.memory_space<semaphore_mem>>)
    %dma_start3A_26 = arith.constant 384 : i32
    %dma_start3A_27 = arith.constant 0 : i32
    %dma_start3A_28 = tpu.memref_slice %arg9[%dma_start3A_26, %dma_start3A_27] : memref<512x128xf32, #tpu.memory_space<vmem>> -> memref<128x128xf32, #tpu.memory_space<vmem>>
    %dma_start3A_29 = arith.constant 384 : i32
    %dma_start3A_30 = tpu.memref_slice %arg8[%dma_start3A_29] : memref<512xi32, #tpu.memory_space<vmem>> -> memref<128xi32, #tpu.memory_space<vmem>>
    %dma_start3A_31 = arith.constant 0 : i32
    %dma_start3A_32 = arith.constant 0 : i32
    %dma_start3A_33 = tpu.memref_slice %arg2[%dma_start3A_31, %dma_start3A_32] : memref<500000x128xf32, #tpu.memory_space<hbm>> -> memref<500000x128xf32, #tpu.memory_space<hbm>>
    tpu.enqueue_indirect_dma source(%dma_start3A_33 : memref<500000x128xf32, #tpu.memory_space<hbm>>) target(%dma_start3A_28 : memref<128x128xf32, #tpu.memory_space<vmem>>) offsets(%dma_start3A_30 : memref<128xi32, #tpu.memory_space<vmem>>) semaphore(%arg10 : memref<!tpu.dma_semaphore, #tpu.memory_space<semaphore_mem>>)
    %dma_wait3A = arith.constant 0 : i32
    %dma_wait3A_34 = arith.constant 0 : i32
    %dma_wait3A_35 = tpu.memref_slice %arg9[%dma_wait3A, %dma_wait3A_34] : memref<512x128xf32, #tpu.memory_space<vmem>> -> memref<128x128xf32, #tpu.memory_space<vmem>>
    %dma_wait3A_36 = arith.constant 0 : i32
    %dma_wait3A_37 = tpu.memref_slice %arg8[%dma_wait3A_36] : memref<512xi32, #tpu.memory_space<vmem>> -> memref<128xi32, #tpu.memory_space<vmem>>
    %dma_wait3A_38 = arith.constant 0 : i32
    %dma_wait3A_39 = arith.constant 0 : i32
    %dma_wait3A_40 = tpu.memref_slice %arg2[%dma_wait3A_38, %dma_wait3A_39] : memref<500000x128xf32, #tpu.memory_space<hbm>> -> memref<500000x128xf32, #tpu.memory_space<hbm>>
    tpu.wait_indirect_dma semaphore(%arg10 : memref<!tpu.dma_semaphore, #tpu.memory_space<semaphore_mem>>) src(%dma_wait3A_40 : memref<500000x128xf32, #tpu.memory_space<hbm>>) dst(%dma_wait3A_35 : memref<128x128xf32, #tpu.memory_space<vmem>>)
    %dma_wait3A_41 = arith.constant 128 : i32
    %dma_wait3A_42 = arith.constant 0 : i32
    %dma_wait3A_43 = tpu.memref_slice %arg9[%dma_wait3A_41, %dma_wait3A_42] : memref<512x128xf32, #tpu.memory_space<vmem>> -> memref<128x128xf32, #tpu.memory_space<vmem>>
    %dma_wait3A_44 = arith.constant 128 : i32
    %dma_wait3A_45 = tpu.memref_slice %arg8[%dma_wait3A_44] : memref<512xi32, #tpu.memory_space<vmem>> -> memref<128xi32, #tpu.memory_space<vmem>>
    %dma_wait3A_46 = arith.constant 0 : i32
    %dma_wait3A_47 = arith.constant 0 : i32
    %dma_wait3A_48 = tpu.memref_slice %arg2[%dma_wait3A_46, %dma_wait3A_47] : memref<500000x128xf32, #tpu.memory_space<hbm>> -> memref<500000x128xf32, #tpu.memory_space<hbm>>
    tpu.wait_indirect_dma semaphore(%arg10 : memref<!tpu.dma_semaphore, #tpu.memory_space<semaphore_mem>>) src(%dma_wait3A_48 : memref<500000x128xf32, #tpu.memory_space<hbm>>) dst(%dma_wait3A_43 : memref<128x128xf32, #tpu.memory_space<vmem>>)
    %dma_wait3A_49 = arith.constant 256 : i32
    %dma_wait3A_50 = arith.constant 0 : i32
    %dma_wait3A_51 = tpu.memref_slice %arg9[%dma_wait3A_49, %dma_wait3A_50] : memref<512x128xf32, #tpu.memory_space<vmem>> -> memref<128x128xf32, #tpu.memory_space<vmem>>
    %dma_wait3A_52 = arith.constant 256 : i32
    %dma_wait3A_53 = tpu.memref_slice %arg8[%dma_wait3A_52] : memref<512xi32, #tpu.memory_space<vmem>> -> memref<128xi32, #tpu.memory_space<vmem>>
    %dma_wait3A_54 = arith.constant 0 : i32
    %dma_wait3A_55 = arith.constant 0 : i32
    %dma_wait3A_56 = tpu.memref_slice %arg2[%dma_wait3A_54, %dma_wait3A_55] : memref<500000x128xf32, #tpu.memory_space<hbm>> -> memref<500000x128xf32, #tpu.memory_space<hbm>>
    tpu.wait_indirect_dma semaphore(%arg10 : memref<!tpu.dma_semaphore, #tpu.memory_space<semaphore_mem>>) src(%dma_wait3A_56 : memref<500000x128xf32, #tpu.memory_space<hbm>>) dst(%dma_wait3A_51 : memref<128x128xf32, #tpu.memory_space<vmem>>)
    %dma_wait3A_57 = arith.constant 384 : i32
    %dma_wait3A_58 = arith.constant 0 : i32
    %dma_wait3A_59 = tpu.memref_slice %arg9[%dma_wait3A_57, %dma_wait3A_58] : memref<512x128xf32, #tpu.memory_space<vmem>> -> memref<128x128xf32, #tpu.memory_space<vmem>>
    %dma_wait3A_60 = arith.constant 384 : i32
    %dma_wait3A_61 = tpu.memref_slice %arg8[%dma_wait3A_60] : memref<512xi32, #tpu.memory_space<vmem>> -> memref<128xi32, #tpu.memory_space<vmem>>
    %dma_wait3A_62 = arith.constant 0 : i32
    %dma_wait3A_63 = arith.constant 0 : i32
    %dma_wait3A_64 = tpu.memref_slice %arg2[%dma_wait3A_62, %dma_wait3A_63] : memref<500000x128xf32, #tpu.memory_space<hbm>> -> memref<500000x128xf32, #tpu.memory_space<hbm>>
    tpu.wait_indirect_dma semaphore(%arg10 : memref<!tpu.dma_semaphore, #tpu.memory_space<semaphore_mem>>) src(%dma_wait3A_64 : memref<500000x128xf32, #tpu.memory_space<hbm>>) dst(%dma_wait3A_59 : memref<128x128xf32, #tpu.memory_space<vmem>>)
    "tpu.region"() ({
      %run_scoped3A = tpu.sem_alloc : memref<!tpu.dma_semaphore, #tpu.memory_space<semaphore_mem>>
      %dma_start3A_129 = arith.constant 0 : i32
      %dma_start3A_130 = tpu.memref_slice %arg6[%mul3A_2, %dma_start3A_129] : memref<16384x128xf32, #tpu.memory_space<hbm>> -> memref<512x128xf32, #tpu.memory_space<hbm>>
      %dma_start3A_131 = arith.constant 0 : i32
      %dma_start3A_132 = tpu.memref_slice %arg6[%mul3A_2, %dma_start3A_131] : memref<16384x128xf32, #tpu.memory_space<hbm>> -> memref<512x128xf32, #tpu.memory_space<hbm>>
      tpu.enqueue_dma source(%arg9 : memref<512x128xf32, #tpu.memory_space<vmem>>) target(%dma_start3A_132 : memref<512x128xf32, #tpu.memory_space<hbm>>) target_semaphore(%run_scoped3A : memref<!tpu.dma_semaphore, #tpu.memory_space<semaphore_mem>>)
      %dma_wait3A_133 = arith.constant 0 : i32
      %dma_wait3A_134 = tpu.memref_slice %arg6[%mul3A_2, %dma_wait3A_133] : memref<16384x128xf32, #tpu.memory_space<hbm>> -> memref<512x128xf32, #tpu.memory_space<hbm>>
      %dma_wait3A_135 = arith.constant 0 : i32
      %dma_wait3A_136 = tpu.memref_slice %arg6[%mul3A_2, %dma_wait3A_135] : memref<16384x128xf32, #tpu.memory_space<hbm>> -> memref<512x128xf32, #tpu.memory_space<hbm>>
      tpu.wait_dma2 semaphore(%run_scoped3A : memref<!tpu.dma_semaphore, #tpu.memory_space<semaphore_mem>>) src(%arg9 : memref<512x128xf32, #tpu.memory_space<vmem>>) dst(%dma_wait3A_136 : memref<512x128xf32, #tpu.memory_space<hbm>>)
      tpu.yield
    }) : () -> ()
    "tpu.region"() ({
      %run_scoped3A = tpu.sem_alloc : memref<!tpu.dma_semaphore, #tpu.memory_space<semaphore_mem>>
      %dma_start3A_129 = tpu.memref_slice %arg5[%mul3A_2] : memref<16384xi32, #tpu.memory_space<hbm>> -> memref<512xi32, #tpu.memory_space<hbm>>
      %dma_start3A_130 = tpu.memref_slice %arg5[%mul3A_2] : memref<16384xi32, #tpu.memory_space<hbm>> -> memref<512xi32, #tpu.memory_space<hbm>>
      tpu.enqueue_dma source(%dma_start3A_130 : memref<512xi32, #tpu.memory_space<hbm>>) target(%arg8 : memref<512xi32, #tpu.memory_space<vmem>>) target_semaphore(%run_scoped3A : memref<!tpu.dma_semaphore, #tpu.memory_space<semaphore_mem>>)
      %dma_wait3A_131 = tpu.memref_slice %arg5[%mul3A_2] : memref<16384xi32, #tpu.memory_space<hbm>> -> memref<512xi32, #tpu.memory_space<hbm>>
      %dma_wait3A_132 = tpu.memref_slice %arg5[%mul3A_2] : memref<16384xi32, #tpu.memory_space<hbm>> -> memref<512xi32, #tpu.memory_space<hbm>>
      tpu.wait_dma2 semaphore(%run_scoped3A : memref<!tpu.dma_semaphore, #tpu.memory_space<semaphore_mem>>) src(%dma_wait3A_132 : memref<512xi32, #tpu.memory_space<hbm>>) dst(%arg8 : memref<512xi32, #tpu.memory_space<vmem>>)
      tpu.yield
    }) : () -> ()
    %dma_start3A_65 = arith.constant 0 : i32
    %dma_start3A_66 = arith.constant 0 : i32
    %dma_start3A_67 = tpu.memref_slice %arg9[%dma_start3A_65, %dma_start3A_66] : memref<512x128xf32, #tpu.memory_space<vmem>> -> memref<128x128xf32, #tpu.memory_space<vmem>>
    %dma_start3A_68 = arith.constant 0 : i32
    %dma_start3A_69 = tpu.memref_slice %arg8[%dma_start3A_68] : memref<512xi32, #tpu.memory_space<vmem>> -> memref<128xi32, #tpu.memory_space<vmem>>
    %dma_start3A_70 = arith.constant 0 : i32
    %dma_start3A_71 = arith.constant 0 : i32
    %dma_start3A_72 = tpu.memref_slice %arg3[%dma_start3A_70, %dma_start3A_71] : memref<500000x128xf32, #tpu.memory_space<hbm>> -> memref<500000x128xf32, #tpu.memory_space<hbm>>
    tpu.enqueue_indirect_dma source(%dma_start3A_72 : memref<500000x128xf32, #tpu.memory_space<hbm>>) target(%dma_start3A_67 : memref<128x128xf32, #tpu.memory_space<vmem>>) offsets(%dma_start3A_69 : memref<128xi32, #tpu.memory_space<vmem>>) semaphore(%arg10 : memref<!tpu.dma_semaphore, #tpu.memory_space<semaphore_mem>>)
    %dma_start3A_73 = arith.constant 128 : i32
    %dma_start3A_74 = arith.constant 0 : i32
    %dma_start3A_75 = tpu.memref_slice %arg9[%dma_start3A_73, %dma_start3A_74] : memref<512x128xf32, #tpu.memory_space<vmem>> -> memref<128x128xf32, #tpu.memory_space<vmem>>
    %dma_start3A_76 = arith.constant 128 : i32
    %dma_start3A_77 = tpu.memref_slice %arg8[%dma_start3A_76] : memref<512xi32, #tpu.memory_space<vmem>> -> memref<128xi32, #tpu.memory_space<vmem>>
    %dma_start3A_78 = arith.constant 0 : i32
    %dma_start3A_79 = arith.constant 0 : i32
    %dma_start3A_80 = tpu.memref_slice %arg3[%dma_start3A_78, %dma_start3A_79] : memref<500000x128xf32, #tpu.memory_space<hbm>> -> memref<500000x128xf32, #tpu.memory_space<hbm>>
    tpu.enqueue_indirect_dma source(%dma_start3A_80 : memref<500000x128xf32, #tpu.memory_space<hbm>>) target(%dma_start3A_75 : memref<128x128xf32, #tpu.memory_space<vmem>>) offsets(%dma_start3A_77 : memref<128xi32, #tpu.memory_space<vmem>>) semaphore(%arg10 : memref<!tpu.dma_semaphore, #tpu.memory_space<semaphore_mem>>)
    %dma_start3A_81 = arith.constant 256 : i32
    %dma_start3A_82 = arith.constant 0 : i32
    %dma_start3A_83 = tpu.memref_slice %arg9[%dma_start3A_81, %dma_start3A_82] : memref<512x128xf32, #tpu.memory_space<vmem>> -> memref<128x128xf32, #tpu.memory_space<vmem>>
    %dma_start3A_84 = arith.constant 256 : i32
    %dma_start3A_85 = tpu.memref_slice %arg8[%dma_start3A_84] : memref<512xi32, #tpu.memory_space<vmem>> -> memref<128xi32, #tpu.memory_space<vmem>>
    %dma_start3A_86 = arith.constant 0 : i32
    %dma_start3A_87 = arith.constant 0 : i32
    %dma_start3A_88 = tpu.memref_slice %arg3[%dma_start3A_86, %dma_start3A_87] : memref<500000x128xf32, #tpu.memory_space<hbm>> -> memref<500000x128xf32, #tpu.memory_space<hbm>>
    tpu.enqueue_indirect_dma source(%dma_start3A_88 : memref<500000x128xf32, #tpu.memory_space<hbm>>) target(%dma_start3A_83 : memref<128x128xf32, #tpu.memory_space<vmem>>) offsets(%dma_start3A_85 : memref<128xi32, #tpu.memory_space<vmem>>) semaphore(%arg10 : memref<!tpu.dma_semaphore, #tpu.memory_space<semaphore_mem>>)
    %dma_start3A_89 = arith.constant 384 : i32
    %dma_start3A_90 = arith.constant 0 : i32
    %dma_start3A_91 = tpu.memref_slice %arg9[%dma_start3A_89, %dma_start3A_90] : memref<512x128xf32, #tpu.memory_space<vmem>> -> memref<128x128xf32, #tpu.memory_space<vmem>>
    %dma_start3A_92 = arith.constant 384 : i32
    %dma_start3A_93 = tpu.memref_slice %arg8[%dma_start3A_92] : memref<512xi32, #tpu.memory_space<vmem>> -> memref<128xi32, #tpu.memory_space<vmem>>
    %dma_start3A_94 = arith.constant 0 : i32
    %dma_start3A_95 = arith.constant 0 : i32
    %dma_start3A_96 = tpu.memref_slice %arg3[%dma_start3A_94, %dma_start3A_95] : memref<500000x128xf32, #tpu.memory_space<hbm>> -> memref<500000x128xf32, #tpu.memory_space<hbm>>
    tpu.enqueue_indirect_dma source(%dma_start3A_96 : memref<500000x128xf32, #tpu.memory_space<hbm>>) target(%dma_start3A_91 : memref<128x128xf32, #tpu.memory_space<vmem>>) offsets(%dma_start3A_93 : memref<128xi32, #tpu.memory_space<vmem>>) semaphore(%arg10 : memref<!tpu.dma_semaphore, #tpu.memory_space<semaphore_mem>>)
    %dma_wait3A_97 = arith.constant 0 : i32
    %dma_wait3A_98 = arith.constant 0 : i32
    %dma_wait3A_99 = tpu.memref_slice %arg9[%dma_wait3A_97, %dma_wait3A_98] : memref<512x128xf32, #tpu.memory_space<vmem>> -> memref<128x128xf32, #tpu.memory_space<vmem>>
    %dma_wait3A_100 = arith.constant 0 : i32
    %dma_wait3A_101 = tpu.memref_slice %arg8[%dma_wait3A_100] : memref<512xi32, #tpu.memory_space<vmem>> -> memref<128xi32, #tpu.memory_space<vmem>>
    %dma_wait3A_102 = arith.constant 0 : i32
    %dma_wait3A_103 = arith.constant 0 : i32
    %dma_wait3A_104 = tpu.memref_slice %arg3[%dma_wait3A_102, %dma_wait3A_103] : memref<500000x128xf32, #tpu.memory_space<hbm>> -> memref<500000x128xf32, #tpu.memory_space<hbm>>
    tpu.wait_indirect_dma semaphore(%arg10 : memref<!tpu.dma_semaphore, #tpu.memory_space<semaphore_mem>>) src(%dma_wait3A_104 : memref<500000x128xf32, #tpu.memory_space<hbm>>) dst(%dma_wait3A_99 : memref<128x128xf32, #tpu.memory_space<vmem>>)
    %dma_wait3A_105 = arith.constant 128 : i32
    %dma_wait3A_106 = arith.constant 0 : i32
    %dma_wait3A_107 = tpu.memref_slice %arg9[%dma_wait3A_105, %dma_wait3A_106] : memref<512x128xf32, #tpu.memory_space<vmem>> -> memref<128x128xf32, #tpu.memory_space<vmem>>
    %dma_wait3A_108 = arith.constant 128 : i32
    %dma_wait3A_109 = tpu.memref_slice %arg8[%dma_wait3A_108] : memref<512xi32, #tpu.memory_space<vmem>> -> memref<128xi32, #tpu.memory_space<vmem>>
    %dma_wait3A_110 = arith.constant 0 : i32
    %dma_wait3A_111 = arith.constant 0 : i32
    %dma_wait3A_112 = tpu.memref_slice %arg3[%dma_wait3A_110, %dma_wait3A_111] : memref<500000x128xf32, #tpu.memory_space<hbm>> -> memref<500000x128xf32, #tpu.memory_space<hbm>>
    tpu.wait_indirect_dma semaphore(%arg10 : memref<!tpu.dma_semaphore, #tpu.memory_space<semaphore_mem>>) src(%dma_wait3A_112 : memref<500000x128xf32, #tpu.memory_space<hbm>>) dst(%dma_wait3A_107 : memref<128x128xf32, #tpu.memory_space<vmem>>)
    %dma_wait3A_113 = arith.constant 256 : i32
    %dma_wait3A_114 = arith.constant 0 : i32
    %dma_wait3A_115 = tpu.memref_slice %arg9[%dma_wait3A_113, %dma_wait3A_114] : memref<512x128xf32, #tpu.memory_space<vmem>> -> memref<128x128xf32, #tpu.memory_space<vmem>>
    %dma_wait3A_116 = arith.constant 256 : i32
    %dma_wait3A_117 = tpu.memref_slice %arg8[%dma_wait3A_116] : memref<512xi32, #tpu.memory_space<vmem>> -> memref<128xi32, #tpu.memory_space<vmem>>
    %dma_wait3A_118 = arith.constant 0 : i32
    %dma_wait3A_119 = arith.constant 0 : i32
    %dma_wait3A_120 = tpu.memref_slice %arg3[%dma_wait3A_118, %dma_wait3A_119] : memref<500000x128xf32, #tpu.memory_space<hbm>> -> memref<500000x128xf32, #tpu.memory_space<hbm>>
    tpu.wait_indirect_dma semaphore(%arg10 : memref<!tpu.dma_semaphore, #tpu.memory_space<semaphore_mem>>) src(%dma_wait3A_120 : memref<500000x128xf32, #tpu.memory_space<hbm>>) dst(%dma_wait3A_115 : memref<128x128xf32, #tpu.memory_space<vmem>>)
    %dma_wait3A_121 = arith.constant 384 : i32
    %dma_wait3A_122 = arith.constant 0 : i32
    %dma_wait3A_123 = tpu.memref_slice %arg9[%dma_wait3A_121, %dma_wait3A_122] : memref<512x128xf32, #tpu.memory_space<vmem>> -> memref<128x128xf32, #tpu.memory_space<vmem>>
    %dma_wait3A_124 = arith.constant 384 : i32
    %dma_wait3A_125 = tpu.memref_slice %arg8[%dma_wait3A_124] : memref<512xi32, #tpu.memory_space<vmem>> -> memref<128xi32, #tpu.memory_space<vmem>>
    %dma_wait3A_126 = arith.constant 0 : i32
    %dma_wait3A_127 = arith.constant 0 : i32
    %dma_wait3A_128 = tpu.memref_slice %arg3[%dma_wait3A_126, %dma_wait3A_127] : memref<500000x128xf32, #tpu.memory_space<hbm>> -> memref<500000x128xf32, #tpu.memory_space<hbm>>
    tpu.wait_indirect_dma semaphore(%arg10 : memref<!tpu.dma_semaphore, #tpu.memory_space<semaphore_mem>>) src(%dma_wait3A_128 : memref<500000x128xf32, #tpu.memory_space<hbm>>) dst(%dma_wait3A_123 : memref<128x128xf32, #tpu.memory_space<vmem>>)
    "tpu.region"() ({
      %run_scoped3A = tpu.sem_alloc : memref<!tpu.dma_semaphore, #tpu.memory_space<semaphore_mem>>
      %dma_start3A_129 = arith.constant 0 : i32
      %dma_start3A_130 = tpu.memref_slice %arg7[%mul3A_2, %dma_start3A_129] : memref<16384x128xf32, #tpu.memory_space<hbm>> -> memref<512x128xf32, #tpu.memory_space<hbm>>
      %dma_start3A_131 = arith.constant 0 : i32
      %dma_start3A_132 = tpu.memref_slice %arg7[%mul3A_2, %dma_start3A_131] : memref<16384x128xf32, #tpu.memory_space<hbm>> -> memref<512x128xf32, #tpu.memory_space<hbm>>
      tpu.enqueue_dma source(%arg9 : memref<512x128xf32, #tpu.memory_space<vmem>>) target(%dma_start3A_132 : memref<512x128xf32, #tpu.memory_space<hbm>>) target_semaphore(%run_scoped3A : memref<!tpu.dma_semaphore, #tpu.memory_space<semaphore_mem>>)
      %dma_wait3A_133 = arith.constant 0 : i32
      %dma_wait3A_134 = tpu.memref_slice %arg7[%mul3A_2, %dma_wait3A_133] : memref<16384x128xf32, #tpu.memory_space<hbm>> -> memref<512x128xf32, #tpu.memory_space<hbm>>
      %dma_wait3A_135 = arith.constant 0 : i32
      %dma_wait3A_136 = tpu.memref_slice %arg7[%mul3A_2, %dma_wait3A_135] : memref<16384x128xf32, #tpu.memory_space<hbm>> -> memref<512x128xf32, #tpu.memory_space<hbm>>
      tpu.wait_dma2 semaphore(%run_scoped3A : memref<!tpu.dma_semaphore, #tpu.memory_space<semaphore_mem>>) src(%arg9 : memref<512x128xf32, #tpu.memory_space<vmem>>) dst(%dma_wait3A_136 : memref<512x128xf32, #tpu.memory_space<hbm>>)
      tpu.yield
    }) : () -> ()
    return
  }
}

module attributes {stable_mosaic.version = 14 : i64} {
  func.func @body(%arg0: i32, %arg1: memref<2048x2x64xf32, #tpu.memory_space<vmem>>, %arg2: memref<2048x128xf32, #tpu.memory_space<vmem>>) attributes {dimension_semantics = [#tpu.dimension_semantics<arbitrary>], iteration_bounds = array<i64: 244>, scalar_prefetch = 0 : i64, scratch_operands = 0 : i64, tpu.core_type = #tpu.core_type<tc>, window_params = [{transform_indices = @transform_0, window_bounds = array<i64: 2048, 2, 64>}, {transform_indices = @transform_1, window_bounds = array<i64: 2048, 128>}]} {
    %get3A = arith.constant 0 : index
    %get3A_0 = arith.constant 0 : index
    %get3A_1 = arith.constant 0 : index
    %get3A_2 = vector.load %arg1[%get3A, %get3A_0, %get3A_1] : memref<2048x2x64xf32, #tpu.memory_space<vmem>>, vector<2048x2x64xf32>
    %slice3A = vector.extract_strided_slice %get3A_2 {offsets = [0, 0, 0], sizes = [2048, 1, 64], strides = [1, 1, 1]} : vector<2048x2x64xf32> to vector<2048x1x64xf32>
    %squeeze3A = vector.shape_cast %slice3A : vector<2048x1x64xf32> to vector<2048x64xf32>
    %slice3A_3 = vector.extract_strided_slice %get3A_2 {offsets = [0, 1, 0], sizes = [2048, 1, 64], strides = [1, 1, 1]} : vector<2048x2x64xf32> to vector<2048x1x64xf32>
    %squeeze3A_4 = vector.shape_cast %slice3A_3 : vector<2048x1x64xf32> to vector<2048x64xf32>
    %concatenate3A = tpu.concatenate %squeeze3A, %squeeze3A_4 in 1 : vector<2048x64xf32>, vector<2048x64xf32> -> vector<2048x128xf32>
    %swap3A = arith.constant 0 : index
    %swap3A_5 = arith.constant 0 : index
    %swap3A_6 = vector.load %arg2[%swap3A, %swap3A_5] : memref<2048x128xf32, #tpu.memory_space<vmem>>, vector<2048x128xf32>
    tpu.vector_store %arg2[%swap3A, %swap3A_5], %concatenate3A {strides = array<i32>} : memref<2048x128xf32, #tpu.memory_space<vmem>>, vector<2048x128xf32>,
    return
  }
  func.func @transform_0(%arg0: i32) -> (i32, i32, i32) {
    %c0_i32 = arith.constant 0 : i32
    %c0_i32_0 = arith.constant 0 : i32
    %c0_i32_1 = arith.constant 0 : i32
    return %arg0, %c0_i32, %c0_i32_0 : i32, i32, i32
  }
  func.func @transform_1(%arg0: i32) -> (i32, i32) {
    %c0_i32 = arith.constant 0 : i32
    %c0_i32_0 = arith.constant 0 : i32
    return %arg0, %c0_i32 : i32, i32
  }
}

module attributes {stable_mosaic.version = 14 : i64} {
  func.func @body(%arg0: i32, %arg1: memref<16384xi32, #tpu.memory_space<vmem>>, %arg2: memref<16384xi32, #tpu.memory_space<vmem>>, %arg3: memref<2048x128xf32, #tpu.memory_space<vmem>>, %arg4: memref<2048x64xf32, #tpu.memory_space<vmem>>, %arg5: memref<2048x128xf32, #tpu.memory_space<vmem>>, %arg6: memref<2048x64xf32, #tpu.memory_space<vmem>>, %arg7: memref<64x256xf32, #tpu.memory_space<vmem>>, %arg8: memref<64x256xf32, #tpu.memory_space<vmem>>, %arg9: memref<512x64xf32, #tpu.memory_space<vmem>>, %arg10: memref<1x256xf32, #tpu.memory_space<vmem>>, %arg11: memref<1x256xf32, #tpu.memory_space<vmem>>, %arg12: memref<1x64xf32, #tpu.memory_space<vmem>>, %arg13: memref<64x256xf32, #tpu.memory_space<vmem>>, %arg14: memref<64x256xf32, #tpu.memory_space<vmem>>, %arg15: memref<512x64xf32, #tpu.memory_space<vmem>>, %arg16: memref<1x256xf32, #tpu.memory_space<vmem>>, %arg17: memref<1x256xf32, #tpu.memory_space<vmem>>, %arg18: memref<1x64xf32, #tpu.memory_space<vmem>>, %arg19: memref<2048x128xf32, #tpu.memory_space<vmem>>, %arg20: memref<2048x128xf32, #tpu.memory_space<vmem>>) attributes {dimension_semantics = [#tpu.dimension_semantics<arbitrary>], iteration_bounds = array<i64: 8>, scalar_prefetch = 0 : i64, scratch_operands = 0 : i64, tpu.core_type = #tpu.core_type<tc>, window_params = [{pipeline_mode = #tpu.pipeline_mode<synchronous>, transform_indices = @transform_0, window_bounds = array<i64: 16384>}, {pipeline_mode = #tpu.pipeline_mode<synchronous>, transform_indices = @transform_1, window_bounds = array<i64: 16384>}, {transform_indices = @transform_2, window_bounds = array<i64: 2048, 128>}, {transform_indices = @transform_3, window_bounds = array<i64: 2048, 64>}, {transform_indices = @transform_4, window_bounds = array<i64: 2048, 128>}, {transform_indices = @transform_5, window_bounds = array<i64: 2048, 64>}, {pipeline_mode = #tpu.pipeline_mode<synchronous>, transform_indices = @transform_6, window_bounds = array<i64: 64, 256>}, {pipeline_mode = #tpu.pipeline_mode<synchronous>, transform_indices = @transform_7, window_bounds = array<i64: 64, 256>}, {pipeline_mode = #tpu.pipeline_mode<synchronous>, transform_indices = @transform_8, window_bounds = array<i64: 512, 64>}, {pipeline_mode = #tpu.pipeline_mode<synchronous>, transform_indices = @transform_9, window_bounds = array<i64: 1, 256>}, {pipeline_mode = #tpu.pipeline_mode<synchronous>, transform_indices = @transform_10, window_bounds = array<i64: 1, 256>}, {pipeline_mode = #tpu.pipeline_mode<synchronous>, transform_indices = @transform_11, window_bounds = array<i64: 1, 64>}, {pipeline_mode = #tpu.pipeline_mode<synchronous>, transform_indices = @transform_12, window_bounds = array<i64: 64, 256>}, {pipeline_mode = #tpu.pipeline_mode<synchronous>, transform_indices = @transform_13, window_bounds = array<i64: 64, 256>}, {pipeline_mode = #tpu.pipeline_mode<synchronous>, transform_indices = @transform_14, window_bounds = array<i64: 512, 64>}, {pipeline_mode = #tpu.pipeline_mode<synchronous>, transform_indices = @transform_15, window_bounds = array<i64: 1, 256>}, {pipeline_mode = #tpu.pipeline_mode<synchronous>, transform_indices = @transform_16, window_bounds = array<i64: 1, 256>}, {pipeline_mode = #tpu.pipeline_mode<synchronous>, transform_indices = @transform_17, window_bounds = array<i64: 1, 64>}, {transform_indices = @transform_18, window_bounds = array<i64: 2048, 128>}, {transform_indices = @transform_19, window_bounds = array<i64: 2048, 128>}]} {
    %mul3A = arith.constant 2048 : i32
    %mul3A_0 = arith.muli %arg0, %mul3A : i32
    %get3A = arith.index_cast %mul3A_0 : i32 to index
    %get3A_1 = vector.load %arg1[%get3A] : memref<16384xi32, #tpu.memory_space<vmem>>, vector<2048xi32>
    %and3A = arith.constant 1 : i32
    %and3A_2 = vector.broadcast %and3A : i32 to vector<2048xi32>
    %and3A_3 = arith.andi %get3A_1, %and3A_2 : vector<2048xi32>
    %broadcast_in_dim3A = vector.shape_cast %and3A_3 : vector<2048xi32> to vector<2048x1xi32>
    %get3A_4 = arith.constant 0 : index
    %get3A_5 = arith.constant 0 : index
    %get3A_6 = vector.load %arg3[%get3A_4, %get3A_5] : memref<2048x128xf32, #tpu.memory_space<vmem>>, vector<2048x128xf32>
    %eq3A = arith.constant 1 : i32
    %eq3A_7 = vector.broadcast %eq3A : i32 to vector<2048x1xi32>
    %eq3A_8 = arith.cmpi eq, %broadcast_in_dim3A, %eq3A_7 : vector<2048x1xi32>
    %slice3A = vector.extract_strided_slice %get3A_6 {offsets = [0, 64], sizes = [2048, 64], strides = [1, 1]} : vector<2048x128xf32> to vector<2048x64xf32>
    %slice3A_9 = vector.extract_strided_slice %get3A_6 {offsets = [0, 0], sizes = [2048, 64], strides = [1, 1]} : vector<2048x128xf32> to vector<2048x64xf32>
    %broadcast_in_dim3A_10 = vector.shape_cast %eq3A_8 : vector<2048x1xi1> to vector<2048x1xi1>
    %broadcast_in_dim3A_11 = vector.broadcast %broadcast_in_dim3A_10 : vector<2048x1xi1> to vector<2048x64xi1>
    %select_n3A = arith.select %broadcast_in_dim3A_11, %slice3A, %slice3A_9 : vector<2048x64xi1>, vector<2048x64xf32>
    %get3A_12 = arith.constant 0 : index
    %get3A_13 = arith.constant 0 : index
    %get3A_14 = vector.load %arg9[%get3A_12, %get3A_13] : memref<512x64xf32, #tpu.memory_space<vmem>>, vector<256x64xf32>
    %get3A_15 = arith.constant 256 : index
    %get3A_16 = arith.constant 0 : index
    %get3A_17 = vector.load %arg9[%get3A_15, %get3A_16] : memref<512x64xf32, #tpu.memory_space<vmem>>, vector<256x64xf32>
    %get3A_18 = arith.constant 0 : index
    %get3A_19 = arith.constant 0 : index
    %get3A_20 = vector.load %arg7[%get3A_18, %get3A_19] : memref<64x256xf32, #tpu.memory_space<vmem>>, vector<64x256xf32>
    %dot_general3A = arith.constant dense<0.000000e+00> : vector<64x64xf32>
    %dot_general3A_21 = tpu.matmul %get3A_20, %get3A_14, %dot_general3A {dimension_numbers = #tpu.dot_dimension_numbers<[1], [0], [0], [1], [0, 0, 1, 1], [], []>, transpose_lhs_hint = false} : vector<64x256xf32>, vector<256x64xf32>, vector<64x64xf32> -> vector<64x64xf32>
    %get3A_22 = arith.constant 0 : index
    %get3A_23 = arith.constant 0 : index
    %get3A_24 = vector.load %arg8[%get3A_22, %get3A_23] : memref<64x256xf32, #tpu.memory_space<vmem>>, vector<64x256xf32>
    %dot_general3A_25 = arith.constant dense<0.000000e+00> : vector<64x64xf32>
    %dot_general3A_26 = tpu.matmul %get3A_24, %get3A_17, %dot_general3A_25 {dimension_numbers = #tpu.dot_dimension_numbers<[1], [0], [0], [1], [0, 0, 1, 1], [], []>, transpose_lhs_hint = false} : vector<64x256xf32>, vector<256x64xf32>, vector<64x64xf32> -> vector<64x64xf32>
    %get3A_27 = arith.constant 0 : index
    %get3A_28 = arith.constant 0 : index
    %get3A_29 = vector.load %arg10[%get3A_27, %get3A_28] : memref<1x256xf32, #tpu.memory_space<vmem>>, vector<1x256xf32>
    %dot_general3A_30 = arith.constant dense<0.000000e+00> : vector<1x64xf32>
    %dot_general3A_31 = tpu.matmul %get3A_29, %get3A_14, %dot_general3A_30 {dimension_numbers = #tpu.dot_dimension_numbers<[1], [0], [0], [1], [0, 0, 1, 1], [], []>, transpose_lhs_hint = false} : vector<1x256xf32>, vector<256x64xf32>, vector<1x64xf32> -> vector<1x64xf32>
    %get3A_32 = arith.constant 0 : index
    %get3A_33 = arith.constant 0 : index
    %get3A_34 = vector.load %arg11[%get3A_32, %get3A_33] : memref<1x256xf32, #tpu.memory_space<vmem>>, vector<1x256xf32>
    %dot_general3A_35 = arith.constant dense<0.000000e+00> : vector<1x64xf32>
    %dot_general3A_36 = tpu.matmul %get3A_34, %get3A_17, %dot_general3A_35 {dimension_numbers = #tpu.dot_dimension_numbers<[1], [0], [0], [1], [0, 0, 1, 1], [], []>, transpose_lhs_hint = false} : vector<1x256xf32>, vector<256x64xf32>, vector<1x64xf32> -> vector<1x64xf32>
    %add3A = arith.addf %dot_general3A_31, %dot_general3A_36 : vector<1x64xf32>
    %get3A_37 = arith.constant 0 : index
    %get3A_38 = arith.constant 0 : index
    %get3A_39 = vector.load %arg12[%get3A_37, %get3A_38] : memref<1x64xf32, #tpu.memory_space<vmem>>, vector<1x64xf32>
    %add3A_40 = arith.addf %add3A, %get3A_39 : vector<1x64xf32>
    %dot_general3A_41 = arith.constant dense<0.000000e+00> : vector<2048x64xf32>
    %dot_general3A_42 = tpu.matmul %select_n3A, %dot_general3A_21, %dot_general3A_41 {dimension_numbers = #tpu.dot_dimension_numbers<[1], [0], [0], [1], [0, 0, 1, 1], [], []>, transpose_lhs_hint = false} : vector<2048x64xf32>, vector<64x64xf32>, vector<2048x64xf32> -> vector<2048x64xf32>
    %get3A_43 = arith.constant 0 : index
    %get3A_44 = arith.constant 0 : index
    %get3A_45 = vector.load %arg4[%get3A_43, %get3A_44] : memref<2048x64xf32, #tpu.memory_space<vmem>>, vector<2048x64xf32>
    %dot_general3A_46 = arith.constant dense<0.000000e+00> : vector<2048x64xf32>
    %dot_general3A_47 = tpu.matmul %get3A_45, %dot_general3A_26, %dot_general3A_46 {dimension_numbers = #tpu.dot_dimension_numbers<[1], [0], [0], [1], [0, 0, 1, 1], [], []>, transpose_lhs_hint = false} : vector<2048x64xf32>, vector<64x64xf32>, vector<2048x64xf32> -> vector<2048x64xf32>
    %add3A_48 = arith.addf %dot_general3A_42, %dot_general3A_47 : vector<2048x64xf32>
    %add3A_49 = vector.broadcast %add3A_40 : vector<1x64xf32> to vector<2048x64xf32>
    %add3A_50 = arith.addf %add3A_48, %add3A_49 : vector<2048x64xf32>
    %concatenate3A = tpu.concatenate %add3A_50, %add3A_50 in 1 : vector<2048x64xf32>, vector<2048x64xf32> -> vector<2048x128xf32>
    %swap3A = arith.constant 0 : index
    %swap3A_51 = arith.constant 0 : index
    %swap3A_52 = vector.load %arg19[%swap3A, %swap3A_51] : memref<2048x128xf32, #tpu.memory_space<vmem>>, vector<2048x128xf32>
    tpu.vector_store %arg19[%swap3A, %swap3A_51], %concatenate3A {strides = array<i32>} : memref<2048x128xf32, #tpu.memory_space<vmem>>, vector<2048x128xf32>,
    %mul3A_53 = arith.constant 2048 : i32
    %mul3A_54 = arith.muli %arg0, %mul3A_53 : i32
    %get3A_55 = arith.index_cast %mul3A_54 : i32 to index
    %get3A_56 = vector.load %arg2[%get3A_55] : memref<16384xi32, #tpu.memory_space<vmem>>, vector<2048xi32>
    %and3A_57 = arith.constant 1 : i32
    %and3A_58 = vector.broadcast %and3A_57 : i32 to vector<2048xi32>
    %and3A_59 = arith.andi %get3A_56, %and3A_58 : vector<2048xi32>
    %broadcast_in_dim3A_60 = vector.shape_cast %and3A_59 : vector<2048xi32> to vector<2048x1xi32>
    %get3A_61 = arith.constant 0 : index
    %get3A_62 = arith.constant 0 : index
    %get3A_63 = vector.load %arg5[%get3A_61, %get3A_62] : memref<2048x128xf32, #tpu.memory_space<vmem>>, vector<2048x128xf32>
    %eq3A_64 = arith.constant 1 : i32
    %eq3A_65 = vector.broadcast %eq3A_64 : i32 to vector<2048x1xi32>
    %eq3A_66 = arith.cmpi eq, %broadcast_in_dim3A_60, %eq3A_65 : vector<2048x1xi32>
    %slice3A_67 = vector.extract_strided_slice %get3A_63 {offsets = [0, 64], sizes = [2048, 64], strides = [1, 1]} : vector<2048x128xf32> to vector<2048x64xf32>
    %slice3A_68 = vector.extract_strided_slice %get3A_63 {offsets = [0, 0], sizes = [2048, 64], strides = [1, 1]} : vector<2048x128xf32> to vector<2048x64xf32>
    %broadcast_in_dim3A_69 = vector.shape_cast %eq3A_66 : vector<2048x1xi1> to vector<2048x1xi1>
    %broadcast_in_dim3A_70 = vector.broadcast %broadcast_in_dim3A_69 : vector<2048x1xi1> to vector<2048x64xi1>
    %select_n3A_71 = arith.select %broadcast_in_dim3A_70, %slice3A_67, %slice3A_68 : vector<2048x64xi1>, vector<2048x64xf32>
    %get3A_72 = arith.constant 0 : index
    %get3A_73 = arith.constant 0 : index
    %get3A_74 = vector.load %arg15[%get3A_72, %get3A_73] : memref<512x64xf32, #tpu.memory_space<vmem>>, vector<256x64xf32>
    %get3A_75 = arith.constant 256 : index
    %get3A_76 = arith.constant 0 : index
    %get3A_77 = vector.load %arg15[%get3A_75, %get3A_76] : memref<512x64xf32, #tpu.memory_space<vmem>>, vector<256x64xf32>
    %get3A_78 = arith.constant 0 : index
    %get3A_79 = arith.constant 0 : index
    %get3A_80 = vector.load %arg13[%get3A_78, %get3A_79] : memref<64x256xf32, #tpu.memory_space<vmem>>, vector<64x256xf32>
    %dot_general3A_81 = arith.constant dense<0.000000e+00> : vector<64x64xf32>
    %dot_general3A_82 = tpu.matmul %get3A_80, %get3A_74, %dot_general3A_81 {dimension_numbers = #tpu.dot_dimension_numbers<[1], [0], [0], [1], [0, 0, 1, 1], [], []>, transpose_lhs_hint = false} : vector<64x256xf32>, vector<256x64xf32>, vector<64x64xf32> -> vector<64x64xf32>
    %get3A_83 = arith.constant 0 : index
    %get3A_84 = arith.constant 0 : index
    %get3A_85 = vector.load %arg14[%get3A_83, %get3A_84] : memref<64x256xf32, #tpu.memory_space<vmem>>, vector<64x256xf32>
    %dot_general3A_86 = arith.constant dense<0.000000e+00> : vector<64x64xf32>
    %dot_general3A_87 = tpu.matmul %get3A_85, %get3A_77, %dot_general3A_86 {dimension_numbers = #tpu.dot_dimension_numbers<[1], [0], [0], [1], [0, 0, 1, 1], [], []>, transpose_lhs_hint = false} : vector<64x256xf32>, vector<256x64xf32>, vector<64x64xf32> -> vector<64x64xf32>
    %get3A_88 = arith.constant 0 : index
    %get3A_89 = arith.constant 0 : index
    %get3A_90 = vector.load %arg16[%get3A_88, %get3A_89] : memref<1x256xf32, #tpu.memory_space<vmem>>, vector<1x256xf32>
    %dot_general3A_91 = arith.constant dense<0.000000e+00> : vector<1x64xf32>
    %dot_general3A_92 = tpu.matmul %get3A_90, %get3A_74, %dot_general3A_91 {dimension_numbers = #tpu.dot_dimension_numbers<[1], [0], [0], [1], [0, 0, 1, 1], [], []>, transpose_lhs_hint = false} : vector<1x256xf32>, vector<256x64xf32>, vector<1x64xf32> -> vector<1x64xf32>
    %get3A_93 = arith.constant 0 : index
    %get3A_94 = arith.constant 0 : index
    %get3A_95 = vector.load %arg17[%get3A_93, %get3A_94] : memref<1x256xf32, #tpu.memory_space<vmem>>, vector<1x256xf32>
    %dot_general3A_96 = arith.constant dense<0.000000e+00> : vector<1x64xf32>
    %dot_general3A_97 = tpu.matmul %get3A_95, %get3A_77, %dot_general3A_96 {dimension_numbers = #tpu.dot_dimension_numbers<[1], [0], [0], [1], [0, 0, 1, 1], [], []>, transpose_lhs_hint = false} : vector<1x256xf32>, vector<256x64xf32>, vector<1x64xf32> -> vector<1x64xf32>
    %add3A_98 = arith.addf %dot_general3A_92, %dot_general3A_97 : vector<1x64xf32>
    %get3A_99 = arith.constant 0 : index
    %get3A_100 = arith.constant 0 : index
    %get3A_101 = vector.load %arg18[%get3A_99, %get3A_100] : memref<1x64xf32, #tpu.memory_space<vmem>>, vector<1x64xf32>
    %add3A_102 = arith.addf %add3A_98, %get3A_101 : vector<1x64xf32>
    %dot_general3A_103 = arith.constant dense<0.000000e+00> : vector<2048x64xf32>
    %dot_general3A_104 = tpu.matmul %select_n3A_71, %dot_general3A_82, %dot_general3A_103 {dimension_numbers = #tpu.dot_dimension_numbers<[1], [0], [0], [1], [0, 0, 1, 1], [], []>, transpose_lhs_hint = false} : vector<2048x64xf32>, vector<64x64xf32>, vector<2048x64xf32> -> vector<2048x64xf32>
    %get3A_105 = arith.constant 0 : index
    %get3A_106 = arith.constant 0 : index
    %get3A_107 = vector.load %arg6[%get3A_105, %get3A_106] : memref<2048x64xf32, #tpu.memory_space<vmem>>, vector<2048x64xf32>
    %dot_general3A_108 = arith.constant dense<0.000000e+00> : vector<2048x64xf32>
    %dot_general3A_109 = tpu.matmul %get3A_107, %dot_general3A_87, %dot_general3A_108 {dimension_numbers = #tpu.dot_dimension_numbers<[1], [0], [0], [1], [0, 0, 1, 1], [], []>, transpose_lhs_hint = false} : vector<2048x64xf32>, vector<64x64xf32>, vector<2048x64xf32> -> vector<2048x64xf32>
    %add3A_110 = arith.addf %dot_general3A_104, %dot_general3A_109 : vector<2048x64xf32>
    %add3A_111 = vector.broadcast %add3A_102 : vector<1x64xf32> to vector<2048x64xf32>
    %add3A_112 = arith.addf %add3A_110, %add3A_111 : vector<2048x64xf32>
    %concatenate3A_113 = tpu.concatenate %add3A_112, %add3A_112 in 1 : vector<2048x64xf32>, vector<2048x64xf32> -> vector<2048x128xf32>
    %swap3A_114 = arith.constant 0 : index
    %swap3A_115 = arith.constant 0 : index
    %swap3A_116 = vector.load %arg20[%swap3A_114, %swap3A_115] : memref<2048x128xf32, #tpu.memory_space<vmem>>, vector<2048x128xf32>
    tpu.vector_store %arg20[%swap3A_114, %swap3A_115], %concatenate3A_113 {strides = array<i32>} : memref<2048x128xf32, #tpu.memory_space<vmem>>, vector<2048x128xf32>,
    return
  }
  func.func @transform_0(%arg0: i32) -> i32 {
    %c0_i32 = arith.constant 0 : i32
    %c0_i32_0 = arith.constant 0 : i32
    return %c0_i32 : i32
  }
  func.func @transform_1(%arg0: i32) -> i32 {
    %c0_i32 = arith.constant 0 : i32
    %c0_i32_0 = arith.constant 0 : i32
    return %c0_i32 : i32
  }
  func.func @transform_2(%arg0: i32) -> (i32, i32) {
    %c0_i32 = arith.constant 0 : i32
    %c0_i32_0 = arith.constant 0 : i32
    return %arg0, %c0_i32 : i32, i32
  }
  func.func @transform_3(%arg0: i32) -> (i32, i32) {
    %c0_i32 = arith.constant 0 : i32
    %c0_i32_0 = arith.constant 0 : i32
    return %arg0, %c0_i32 : i32, i32
  }
  func.func @transform_4(%arg0: i32) -> (i32, i32) {
    %c0_i32 = arith.constant 0 : i32
    %c0_i32_0 = arith.constant 0 : i32
    return %arg0, %c0_i32 : i32, i32
  }
  func.func @transform_5(%arg0: i32) -> (i32, i32) {
    %c0_i32 = arith.constant 0 : i32
    %c0_i32_0 = arith.constant 0 : i32
    return %arg0, %c0_i32 : i32, i32
  }
  func.func @transform_6(%arg0: i32) -> (i32, i32) {
    %c0_i32 = arith.constant 0 : i32
    %c0_i32_0 = arith.constant 0 : i32
    %c0_i32_1 = arith.constant 0 : i32
    return %c0_i32, %c0_i32_0 : i32, i32
  }
  func.func @transform_7(%arg0: i32) -> (i32, i32) {
    %c0_i32 = arith.constant 0 : i32
    %c0_i32_0 = arith.constant 0 : i32
    %c0_i32_1 = arith.constant 0 : i32
    return %c0_i32, %c0_i32_0 : i32, i32
  }
  func.func @transform_8(%arg0: i32) -> (i32, i32) {
    %c0_i32 = arith.constant 0 : i32
    %c0_i32_0 = arith.constant 0 : i32
    %c0_i32_1 = arith.constant 0 : i32
    return %c0_i32, %c0_i32_0 : i32, i32
  }
  func.func @transform_9(%arg0: i32) -> (i32, i32) {
    %c0_i32 = arith.constant 0 : i32
    %c0_i32_0 = arith.constant 0 : i32
    %c0_i32_1 = arith.constant 0 : i32
    return %c0_i32, %c0_i32_0 : i32, i32
  }
  func.func @transform_10(%arg0: i32) -> (i32, i32) {
    %c0_i32 = arith.constant 0 : i32
    %c0_i32_0 = arith.constant 0 : i32
    %c0_i32_1 = arith.constant 0 : i32
    return %c0_i32, %c0_i32_0 : i32, i32
  }
  func.func @transform_11(%arg0: i32) -> (i32, i32) {
    %c0_i32 = arith.constant 0 : i32
    %c0_i32_0 = arith.constant 0 : i32
    %c0_i32_1 = arith.constant 0 : i32
    return %c0_i32, %c0_i32_0 : i32, i32
  }
  func.func @transform_12(%arg0: i32) -> (i32, i32) {
    %c0_i32 = arith.constant 0 : i32
    %c0_i32_0 = arith.constant 0 : i32
    %c0_i32_1 = arith.constant 0 : i32
    return %c0_i32, %c0_i32_0 : i32, i32
  }
  func.func @transform_13(%arg0: i32) -> (i32, i32) {
    %c0_i32 = arith.constant 0 : i32
    %c0_i32_0 = arith.constant 0 : i32
    %c0_i32_1 = arith.constant 0 : i32
    return %c0_i32, %c0_i32_0 : i32, i32
  }
  func.func @transform_14(%arg0: i32) -> (i32, i32) {
    %c0_i32 = arith.constant 0 : i32
    %c0_i32_0 = arith.constant 0 : i32
    %c0_i32_1 = arith.constant 0 : i32
    return %c0_i32, %c0_i32_0 : i32, i32
  }
  func.func @transform_15(%arg0: i32) -> (i32, i32) {
    %c0_i32 = arith.constant 0 : i32
    %c0_i32_0 = arith.constant 0 : i32
    %c0_i32_1 = arith.constant 0 : i32
    return %c0_i32, %c0_i32_0 : i32, i32
  }
  func.func @transform_16(%arg0: i32) -> (i32, i32) {
    %c0_i32 = arith.constant 0 : i32
    %c0_i32_0 = arith.constant 0 : i32
    %c0_i32_1 = arith.constant 0 : i32
    return %c0_i32, %c0_i32_0 : i32, i32
  }
  func.func @transform_17(%arg0: i32) -> (i32, i32) {
    %c0_i32 = arith.constant 0 : i32
    %c0_i32_0 = arith.constant 0 : i32
    %c0_i32_1 = arith.constant 0 : i32
    return %c0_i32, %c0_i32_0 : i32, i32
  }
  func.func @transform_18(%arg0: i32) -> (i32, i32) {
    %c0_i32 = arith.constant 0 : i32
    %c0_i32_0 = arith.constant 0 : i32
    return %arg0, %c0_i32 : i32, i32
  }
  func.func @transform_19(%arg0: i32) -> (i32, i32) {
    %c0_i32 = arith.constant 0 : i32
    %c0_i32_0 = arith.constant 0 : i32
    return %arg0, %c0_i32 : i32, i32
  }
}

module attributes {stable_mosaic.version = 14 : i64} {
  func.func @body(%arg0: i32, %arg1: memref<2048x128xf32, #tpu.memory_space<vmem>>, %arg2: memref<2048x2x64xf32, #tpu.memory_space<vmem>>) attributes {dimension_semantics = [#tpu.dimension_semantics<arbitrary>], iteration_bounds = array<i64: 244>, scalar_prefetch = 0 : i64, scratch_operands = 0 : i64, tpu.core_type = #tpu.core_type<tc>, window_params = [{transform_indices = @transform_0, window_bounds = array<i64: 2048, 128>}, {transform_indices = @transform_1, window_bounds = array<i64: 2048, 2, 64>}]} {
    %get3A = arith.constant 0 : index
    %get3A_0 = arith.constant 0 : index
    %get3A_1 = vector.load %arg1[%get3A, %get3A_0] : memref<2048x128xf32, #tpu.memory_space<vmem>>, vector<2048x128xf32>
    %slice3A = vector.extract_strided_slice %get3A_1 {offsets = [0, 0], sizes = [2048, 64], strides = [1, 1]} : vector<2048x128xf32> to vector<2048x64xf32>
    %broadcast_in_dim3A = vector.shape_cast %slice3A : vector<2048x64xf32> to vector<2048x1x64xf32>
    %slice3A_2 = vector.extract_strided_slice %get3A_1 {offsets = [0, 64], sizes = [2048, 64], strides = [1, 1]} : vector<2048x128xf32> to vector<2048x64xf32>
    %broadcast_in_dim3A_3 = vector.shape_cast %slice3A_2 : vector<2048x64xf32> to vector<2048x1x64xf32>
    %concatenate3A = tpu.concatenate %broadcast_in_dim3A, %broadcast_in_dim3A_3 in 1 : vector<2048x1x64xf32>, vector<2048x1x64xf32> -> vector<2048x2x64xf32>
    %swap3A = arith.constant 0 : index
    %swap3A_4 = arith.constant 0 : index
    %swap3A_5 = arith.constant 0 : index
    %swap3A_6 = vector.load %arg2[%swap3A, %swap3A_4, %swap3A_5] : memref<2048x2x64xf32, #tpu.memory_space<vmem>>, vector<2048x2x64xf32>
    tpu.vector_store %arg2[%swap3A, %swap3A_4, %swap3A_5], %concatenate3A {strides = array<i32>} : memref<2048x2x64xf32, #tpu.memory_space<vmem>>, vector<2048x2x64xf32>,
    return
  }
  func.func @transform_0(%arg0: i32) -> (i32, i32) {
    %c0_i32 = arith.constant 0 : i32
    %c0_i32_0 = arith.constant 0 : i32
    return %arg0, %c0_i32 : i32, i32
  }
  func.func @transform_1(%arg0: i32) -> (i32, i32, i32) {
    %c0_i32 = arith.constant 0 : i32
    %c0_i32_0 = arith.constant 0 : i32
    %c0_i32_1 = arith.constant 0 : i32
    return %arg0, %c0_i32, %c0_i32_0 : i32, i32, i32
  }
}

</mosaic_0001>

<sc_bundles>
// kernel: kernel.12.cloned.1.call-start
scs
__scs_entry_jumppad:
0x0: {  	(pc) =	sbr.rel $0x88, $3  }
0x1: {  	(tag) =	ssettag $0x0;
	lr =	simm.s32 $0x1  }
0x2: {  	[smem:$0x3F8F] =	sst lr;
	_ =	strace $0xD0000000  }
0x3: {  	_ = 	snop  }
0x4: {  	_ = 	snop  }
0x5: {  	_ = 	snop  }
0x6: {  	_ = 	snop  }
0x7: {  	_ = 	snop  }
__scs_overlays_trampoline_lowered:
0x8: {  	[smem:$0x3F9E] =	sst s0  }
0x9: {  	[smem:$0x3F9F] =	sst s1  }
0xa: {  	[smem:$0x3FA0] =	sst s2  }
0xb: {  	[smem:$0x3FA1] =	sst s3  }
0xc: {  	[smem:$0x3FA2] =	sst s4  }
0xd: {  	[smem:$0x3FA3] =	sst s5  }
0xe: {  	[smem:$0x3FA4] =	sst s6  }
0xf: {  	[smem:$0x3FA5] =	sst s7  }
0x10: {  	[smem:$0x3FA6] =	sst s8  }
0x11: {  	[smem:$0x3FA7] =	sst s9;
	s0 =	simm.s32 @!p0 $0x0  }
0x12: {  	s1 =	sld [smem:$0x3F8D];
	s0 =	simm.s32 @p0 $0x1  }
0x13: {  	[smem:$0x3FA8] =	sst s0;
	s0 =	simm.s32 @!p1 $0x0  }
0x14: {  	s2 =	sld [smem:$0x3F8C];
	s0 =	simm.s32 @p1 $0x1  }
0x15: {  	[smem:$0x3FA9] =	sst s0;
	s0 =	simm.s32 @!p2 $0x0  }
0x16: {  	s3 =	sld [smem:$0x3FDB];
	s0 =	simm.s32 @p2 $0x1  }
0x17: {  	s4 =	simm.s32 $0x1BF5;
	[smem:$0x3FAB] =	sst s0  }
0x18: {  	s0 =	sld [smem:$0x3F8E];
	_ =	swait.ge [sflag:s4], $0x0  }
0x19: {  	s7 =	sld [smem:$0x3F8F]  }
0x1a: {  	s8 =	sadd.s32 $0xFFFFE003, lr  }
0x1b: {  	s9 =	sadd.s32 $0xFFFFFEF7, lr;
	s5 =	simm.s32 $0xFFFFFFFF;
	p2 =	slt.u32 s8, $0xFFFFF086  }
0x1c: {  	p1 =	slt.u32 s9, $0xF7A;
	s5 =	simm.s32 @!p2 $0x0  }
0x1d: {  	s5 =	simm.s32 @p1 $0x1;
	p0 =	seq.s32 s7, s2  }
0x1e: {  	s7 =	smul.u32 @!p0 $0xF7A, s2;
	p2 =	seq.s32 @!p0 s5, $0x0  }
0x1f: {  	s9 =	smul.u32 $0xF7A, s1;
	s8 =	simm.s32 @!p0 $0x1BF5;
	p2 =	por !p2, p0  }
0x20: {  	[sflag:s8] =	ssyncset.s32 @!p0 $0xFFFFF086;
	s6 =	sadd.s32 @!p0 s3, s7;
	s7 =	simm.s32 @!p0 $0x108  }
0x21: {  	s3 =	sadd.s32 s3, s9;
	s6 =	sadd.s32 @!p0 $0x88, s6;
	s7 =	simm.s32 @p2 $0x1082  }
0x22: {  	[simem:s7], [sflag:s8] =	dma.local @!p0 [hbm:s6], $0xF7A  }
0x23: {  	s9 =	sor.u32 $0xD0000000, s2;
	s6 =	simm.s32 $0x108;
	_ =	swait.ge @!p0 [sflag:s8], $0x0  }
0x24: {  	s3 =	sadd.s32 $0x88, s3;
	s6 =	simm.s32 @!p1 $0x1082;
	[sflag:s4] =	ssyncset.s32 $0xFFFFF086  }
0x25: {  	[simem:s6], [sflag:s4] =	dma.local [hbm:s3], $0xF7A  }
0x26: {  	[smem:$0x3F8F] =	sst s1;
	(tag) =	ssettag s2;
	_ =	strace s9  }
0x27: {  	s1 =	sld [smem:$0x3F9F]  }
0x28: {  	s2 =	sld [smem:$0x3FA0]  }
0x29: {  	s4 =	sld [smem:$0x3FA2]  }
0x2a: {  	p0 =	seq.s32 s5, $0x0;
	s5 =	sld [smem:$0x3FA3]  }
0x2b: {  	s6 =	sld [smem:$0x3FA4]  }
0x2c: {  	s7 =	sld [smem:$0x3FA5]  }
0x2d: {  	s3 =	simm.s32 $0x108;
	s8 =	sld [smem:$0x3FA6]  }
0x2e: {  	s3 =	simm.s32 @!p0 $0x1082;
	s9 =	sld [smem:$0x3FA7]  }
0x2f: {  	lr =	sadd.s32 s0, s3;
	s0 =	sld [smem:$0x3F9E]  }
0x30: {  	s3 =	sld [smem:$0x3FA1]  }
0x31: {  	[smem:$0x3FAA] =	sst s10  }
0x32: {  	s10 =	sld [smem:$0x3FA8];
	_ =	sdelay $0x3  }
0x33: {  	p0 =	seq.s32 s10, $0x1;
	s10 =	sld [smem:$0x3FAA];
	_ =	sdelay $0x3  }
0x34: {  	[smem:$0x3FAA] =	sst s10  }
0x35: {  	s10 =	sld [smem:$0x3FA9];
	_ =	sdelay $0x3  }
0x36: {  	p1 =	seq.s32 s10, $0x1;
	s10 =	sld [smem:$0x3FAA];
	_ =	sdelay $0x3  }
0x37: {  	[smem:$0x3FAA] =	sst s10  }
0x38: {  	s10 =	sld [smem:$0x3FAB]  }
0x39: {  	_ = 	snop;
	(pc) =	sbr.ind lr, $3  }
0x3a: {  	_ = 	snop  }
0x3b: {  	_ = 	snop  }
0x3c: {  	p2 =	seq.s32 s10, $0x1;
	s10 =	sld [smem:$0x3FAA]  }
0x3d: {  	_ =	shalt  }
0x3e: {  	_ =	shalt  }
0x3f: {  	_ =	shalt  }
0x40: {  	_ =	shalt  }
0x41: {  	_ =	shalt  }
0x42: {  	_ =	shalt  }
0x43: {  	_ =	shalt  }
0x44: {  	_ =	shalt  }
0x45: {  	_ =	shalt  }
0x46: {  	_ =	shalt  }
0x47: {  	_ =	shalt  }
0x48: {  	_ =	shalt  }
0x49: {  	_ =	shalt  }
0x4a: {  	_ =	shalt  }
0x4b: {  	_ =	shalt  }
0x4c: {  	_ =	shalt  }
0x4d: {  	_ =	shalt  }
0x4e: {  	_ =	shalt  }
0x4f: {  	_ =	shalt  }
0x50: {  	_ =	shalt  }
0x51: {  	_ =	shalt  }
0x52: {  	_ =	shalt  }
0x53: {  	_ =	shalt  }
0x54: {  	_ =	shalt  }
0x55: {  	_ =	shalt  }
0x56: {  	_ =	shalt  }
0x57: {  	_ =	shalt  }
0x58: {  	_ =	shalt  }
0x59: {  	_ =	shalt  }
0x5a: {  	_ =	shalt  }
0x5b: {  	_ =	shalt  }
0x5c: {  	_ =	shalt  }
0x5d: {  	_ =	shalt  }
0x5e: {  	_ =	shalt  }
0x5f: {  	_ =	shalt  }
0x60: {  	_ =	shalt  }
0x61: {  	_ =	shalt  }
0x62: {  	_ =	shalt  }
0x63: {  	_ =	shalt  }
0x64: {  	_ =	shalt  }
0x65: {  	_ =	shalt  }
0x66: {  	_ =	shalt  }
0x67: {  	_ =	shalt  }
0x68: {  	_ =	shalt  }
0x69: {  	_ =	shalt  }
0x6a: {  	_ =	shalt  }
0x6b: {  	_ =	shalt  }
0x6c: {  	_ =	shalt  }
0x6d: {  	_ =	shalt  }
0x6e: {  	_ =	shalt  }
0x6f: {  	_ =	shalt  }
0x70: {  	_ =	shalt  }
0x71: {  	_ =	shalt  }
0x72: {  	_ =	shalt  }
0x73: {  	_ =	shalt  }
0x74: {  	_ =	shalt  }
0x75: {  	_ =	shalt  }
0x76: {  	_ =	shalt  }
0x77: {  	_ =	shalt  }
0x78: {  	_ =	shalt  }
0x79: {  	_ =	shalt  }
0x7a: {  	_ =	shalt  }
0x7b: {  	_ =	shalt  }
0x7c: {  	_ =	shalt  }
0x7d: {  	_ =	shalt  }
0x7e: {  	_ =	shalt  }
0x7f: {  	_ =	shalt  }
0x80: {  	_ =	shalt  }
0x81: {  	_ =	shalt  }
0x82: {  	_ =	shalt  }
0x83: {  	_ =	shalt  }
0x84: {  	_ =	shalt  }
0x85: {  	_ =	shalt  }
0x86: {  	_ =	shalt  }
0x87: {  	_ =	shalt  }
.Lfunc_end0:
.L_simem_size_0:
called_computation.3_lowered:
.L_overlay_start_0:
0x88: {  	s2 =	sld [smem:$0x3FD9]  }
0x89: {  	s3 =	sld [smem:$0x3FFE];
	_ =	sdelay $0x1  }
0x8a: {  	s1 =	srdreg.scid  }
0x8b: {  	s0 =	sand.u32 $0x1, s1  }
0x8c: {  	s14 =	sshll.u32 s0, $0xA;
	s2 =	sadd.s32 s3, s2  }
0x8d: {  	s2 =	sadd.s32 s2, s14  }
0x8e: {  	[smem:$0x3FB6] =	sst s2  }
0x8f: {  	_ = 	snop  }
0x90: {  	s2 =	sld [smem:$0x3FD0];
	_ =	sdelay $0x1  }
0x91: {  	s15 =	sld [smem:$0x3FC9]  }
0x92: {  	s5 =	simm.s32 $0xB;
	s6 =	simm.s32 $0x10;
	s4 =	sld [smem:$0x3FC8]  }
0x93: {  	[smem:s6], [sflag:s5] =	dma.local [hbm:s2], $0x1  }
0x94: {  	_ =	swait.eq [sflag:s5], $0x1  }
0x95: {  	[sflag:s5] =	ssyncset.done $0x0  }
0x96: {  	s16 =	sld [smem:$0x10];
	[sflag:s5] =	ssyncadd.s32 $0xFFFFFFFF  }
0x97: {  	s17 =	sld [smem:$0x11];
	(tm) =	ssettm $0x1  }
0x98: {  	s18 =	sld [smem:$0x3FFB];
	_ =	sdelay $0x3  }
0x99: {  	_ =	strace s18  }
0x9a: {  	s6 =	sld [smem:$0x3FFC];
	_ =	sdelay $0x3  }
0x9b: {  	_ =	strace s6  }
0x9c: {  	s6 =	sld [smem:$0x3FFD];
	_ =	sdelay $0x3  }
0x9d: {  	_ =	strace s6  }
0x9e: {  	_ =	strace $0x8FFFFFFF  }
0x9f: {  	s19 =	sld [smem:$0x3FDB];
	_ =	sdelay $0x1  }
0xa0: {  	s7 =	simm.s32 $_scs_section_size  }
0xa1: {  	s8 =	simm.s32 $_size__tile_overlayer_lowered;
	s9 =	simm.s32 $_tile_overlayer_lowered  }
0xa2: {  	s22 =	simm.s32 $0x1BFF;
	s21 =	sshll.u32 s9, $0x1;
	s6 =	sadd.s32 s7, s19  }
0xa3: {  	s10 =	simm.s32 $0x0;
	s20 =	sshll.u32 s8, $0x1;
	s8 =	sadd.s32 s21, s6  }
0xa4: {  	[timem:s10], [sflag:s22] =	dma.local [hbm:s8], s20  }
0xa5: {  	_ =	swait.ge [sflag:s22], s20  }
0xa6: {  	s7 =	ssub.s32 $0x0, s20;
	[sflag:s22] =	ssyncset.done $0x0  }
0xa7: {  	[sflag:s22] =	ssyncadd.s32 s7;
	_ =	sdelay $0x1  }
0xa8: {  	s23 =	simm.s32 $0x1B8B  }
0xa9: {  	_ =	swait.ge [sflag:s23], $0x1  }
0xaa: {  	[sflag:s23] =	ssyncset.done $0x0  }
0xab: {  	s25 =	simm.s32 $0x1B8E;
	s24 =	sld [smem:$0x3FFE];
	[sflag:s23] =	ssyncadd.s32 $0xFFFFFFFF  }
0xac: {  	s26 =	simm.s32 $execute0_lowered;
	[smem:$0x3FD2] =	sst s25  }
0xad: {  	s8 =	sshll.u32 s26, $0x1;
	_ =	strace $0x80000049;
	[dreg:$0x1] =	wrdreg $0xFFFFFFFF  }
0xae: {  	s28 =	simm.s32 $_size_execute0_lowered;
	s6 =	sadd.s32 s6, s8;
	[dreg:$0x0] =	wrdreg $0x0  }
0xaf: {  	s8 =	sshll.u32 s28, $0x1;
	[dreg:$0x2] =	wrdreg s6  }
0xb0: {  	[dreg:$0x3] =	wrdreg s8  }
0xb1: {  	[dreg:$0x4] =	wrdreg $0xC0  }
0xb2: {  	_ =	task [dreg:s10], $0x5FFFF  }
0xb3: {  	[dreg:$0x1] =	wrdreg $0xFFFFFFFF  }
0xb4: {  	[dreg:$0x0] =	wrdreg $0x60  }
0xb5: {  	[dreg:$0x2] =	wrdreg s16  }
0xb6: {  	[dreg:$0x3] =	wrdreg s17  }
0xb7: {  	[dreg:$0x4] =	wrdreg s15  }
0xb8: {  	[dreg:$0x5] =	wrdreg s4  }
0xb9: {  	[dreg:$0x6] =	wrdreg s24  }
0xba: {  	[dreg:$0x7] =	wrdreg $0x9  }
0xbb: {  	_ =	task.clear_ibuf [dreg:s10], $0x8FFFF;
	_ =	strace $0x90000049  }
0xbc: {  	s29 =	simm.s32 $0x9;
	_ =	strace $0x8000004B  }
0xbd: {  	_ =	swait.ge [sflag:s29], $0x1  }
0xbe: {  	[sflag:s29] =	ssyncadd.s32 $0xFFFFFFFF  }
0xbf: {  	_ =	strace $0x9000004B  }
0xc0: {  	_ =	sfence  }
0xc1: {  	s30 =	sld [smem:$0x0];
	_ =	sdelay $0x2  }
0xc2: {  	s31 =	sshll.u32 s1, $0xD;
	s1 =	sshrl.u32 s1, $0x2  }
0xc3: {  	s3 =	sand.u32 $0x4000, s31;
	s1 =	sadd.s32 s1, s30  }
0xc4: {  	s0 =	sor.u32 s3, s0;
	s1 =	sshll.u32 s1, $0x11  }
0xc5: {  	s0 =	sor.u32 s1, s0  }
0xc6: {  	s0 =	sadd.s32 $0x8F2B, s0  }
0xc7: {  	[sflag:s0] =	ssyncadd.remote.s32 $0x1  }
0xc8: {  	_ =	sfence.sel $0xFFFF  }
0xc9: {  	[dreg:$0x0] =	wrdreg $0xFFFFFFFF;
	(pc) =	sbr.abs _section_cstart, $3  }
0xca: {  	[dreg:$0x1] =	wrdreg $0xFFFFFFFF  }
0xcb: {  	_ =	task.clear_ibuf [dreg:s10], $0x2FFFF;
	_ =	strace $0x9FFFFFFF  }
0xcc: {  	(tm) =	ssettm $0x7FFFFFFF  }
0xcd: {  	_ =	shalt  }
tec
execute0_lowered:
.L_overlay_start_1:
0x0: {  	(tag) =	ssettag $0x1  }
0x1: {  	s1 =	rddreg [dreg:$0x0]  }
0x2: {  	s2 =	rddreg [dreg:$0x1]  }
0x3: {  	s3 =	rddreg [dreg:$0x2]  }
0x4: {  	s4 =	srdreg.scid;
	s5 =	rddreg [dreg:$0x3]  }
0x5: {  	s0 =	stileid.u32;
	s8 =	rddreg [dreg:$0x4]  }
0x6: {  	s12 =	simm.s32 $0x6800;
	s13 =	simm.s32 $0x5400;
	s15 =	simm.s32 $0x1  }
0x7: {  	s16 =	simm.s32 $0x80;
	s7 =	sand.u32 $0x1, s4;
	s30 =	sshll.u32 s0, $0x1  }
0x8: {  	s18 =	simm.s32 $0xC900;
	s19 =	simm.s32 $0x0;
	s9 =	sor.u32 s7, s30  }
0x9: {  	s4 =	rddreg [dreg:$0x5];
	_ =	strace $0x8000004A;
	s14 =	smul.u32 $0x7A10, s9  }
.Ltmp0:
0xa: {  	s6 =	sadd.s32 $0x4400, s8;
	s10 =	ssub.s32 $0x2, s7;
	(pc) =	sbr.rel .LBB2_1-.Ltmp0, $4  }
0xb: {  	v0 =	vlaneseq.u32;
	s7 =	sadd.s32 $0x44400, s8;
	s11 =	sshrl.u32 s10, $0x1;
	p0 =	seq.s32 s9, $0x1F  }
0xc: {  	v4 =	vmul.u32 $0xFFFFFFFF, v0;
	s9 =	simm.s32 $0x0;
	s31 =	ssub.s32 s10, s11;
	s17 =	sadd.s32 $0x7A10, s14  }
0xd: {  	v3 =	vimm.s32 $0x0;
	s10 =	simm.s32 $0x2;
	s11 =	simm.s32 $0x4000;
	s17 =	simm.s32 @p0 $0xF4240  }
0xe: {  	v4 =	vadd.s32 $0xF, v4;
	s8 =	smax.u32 s31, $0x1;
	v1 =	vmov s14;
	s14 =	simm.s32 $0x7880;
	v2 =	vmov s17;
	s17 =	simm.s32 $0x8900  }
.LBB2_37:
0xf: {  	s19 =	sadd.s32 $0x1, s19  }
0x10: {  	p0 =	sne.s32 s19, s8  }
.Ltmp1:
0x11: {  	_ = 	snop;
	(pc) =	sbr.rel @!p0 .LBB2_38-.Ltmp1, $1  }
0x12: {  	_ =	sdelay $0x3  }
.LBB2_1:
0x13: {  	[tilespmem:s9], [sflag:$0x2] =	stream.linear.gather [hbm4b:s3+s9], $0x4000, $0x38;
	[tilespmem:$0x10900] =	vst v63  }
0x14: {  	_ =	swait.ge [sflag:s10], $0x4000  }
0x15: {  	[sflag:s10] =	ssyncset.done $0x0  }
0x16: {  	[sflag:s10] =	ssyncadd.s32 $0xFFFFC000  }
0x17: {  	v5 =	vld [tilespmem:s9+$0x0];
	_ =	sdelay $0x4  }
0x18: {  	v6 =	vand.u32 $0x1, v5  }
0x19: {  	vm0 =	vge.s32 v5, v1;
	vm1 =	vlt.s32 v5, v2;
	vm2 =	veq.s32 v6, $0x1  }
0x1a: {  	vm0 =	vmand vm0, vm1;
	vm1 =	vmneg vm2  }
0x1b: {  	vm1 =	vmand vm0, vm1  }
0x1c: {  	v6 =	vsel vm1, $0x1, v3  }
0x1d: {  	vm0 =	vmand vm0, vm2;
	(xrf0) =	vadd.scan.msk.s32 $0xffff, v6  }
0x1e: {  	v6 =	vsel vm0, $0x1, v3  }
0x1f: {  	(xrf0) =	vadd.scan.msk.s32 $0xffff, v6;
	_ =	sdelay $0x3  }
0x20: {  	v6, _, _ =	vpop (xrf0)  }
0x21: {  	v6 =	vadd.s32 v6, v3  }
0x22: {  	v7, _, _ =	vpop (xrf0);
	v6 =	vadd.s32 $0xFFFFFFFF, v6  }
0x23: {  	v7 =	vadd.s32 v7, v3;
	vm2 =	vgt.s32 v6, $0x0  }
0x24: {  	v7 =	vadd.s32 $0xFFFFFFFF, v7;
	v6 =	vnsel vm2, $0x0, v6  }
0x25: {  	vm2 =	vgt.s32 v7, $0x0  }
0x26: {  	v7 =	vnsel vm2, $0x0, v7;
	_ =	sdelay $0x1  }
0x27: {  	v9 =	vshra.s32 v5, $0x1  }
0x28: {  	v8 =	vor.u32 s9, v0;
	v5 =	vmpcnt.ones.xlane vm1;
	v10 =	vmpcnt.ones.xlane vm0;
	[tilespmem:v6+s11+$0x0] =	vst.idx.msk vm1, v9  }
0x29: {  	[tilespmem:v6+s12+$0x0] =	vst.idx.msk vm1, v8  }
0x2a: {  	s20 =	simm.s32 $0x10;
	s21 =	simm.s32 $0x0;
	v6 =	vadd.s32 v3, v5;
	v5 =	vadd.s32 v3, v10;
	[tilespmem:v7+s13+$0x0] =	vst.idx.msk vm0, v9  }
.LBB2_2:
0x2b: {  	p0 =	sne.s32 s20, $0x3FF0  }
0x2c: {  	[tilespmem:v7+s14+$0x0] =	vst.idx.msk vm0, v8;
	s21 =	sadd.s32 $0x10, s21;
	v7 =	vmov v6;
	v8 =	vmov v5;
	s22 =	smov.u32 s20;
	s20 =	sadd.s32 $0x10, s20  }
0x2d: {  	v9 =	vld [tilespmem:s21+$0x0];
	_ =	sdelay $0x4  }
0x2e: {  	vm0 =	vge.s32 v9, v1;
	vm1 =	vlt.s32 v9, v2;
	v10 =	vand.u32 $0x1, v9  }
0x2f: {  	vm0 =	vmand vm0, vm1;
	vm2 =	veq.s32 v10, $0x1  }
0x30: {  	vm1 =	vmneg vm2  }
0x31: {  	vm1 =	vmand vm0, vm1  }
0x32: {  	v10 =	vsel vm1, $0x1, v3;
	v11 =	vmpcnt.ones.xlane vm1  }
0x33: {  	vm0 =	vmand vm0, vm2;
	(xrf0) =	vadd.scan.msk.s32 $0xffff, v10  }
0x34: {  	v10 =	vsel vm0, $0x1, v3;
	v6 =	vadd.s32 v6, v11;
	v11 =	vmpcnt.ones.xlane vm0  }
0x35: {  	(xrf0) =	vadd.scan.msk.s32 $0xffff, v10  }
0x36: {  	v5 =	vadd.s32 v5, v11;
	_ =	sdelay $0x2  }
0x37: {  	v10, _, _ =	vpop (xrf0)  }
0x38: {  	v7 =	vadd.s32 v10, v7  }
0x39: {  	v7 =	vadd.s32 $0xFFFFFFFF, v7;
	v10, _, _ =	vpop (xrf0)  }
0x3a: {  	vm2 =	vgt.s32 v7, $0x0;
	v8 =	vadd.s32 v10, v8  }
0x3b: {  	v10 =	vnsel vm2, $0x0, v7;
	v7 =	vadd.s32 $0xFFFFFFFF, v8  }
0x3c: {  	vm2 =	vgt.s32 v7, $0x0  }
0x3d: {  	v7 =	vnsel vm2, $0x0, v7  }
.Ltmp2:
0x3e: {  	(pc) =	sbr.rel @p0 .LBB2_2-.Ltmp2, $4  }
0x3f: {  	v9 =	vshra.s32 v9, $0x1  }
0x40: {  	v8 =	vor.u32 s22, v0;
	[tilespmem:v10+s11+$0x0] =	vst.idx.msk vm1, v9  }
0x41: {  	[tilespmem:v10+s12+$0x0] =	vst.idx.msk vm1, v8  }
0x42: {  	[tilespmem:v7+s13+$0x0] =	vst.idx.msk vm0, v9  }
0x43: {  	(v2sf) =	vpush v6, $0xF;
	_ =	sdelay $0xe  }
0x44: {  	s21 =	spop (v2sf)  }
0x45: {  	s20 =	sadd.s32 $0xFFFFFFFF, s21  }
0x46: {  	p0 =	sgt.s32 s20, $0x0  }
0x47: {  	s20 =	simm.s32 @!p0 $0x0  }
0x48: {  	[tilespmem:v7+s14+$0x0] =	vst.idx.msk vm0, v8;
	s22 =	sand.u32 $0x7FFFFFF0, s20  }
0x49: {  	v6 =	vld [tilespmem:s22+$0x4000];
	_ =	sdelay $0x2  }
0x4a: {  	s20 =	sand.u32 $0xF, s20  }
0x4b: {  	v7 =	vmov s20  }
0x4c: {  	vm15 =	veq.s32 v7, v0;
	v6 =	vxor.u32 $0x80000000, v6  }
0x4d: {  	v6 =	vnsel vm15, $0x7FFFFFFF, v6  }
0x4e: {  	(xrf0) =	vmax.scan.msk.u32 $0xffff, v6;
	_ =	sdelay $0x4  }
0x4f: {  	v6 =	vld [tilespmem:s22+$0x6800]  }
0x50: {  	v7, _, _ =	vpop (xrf0)  }
0x51: {  	v7 =	vxor.u32 $0x80000000, v7  }
0x52: {  	s25 =	sadd.s32 $0x7F, s21;
	v7 =	vperm.xlane v7, v4  }
0x53: {  	s26 =	sand.u32 $0x7F, s25  }
0x54: {  	s23 =	sshra.s32 s25, $0x1F;
	p4 =	slt.s32 s25, $0x1;
	p1 =	sne.s32 s26, $0x0;
	v6 =	vxor.u32 $0x80000000, v6;
	v7 =	vxor.u32 $0x80000000, v7  }
0x55: {  	s28 =	sshrl.u32 s23, $0x19;
	p0 =	por !p4, !p1;
	v6 =	vnsel vm15, $0x7FFFFFFF, v6;
	(xrf0) =	vmax.scan.msk.u32 $0xffff, v7  }
0x56: {  	s20 =	sadd.s32 s28, s25;
	p0 =	por !p0, !p0;
	s22 =	simm.s32 $0x1;
	(xrf0) =	vmax.scan.msk.u32 $0xffff, v6  }
0x57: {  	s20 =	sshrl.u32 s20, $0x7;
	s22 =	simm.s32 @!p0 $0x0  }
0x58: {  	s20 =	ssub.s32 s20, s22  }
0x59: {  	s20 =	sshll.u32 s20, $0x7  }
0x5a: {  	s29 =	ssub.s32 s20, s21  }
0x5b: {  	s22 =	sadd.s32 $0xF, s29;
	v6, _, _ =	vpop (xrf0)  }
0x5c: {  	s30 =	sand.u32 $0xF, s22;
	v7, _, _ =	vpop (xrf0)  }
0x5d: {  	s31 =	sshra.s32 s22, $0x1F;
	p6 =	slt.s32 s22, $0x1;
	p5 =	sne.s32 s30, $0x0;
	v7 =	vxor.u32 $0x80000000, v7  }
0x5e: {  	s23 =	sshrl.u32 s31, $0x1C;
	p0 =	por !p6, !p5;
	v7 =	vperm.xlane v7, v4  }
0x5f: {  	s22 =	sadd.s32 s23, s22;
	s23 =	simm.s32 $0x1;
	p0 =	por !p0, !p0  }
0x60: {  	s22 =	sshra.s32 s22, $0x4;
	s23 =	simm.s32 @!p0 $0x0;
	v7 =	vxor.u32 $0x80000000, v7  }
0x61: {  	s22 =	ssub.s32 s22, s23;
	(xrf0) =	vmax.scan.msk.u32 $0xffff, v7  }
0x62: {  	p0 =	slt.s32 s22, $0x1  }
.Ltmp3:
0x63: {  	_ = 	snop;
	(pc) =	sbr.rel @p0 .LBB2_7-.Ltmp3, $2  }
0x64: {  	_ =	sdelay $0x2  }
0x65: {  	v8, _, _ =	vpop (xrf0)  }
0x66: {  	v7 =	vadd.s32 s21, v0;
	p0 =	sne.s32 s22, $0x1  }
.Ltmp4:
0x67: {  	_ = 	snop;
	(pc) =	sbr.rel @!p0 .LBB2_6-.Ltmp4, $3  }
0x68: {  	_ =	sdelay $0x1  }
0x69: {  	v6 =	vxor.u32 $0x80000000, v6  }
0x6a: {  	v8 =	vxor.u32 $0x80000000, v8;
	s22 =	sadd.s32 $0xFFFFFFFF, s22;
	s21 =	sadd.s32 $0x10, s21;
	[tilespmem:v7+s11+$0x0] =	vst.idx.msk $0xffff, v6  }
.LBB2_5:
0x6b: {  	[tilespmem:v7+s12+$0x0] =	vst.idx.msk $0xffff, v8;
	v7 =	vadd.s32 s21, v0;
	p0 =	sne.s32 s22, $0x1  }
.Ltmp5:
0x6c: {  	s22 =	sadd.s32 $0xFFFFFFFF, s22;
	(pc) =	sbr.rel @p0 .LBB2_5-.Ltmp5, $2  }
0x6d: {  	_ =	sdelay $0x2  }
0x6e: {  	s21 =	sadd.s32 $0x10, s21;
	[tilespmem:v7+s11+$0x0] =	vst.idx.msk $0xffff, v6  }
.LBB2_6:
0x6f: {  	_ =	sdelay $0x3  }
0x70: {  	[tilespmem:v7+s12+$0x0] =	vst.idx.msk $0xffff, v8  }
.LBB2_7:
0x71: {  	(v2sf) =	vpush v5, $0xF;
	_ =	sdelay $0xe  }
0x72: {  	s22 =	spop (v2sf)  }
0x73: {  	s21 =	sadd.s32 $0xFFFFFFFF, s22  }
0x74: {  	p0 =	sgt.s32 s21, $0x0  }
0x75: {  	s21 =	simm.s32 @!p0 $0x0  }
0x76: {  	s23 =	sand.u32 $0x7FFFFFF0, s21  }
0x77: {  	v5 =	vld [tilespmem:s23+$0x5400];
	_ =	sdelay $0x2  }
0x78: {  	s21 =	sand.u32 $0xF, s21  }
0x79: {  	v6 =	vmov s21  }
0x7a: {  	vm0 =	veq.s32 v6, v0;
	v5 =	vxor.u32 $0x80000000, v5  }
0x7b: {  	v5 =	vnsel vm0, $0x7FFFFFFF, v5  }
0x7c: {  	(xrf0) =	vmax.scan.msk.u32 $0xffff, v5;
	_ =	sdelay $0x4  }
0x7d: {  	v5 =	vld [tilespmem:s23+$0x7880]  }
0x7e: {  	v6, _, _ =	vpop (xrf0)  }
0x7f: {  	v6 =	vxor.u32 $0x80000000, v6  }
0x80: {  	s25 =	sadd.s32 $0x7F, s22;
	v6 =	vperm.xlane v6, v4  }
0x81: {  	s26 =	sand.u32 $0x7F, s25  }
0x82: {  	s24 =	sshra.s32 s25, $0x1F;
	p4 =	slt.s32 s25, $0x1;
	p1 =	sne.s32 s26, $0x0;
	v5 =	vxor.u32 $0x80000000, v5;
	v6 =	vxor.u32 $0x80000000, v6  }
0x83: {  	s28 =	sshrl.u32 s24, $0x19;
	p0 =	por !p4, !p1;
	v5 =	vnsel vm0, $0x7FFFFFFF, v5;
	(xrf0) =	vmax.scan.msk.u32 $0xffff, v6  }
0x84: {  	s21 =	sadd.s32 s28, s25;
	p0 =	por !p0, !p0;
	s23 =	simm.s32 $0x1;
	(xrf0) =	vmax.scan.msk.u32 $0xffff, v5  }
0x85: {  	s21 =	sshrl.u32 s21, $0x7;
	s23 =	simm.s32 @!p0 $0x0  }
0x86: {  	s21 =	ssub.s32 s21, s23  }
0x87: {  	s21 =	sshll.u32 s21, $0x7  }
0x88: {  	s29 =	ssub.s32 s21, s22  }
0x89: {  	s23 =	sadd.s32 $0xF, s29;
	v5, _, _ =	vpop (xrf0)  }
0x8a: {  	s30 =	sand.u32 $0xF, s23;
	v6, _, _ =	vpop (xrf0)  }
0x8b: {  	s31 =	sshra.s32 s23, $0x1F;
	p6 =	slt.s32 s23, $0x1;
	p5 =	sne.s32 s30, $0x0;
	v6 =	vxor.u32 $0x80000000, v6  }
0x8c: {  	s24 =	sshrl.u32 s31, $0x1C;
	p0 =	por !p6, !p5;
	v6 =	vperm.xlane v6, v4  }
0x8d: {  	s23 =	sadd.s32 s24, s23;
	s24 =	simm.s32 $0x1;
	p0 =	por !p0, !p0  }
0x8e: {  	s23 =	sshra.s32 s23, $0x4;
	s24 =	simm.s32 @!p0 $0x0;
	v6 =	vxor.u32 $0x80000000, v6  }
0x8f: {  	s23 =	ssub.s32 s23, s24;
	(xrf0) =	vmax.scan.msk.u32 $0xffff, v6  }
0x90: {  	p0 =	slt.s32 s23, $0x1  }
.Ltmp6:
0x91: {  	_ = 	snop;
	(pc) =	sbr.rel @p0 .LBB2_11-.Ltmp6, $2  }
0x92: {  	_ =	sdelay $0x2  }
0x93: {  	v7, _, _ =	vpop (xrf0)  }
0x94: {  	v6 =	vadd.s32 s22, v0;
	p0 =	sne.s32 s23, $0x1  }
.Ltmp7:
0x95: {  	_ = 	snop;
	(pc) =	sbr.rel @!p0 .LBB2_10-.Ltmp7, $3  }
0x96: {  	_ =	sdelay $0x1  }
0x97: {  	v5 =	vxor.u32 $0x80000000, v5  }
0x98: {  	v7 =	vxor.u32 $0x80000000, v7;
	s23 =	sadd.s32 $0xFFFFFFFF, s23;
	s22 =	sadd.s32 $0x10, s22;
	[tilespmem:v6+s13+$0x0] =	vst.idx.msk $0xffff, v5  }
.LBB2_9:
0x99: {  	[tilespmem:v6+s14+$0x0] =	vst.idx.msk $0xffff, v7;
	v6 =	vadd.s32 s22, v0;
	p0 =	sne.s32 s23, $0x1  }
.Ltmp8:
0x9a: {  	s23 =	sadd.s32 $0xFFFFFFFF, s23;
	(pc) =	sbr.rel @p0 .LBB2_9-.Ltmp8, $2  }
0x9b: {  	_ =	sdelay $0x2  }
0x9c: {  	s22 =	sadd.s32 $0x10, s22;
	[tilespmem:v6+s13+$0x0] =	vst.idx.msk $0xffff, v5  }
.LBB2_10:
0x9d: {  	_ =	sdelay $0x3  }
0x9e: {  	[tilespmem:v6+s14+$0x0] =	vst.idx.msk $0xffff, v7  }
.LBB2_11:
0x9f: {  	s20 =	sshra.s32 s20, $0x7  }
0xa0: {  	p0 =	slt.s32 s20, $0x1  }
.Ltmp9:
0xa1: {  	_ = 	snop;
	(pc) =	sbr.rel @p0 .LBB2_15-.Ltmp9, $2  }
0xa2: {  	_ =	sdelay $0x2  }
0xa3: {  	s22 =	simm.s32 $0x0  }
.LBB2_12:
0xa4: {  	s23 =	sshll.u32 s22, $0x9  }
0xa5: {  	s24 =	sshra.s32 s23, $0x2  }
0xa6: {  	s23 =	sadd.s32 $0x4000, s24  }
0xa7: {  	[tilespmem:s17], [sflag:$0x1] =	stream.indirect.gather [hbm4b:s1+s16], $0x80, s23, s16, $0xb8;
	[tilespmem:$0x10900] =	vst v63  }
0xa8: {  	_ =	swait.ge [sflag:s15], $0x4000  }
0xa9: {  	[sflag:s15] =	ssyncset.done $0x0  }
0xaa: {  	s24 =	sadd.s32 $0x6800, s24;
	[sflag:s15] =	ssyncadd.s32 $0xFFFFC000  }
0xab: {  	[tilespmem:s18], [sflag:$0x1] =	stream.indirect.gather [hbm4b:s6+s16], $0x80, s24, s16, $0xb8;
	[tilespmem:$0x10900] =	vst v63  }
0xac: {  	_ =	swait.ge [sflag:s15], $0x4000  }
0xad: {  	[sflag:s15] =	ssyncset.done $0x0  }
0xae: {  	s24 =	simm.s32 $0x0;
	[sflag:s15] =	ssyncadd.s32 $0xFFFFC000  }
0xaf: {  	v5 =	vld [tilespmem:s24+$0xC930]  }
0xb0: {  	v6 =	vld [tilespmem:s24+$0xC900]  }
0xb1: {  	v7 =	vld [tilespmem:s24+$0xC910]  }
0xb2: {  	s25 =	simm.s32 $0x200;
	v8 =	vld [tilespmem:s24+$0xC920]  }
.LBB2_13:
0xb3: {  	p0 =	sne.s32 s25, $0xFE00  }
.Ltmp10:
0xb4: {  	s26 =	sshra.s32 s25, $0x2;
	s25 =	sadd.s32 $0x200, s25;
	[tilespmem:s24+$0x8930] =	vst v5;
	(pc) =	sbr.rel @p0 .LBB2_13-.Ltmp10, $4  }
0xb5: {  	v5 =	vld [tilespmem:s26+$0xC930];
	[tilespmem:s24+$0x8900] =	vst v6  }
0xb6: {  	v6 =	vld [tilespmem:s26+$0xC900];
	[tilespmem:s24+$0x8910] =	vst v7  }
0xb7: {  	v7 =	vld [tilespmem:s26+$0xC910];
	[tilespmem:s24+$0x8920] =	vst v8;
	s24 =	smov.u32 s26  }
0xb8: {  	v8 =	vld [tilespmem:s24+$0xC920]  }
0xb9: {  	_ = 	snop  }
0xba: {  	[tilespmem:s24+$0x8930] =	vst v5  }
0xbb: {  	s22 =	sadd.s32 $0x1, s22;
	[tilespmem:s24+$0x8900] =	vst v6  }
0xbc: {  	p0 =	sne.s32 s22, s20;
	[tilespmem:s24+$0x8910] =	vst v7  }
.Ltmp11:
0xbd: {  	[tilespmem:s24+$0x8920] =	vst v8;
	(pc) =	sbr.rel @p0 .LBB2_12-.Ltmp11, $4  }
0xbe: {  	[hbm4b:s1+s16] =	stream.indirect.scatter [tilespmem:s17], [sflag:$0x1], $0x80, s23, s16, $0xb8;
	[tilespmem:$0x10900] =	vst v63  }
0xbf: {  	_ =	swait.ge [sflag:s15], $0x4000  }
0xc0: {  	[sflag:s15] =	ssyncset.done $0x0  }
0xc1: {  	[sflag:s15] =	ssyncadd.s32 $0xFFFFC000  }
.LBB2_15:
0xc2: {  	s20 =	sshra.s32 s21, $0x7  }
0xc3: {  	p0 =	slt.s32 s20, $0x1  }
.Ltmp12:
0xc4: {  	_ = 	snop;
	(pc) =	sbr.rel @p0 .LBB2_19-.Ltmp12, $2  }
0xc5: {  	_ =	sdelay $0x2  }
0xc6: {  	s21 =	simm.s32 $0x0  }
.LBB2_16:
0xc7: {  	s22 =	sshll.u32 s21, $0x9  }
0xc8: {  	s23 =	sshra.s32 s22, $0x2  }
0xc9: {  	s22 =	sadd.s32 $0x5400, s23  }
0xca: {  	[tilespmem:s17], [sflag:$0x1] =	stream.indirect.gather [hbm4b:s1+s16], $0x80, s22, s16, $0xb8;
	[tilespmem:$0x10900] =	vst v63  }
0xcb: {  	_ =	swait.ge [sflag:s15], $0x4000  }
0xcc: {  	[sflag:s15] =	ssyncset.done $0x0  }
0xcd: {  	s23 =	sadd.s32 $0x7880, s23;
	[sflag:s15] =	ssyncadd.s32 $0xFFFFC000  }
0xce: {  	[tilespmem:s18], [sflag:$0x1] =	stream.indirect.gather [hbm4b:s6+s16], $0x80, s23, s16, $0xb8;
	[tilespmem:$0x10900] =	vst v63  }
0xcf: {  	_ =	swait.ge [sflag:s15], $0x4000  }
0xd0: {  	[sflag:s15] =	ssyncset.done $0x0  }
0xd1: {  	s23 =	simm.s32 $0x0;
	[sflag:s15] =	ssyncadd.s32 $0xFFFFC000  }
0xd2: {  	v5 =	vld [tilespmem:s23+$0xC930]  }
0xd3: {  	v6 =	vld [tilespmem:s23+$0xC900]  }
0xd4: {  	v7 =	vld [tilespmem:s23+$0xC910]  }
0xd5: {  	s24 =	simm.s32 $0x200;
	v8 =	vld [tilespmem:s23+$0xC920]  }
.LBB2_17:
0xd6: {  	p0 =	sne.s32 s24, $0xFE00  }
.Ltmp13:
0xd7: {  	s25 =	sshra.s32 s24, $0x2;
	s24 =	sadd.s32 $0x200, s24;
	[tilespmem:s23+$0x8970] =	vst v5;
	(pc) =	sbr.rel @p0 .LBB2_17-.Ltmp13, $4  }
0xd8: {  	v5 =	vld [tilespmem:s25+$0xC930];
	[tilespmem:s23+$0x8940] =	vst v6  }
0xd9: {  	v6 =	vld [tilespmem:s25+$0xC900];
	[tilespmem:s23+$0x8950] =	vst v7  }
0xda: {  	v7 =	vld [tilespmem:s25+$0xC910];
	[tilespmem:s23+$0x8960] =	vst v8;
	s23 =	smov.u32 s25  }
0xdb: {  	v8 =	vld [tilespmem:s23+$0xC920]  }
0xdc: {  	_ = 	snop  }
0xdd: {  	[tilespmem:s23+$0x8970] =	vst v5  }
0xde: {  	s21 =	sadd.s32 $0x1, s21;
	[tilespmem:s23+$0x8940] =	vst v6  }
0xdf: {  	p0 =	sne.s32 s21, s20;
	[tilespmem:s23+$0x8950] =	vst v7  }
.Ltmp14:
0xe0: {  	[tilespmem:s23+$0x8960] =	vst v8;
	(pc) =	sbr.rel @p0 .LBB2_16-.Ltmp14, $4  }
0xe1: {  	[hbm4b:s1+s16] =	stream.indirect.scatter [tilespmem:s17], [sflag:$0x1], $0x80, s22, s16, $0xb8;
	[tilespmem:$0x10900] =	vst v63  }
0xe2: {  	_ =	swait.ge [sflag:s15], $0x4000  }
0xe3: {  	[sflag:s15] =	ssyncset.done $0x0  }
0xe4: {  	[sflag:s15] =	ssyncadd.s32 $0xFFFFC000  }
.LBB2_19:
0xe5: {  	s20 =	simm.s32 $0x0  }
0xe6: {  	[tilespmem:s20], [sflag:$0x2] =	stream.linear.gather [hbm4b:s5+s20], $0x4000, $0x38;
	[tilespmem:$0x10900] =	vst v63  }
0xe7: {  	_ =	swait.ge [sflag:s10], $0x4000  }
0xe8: {  	[sflag:s10] =	ssyncset.done $0x0  }
0xe9: {  	[sflag:s10] =	ssyncadd.s32 $0xFFFFC000  }
0xea: {  	v5 =	vld [tilespmem:s20+$0x0];
	_ =	sdelay $0x4  }
0xeb: {  	v6 =	vand.u32 $0x1, v5  }
0xec: {  	vm0 =	vge.s32 v5, v1;
	vm1 =	vlt.s32 v5, v2;
	vm2 =	veq.s32 v6, $0x1  }
0xed: {  	vm0 =	vmand vm0, vm1;
	vm1 =	vmneg vm2  }
0xee: {  	vm1 =	vmand vm0, vm1  }
0xef: {  	v6 =	vsel vm1, $0x1, v3  }
0xf0: {  	vm0 =	vmand vm0, vm2;
	(xrf0) =	vadd.scan.msk.s32 $0xffff, v6  }
0xf1: {  	v6 =	vsel vm0, $0x1, v3  }
0xf2: {  	(xrf0) =	vadd.scan.msk.s32 $0xffff, v6;
	_ =	sdelay $0x3  }
0xf3: {  	v9 =	vimm.s32 $0x0;
	v6, _, _ =	vpop (xrf0)  }
0xf4: {  	v6 =	vadd.s32 v6, v9  }
0xf5: {  	v7, _, _ =	vpop (xrf0);
	v6 =	vadd.s32 $0xFFFFFFFF, v6  }
0xf6: {  	v7 =	vadd.s32 v7, v9;
	vm2 =	vgt.s32 v6, $0x0  }
0xf7: {  	v7 =	vadd.s32 $0xFFFFFFFF, v7;
	v6 =	vnsel vm2, $0x0, v6  }
0xf8: {  	vm2 =	vgt.s32 v7, $0x0  }
0xf9: {  	v7 =	vnsel vm2, $0x0, v7;
	_ =	sdelay $0x1  }
0xfa: {  	v10 =	vshra.s32 v5, $0x1  }
0xfb: {  	v8 =	vor.u32 s20, v0;
	v5 =	vmpcnt.ones.xlane vm1;
	v11 =	vmpcnt.ones.xlane vm0;
	[tilespmem:v6+s11+$0x0] =	vst.idx.msk vm1, v10  }
0xfc: {  	[tilespmem:v6+s12+$0x0] =	vst.idx.msk vm1, v8  }
0xfd: {  	s21 =	simm.s32 $0x10;
	v6 =	vadd.s32 v9, v5;
	v5 =	vadd.s32 v9, v11;
	[tilespmem:v7+s13+$0x0] =	vst.idx.msk vm0, v10  }
.LBB2_20:
0xfe: {  	p0 =	sne.s32 s21, $0x3FF0  }
0xff: {  	[tilespmem:v7+s14+$0x0] =	vst.idx.msk vm0, v8;
	s20 =	sadd.s32 $0x10, s20;
	v7 =	vmov v6;
	v8 =	vmov v5;
	s22 =	smov.u32 s21;
	s21 =	sadd.s32 $0x10, s21  }
0x100: {  	v9 =	vld [tilespmem:s20+$0x0];
	_ =	sdelay $0x4  }
0x101: {  	vm0 =	vge.s32 v9, v1;
	vm1 =	vlt.s32 v9, v2;
	v10 =	vand.u32 $0x1, v9  }
0x102: {  	vm0 =	vmand vm0, vm1;
	vm2 =	veq.s32 v10, $0x1  }
0x103: {  	vm1 =	vmneg vm2  }
0x104: {  	vm1 =	vmand vm0, vm1  }
0x105: {  	v10 =	vsel vm1, $0x1, v3;
	v11 =	vmpcnt.ones.xlane vm1  }
0x106: {  	vm0 =	vmand vm0, vm2;
	(xrf0) =	vadd.scan.msk.s32 $0xffff, v10  }
0x107: {  	v10 =	vsel vm0, $0x1, v3;
	v6 =	vadd.s32 v6, v11;
	v11 =	vmpcnt.ones.xlane vm0  }
0x108: {  	(xrf0) =	vadd.scan.msk.s32 $0xffff, v10  }
0x109: {  	v5 =	vadd.s32 v5, v11;
	_ =	sdelay $0x2  }
0x10a: {  	v10, _, _ =	vpop (xrf0)  }
0x10b: {  	v7 =	vadd.s32 v10, v7  }
0x10c: {  	v7 =	vadd.s32 $0xFFFFFFFF, v7;
	v10, _, _ =	vpop (xrf0)  }
0x10d: {  	vm2 =	vgt.s32 v7, $0x0;
	v8 =	vadd.s32 v10, v8  }
0x10e: {  	v10 =	vnsel vm2, $0x0, v7;
	v7 =	vadd.s32 $0xFFFFFFFF, v8  }
0x10f: {  	vm2 =	vgt.s32 v7, $0x0  }
0x110: {  	v7 =	vnsel vm2, $0x0, v7  }
.Ltmp15:
0x111: {  	(pc) =	sbr.rel @p0 .LBB2_20-.Ltmp15, $4  }
0x112: {  	v9 =	vshra.s32 v9, $0x1  }
0x113: {  	v8 =	vor.u32 s22, v0;
	[tilespmem:v10+s11+$0x0] =	vst.idx.msk vm1, v9  }
0x114: {  	[tilespmem:v10+s12+$0x0] =	vst.idx.msk vm1, v8  }
0x115: {  	[tilespmem:v7+s13+$0x0] =	vst.idx.msk vm0, v9  }
0x116: {  	(v2sf) =	vpush v6, $0xF;
	_ =	sdelay $0xe  }
0x117: {  	s21 =	spop (v2sf)  }
0x118: {  	s20 =	sadd.s32 $0xFFFFFFFF, s21  }
0x119: {  	p0 =	sgt.s32 s20, $0x0  }
0x11a: {  	s20 =	simm.s32 @!p0 $0x0  }
0x11b: {  	[tilespmem:v7+s14+$0x0] =	vst.idx.msk vm0, v8;
	s22 =	sand.u32 $0x7FFFFFF0, s20  }
0x11c: {  	v6 =	vld [tilespmem:s22+$0x4000];
	_ =	sdelay $0x2  }
0x11d: {  	s20 =	sand.u32 $0xF, s20  }
0x11e: {  	v7 =	vmov s20  }
0x11f: {  	vm15 =	veq.s32 v7, v0;
	v6 =	vxor.u32 $0x80000000, v6  }
0x120: {  	v6 =	vnsel vm15, $0x7FFFFFFF, v6  }
0x121: {  	(xrf0) =	vmax.scan.msk.u32 $0xffff, v6;
	_ =	sdelay $0x4  }
0x122: {  	v6 =	vld [tilespmem:s22+$0x6800]  }
0x123: {  	v7, _, _ =	vpop (xrf0)  }
0x124: {  	v7 =	vxor.u32 $0x80000000, v7  }
0x125: {  	s25 =	sadd.s32 $0x7F, s21;
	v7 =	vperm.xlane v7, v4  }
0x126: {  	s26 =	sand.u32 $0x7F, s25  }
0x127: {  	s23 =	sshra.s32 s25, $0x1F;
	p4 =	slt.s32 s25, $0x1;
	p1 =	sne.s32 s26, $0x0;
	v6 =	vxor.u32 $0x80000000, v6;
	v7 =	vxor.u32 $0x80000000, v7  }
0x128: {  	s28 =	sshrl.u32 s23, $0x19;
	p0 =	por !p4, !p1;
	v6 =	vnsel vm15, $0x7FFFFFFF, v6;
	(xrf0) =	vmax.scan.msk.u32 $0xffff, v7  }
0x129: {  	s20 =	sadd.s32 s28, s25;
	p0 =	por !p0, !p0;
	s22 =	simm.s32 $0x1;
	(xrf0) =	vmax.scan.msk.u32 $0xffff, v6  }
0x12a: {  	s20 =	sshrl.u32 s20, $0x7;
	s22 =	simm.s32 @!p0 $0x0  }
0x12b: {  	s20 =	ssub.s32 s20, s22  }
0x12c: {  	s20 =	sshll.u32 s20, $0x7  }
0x12d: {  	s29 =	ssub.s32 s20, s21  }
0x12e: {  	s22 =	sadd.s32 $0xF, s29;
	v6, _, _ =	vpop (xrf0)  }
0x12f: {  	s30 =	sand.u32 $0xF, s22;
	v7, _, _ =	vpop (xrf0)  }
0x130: {  	s31 =	sshra.s32 s22, $0x1F;
	p6 =	slt.s32 s22, $0x1;
	p5 =	sne.s32 s30, $0x0;
	v7 =	vxor.u32 $0x80000000, v7  }
0x131: {  	s23 =	sshrl.u32 s31, $0x1C;
	p0 =	por !p6, !p5;
	v7 =	vperm.xlane v7, v4  }
0x132: {  	s22 =	sadd.s32 s23, s22;
	s23 =	simm.s32 $0x1;
	p0 =	por !p0, !p0  }
0x133: {  	s22 =	sshra.s32 s22, $0x4;
	s23 =	simm.s32 @!p0 $0x0;
	v7 =	vxor.u32 $0x80000000, v7  }
0x134: {  	s22 =	ssub.s32 s22, s23;
	(xrf0) =	vmax.scan.msk.u32 $0xffff, v7  }
0x135: {  	p0 =	slt.s32 s22, $0x1  }
.Ltmp16:
0x136: {  	_ = 	snop;
	(pc) =	sbr.rel @p0 .LBB2_25-.Ltmp16, $2  }
0x137: {  	_ =	sdelay $0x2  }
0x138: {  	v8, _, _ =	vpop (xrf0)  }
0x139: {  	v7 =	vadd.s32 s21, v0;
	p0 =	sne.s32 s22, $0x1  }
.Ltmp17:
0x13a: {  	_ = 	snop;
	(pc) =	sbr.rel @!p0 .LBB2_24-.Ltmp17, $3  }
0x13b: {  	_ =	sdelay $0x1  }
0x13c: {  	v6 =	vxor.u32 $0x80000000, v6  }
0x13d: {  	v8 =	vxor.u32 $0x80000000, v8;
	s22 =	sadd.s32 $0xFFFFFFFF, s22;
	s21 =	sadd.s32 $0x10, s21;
	[tilespmem:v7+s11+$0x0] =	vst.idx.msk $0xffff, v6  }
.LBB2_23:
0x13e: {  	[tilespmem:v7+s12+$0x0] =	vst.idx.msk $0xffff, v8;
	v7 =	vadd.s32 s21, v0;
	p0 =	sne.s32 s22, $0x1  }
.Ltmp18:
0x13f: {  	s22 =	sadd.s32 $0xFFFFFFFF, s22;
	(pc) =	sbr.rel @p0 .LBB2_23-.Ltmp18, $2  }
0x140: {  	_ =	sdelay $0x2  }
0x141: {  	s21 =	sadd.s32 $0x10, s21;
	[tilespmem:v7+s11+$0x0] =	vst.idx.msk $0xffff, v6  }
.LBB2_24:
0x142: {  	_ =	sdelay $0x3  }
0x143: {  	[tilespmem:v7+s12+$0x0] =	vst.idx.msk $0xffff, v8  }
.LBB2_25:
0x144: {  	(v2sf) =	vpush v5, $0xF;
	_ =	sdelay $0xe  }
0x145: {  	s22 =	spop (v2sf)  }
0x146: {  	s21 =	sadd.s32 $0xFFFFFFFF, s22  }
0x147: {  	p0 =	sgt.s32 s21, $0x0  }
0x148: {  	s21 =	simm.s32 @!p0 $0x0  }
0x149: {  	s23 =	sand.u32 $0x7FFFFFF0, s21  }
0x14a: {  	v5 =	vld [tilespmem:s23+$0x5400];
	_ =	sdelay $0x2  }
0x14b: {  	s21 =	sand.u32 $0xF, s21  }
0x14c: {  	v6 =	vmov s21  }
0x14d: {  	vm0 =	veq.s32 v6, v0;
	v5 =	vxor.u32 $0x80000000, v5  }
0x14e: {  	v5 =	vnsel vm0, $0x7FFFFFFF, v5  }
0x14f: {  	(xrf0) =	vmax.scan.msk.u32 $0xffff, v5;
	_ =	sdelay $0x4  }
0x150: {  	v5 =	vld [tilespmem:s23+$0x7880]  }
0x151: {  	v6, _, _ =	vpop (xrf0)  }
0x152: {  	v6 =	vxor.u32 $0x80000000, v6  }
0x153: {  	s25 =	sadd.s32 $0x7F, s22;
	v6 =	vperm.xlane v6, v4  }
0x154: {  	s26 =	sand.u32 $0x7F, s25  }
0x155: {  	s24 =	sshra.s32 s25, $0x1F;
	p4 =	slt.s32 s25, $0x1;
	p1 =	sne.s32 s26, $0x0;
	v5 =	vxor.u32 $0x80000000, v5;
	v6 =	vxor.u32 $0x80000000, v6  }
0x156: {  	s28 =	sshrl.u32 s24, $0x19;
	p0 =	por !p4, !p1;
	v5 =	vnsel vm0, $0x7FFFFFFF, v5;
	(xrf0) =	vmax.scan.msk.u32 $0xffff, v6  }
0x157: {  	s21 =	sadd.s32 s28, s25;
	p0 =	por !p0, !p0;
	s23 =	simm.s32 $0x1;
	(xrf0) =	vmax.scan.msk.u32 $0xffff, v5  }
0x158: {  	s21 =	sshrl.u32 s21, $0x7;
	s23 =	simm.s32 @!p0 $0x0  }
0x159: {  	s21 =	ssub.s32 s21, s23  }
0x15a: {  	s21 =	sshll.u32 s21, $0x7  }
0x15b: {  	s29 =	ssub.s32 s21, s22  }
0x15c: {  	s23 =	sadd.s32 $0xF, s29;
	v5, _, _ =	vpop (xrf0)  }
0x15d: {  	s30 =	sand.u32 $0xF, s23;
	v6, _, _ =	vpop (xrf0)  }
0x15e: {  	s31 =	sshra.s32 s23, $0x1F;
	p6 =	slt.s32 s23, $0x1;
	p5 =	sne.s32 s30, $0x0;
	v6 =	vxor.u32 $0x80000000, v6  }
0x15f: {  	s24 =	sshrl.u32 s31, $0x1C;
	p0 =	por !p6, !p5;
	v6 =	vperm.xlane v6, v4  }
0x160: {  	s23 =	sadd.s32 s24, s23;
	s24 =	simm.s32 $0x1;
	p0 =	por !p0, !p0  }
0x161: {  	s23 =	sshra.s32 s23, $0x4;
	s24 =	simm.s32 @!p0 $0x0;
	v6 =	vxor.u32 $0x80000000, v6  }
0x162: {  	s23 =	ssub.s32 s23, s24;
	(xrf0) =	vmax.scan.msk.u32 $0xffff, v6  }
0x163: {  	p0 =	slt.s32 s23, $0x1  }
.Ltmp19:
0x164: {  	_ = 	snop;
	(pc) =	sbr.rel @p0 .LBB2_29-.Ltmp19, $2  }
0x165: {  	_ =	sdelay $0x2  }
0x166: {  	v7, _, _ =	vpop (xrf0)  }
0x167: {  	v6 =	vadd.s32 s22, v0;
	p0 =	sne.s32 s23, $0x1  }
.Ltmp20:
0x168: {  	_ = 	snop;
	(pc) =	sbr.rel @!p0 .LBB2_28-.Ltmp20, $3  }
0x169: {  	_ =	sdelay $0x1  }
0x16a: {  	v5 =	vxor.u32 $0x80000000, v5  }
0x16b: {  	v7 =	vxor.u32 $0x80000000, v7;
	s23 =	sadd.s32 $0xFFFFFFFF, s23;
	s22 =	sadd.s32 $0x10, s22;
	[tilespmem:v6+s13+$0x0] =	vst.idx.msk $0xffff, v5  }
.LBB2_27:
0x16c: {  	[tilespmem:v6+s14+$0x0] =	vst.idx.msk $0xffff, v7;
	v6 =	vadd.s32 s22, v0;
	p0 =	sne.s32 s23, $0x1  }
.Ltmp21:
0x16d: {  	s23 =	sadd.s32 $0xFFFFFFFF, s23;
	(pc) =	sbr.rel @p0 .LBB2_27-.Ltmp21, $2  }
0x16e: {  	_ =	sdelay $0x2  }
0x16f: {  	s22 =	sadd.s32 $0x10, s22;
	[tilespmem:v6+s13+$0x0] =	vst.idx.msk $0xffff, v5  }
.LBB2_28:
0x170: {  	_ =	sdelay $0x3  }
0x171: {  	[tilespmem:v6+s14+$0x0] =	vst.idx.msk $0xffff, v7  }
.LBB2_29:
0x172: {  	s20 =	sshra.s32 s20, $0x7  }
0x173: {  	p0 =	slt.s32 s20, $0x1  }
.Ltmp22:
0x174: {  	_ = 	snop;
	(pc) =	sbr.rel @p0 .LBB2_33-.Ltmp22, $2  }
0x175: {  	_ =	sdelay $0x2  }
0x176: {  	s22 =	simm.s32 $0x0  }
.LBB2_30:
0x177: {  	s23 =	sshll.u32 s22, $0x9  }
0x178: {  	s24 =	sshra.s32 s23, $0x2  }
0x179: {  	s23 =	sadd.s32 $0x4000, s24  }
0x17a: {  	[tilespmem:s17], [sflag:$0x1] =	stream.indirect.gather [hbm4b:s2+s16], $0x80, s23, s16, $0xb8;
	[tilespmem:$0x10900] =	vst v63  }
0x17b: {  	_ =	swait.ge [sflag:s15], $0x4000  }
0x17c: {  	[sflag:s15] =	ssyncset.done $0x0  }
0x17d: {  	s24 =	sadd.s32 $0x6800, s24;
	[sflag:s15] =	ssyncadd.s32 $0xFFFFC000  }
0x17e: {  	[tilespmem:s18], [sflag:$0x1] =	stream.indirect.gather [hbm4b:s7+s16], $0x80, s24, s16, $0xb8;
	[tilespmem:$0x10900] =	vst v63  }
0x17f: {  	_ =	swait.ge [sflag:s15], $0x4000  }
0x180: {  	[sflag:s15] =	ssyncset.done $0x0  }
0x181: {  	s24 =	simm.s32 $0x0;
	[sflag:s15] =	ssyncadd.s32 $0xFFFFC000  }
0x182: {  	v5 =	vld [tilespmem:s24+$0xC930]  }
0x183: {  	v6 =	vld [tilespmem:s24+$0xC900]  }
0x184: {  	v7 =	vld [tilespmem:s24+$0xC910]  }
0x185: {  	s25 =	simm.s32 $0x200;
	v8 =	vld [tilespmem:s24+$0xC920]  }
.LBB2_31:
0x186: {  	p0 =	sne.s32 s25, $0xFE00  }
.Ltmp23:
0x187: {  	s26 =	sshra.s32 s25, $0x2;
	s25 =	sadd.s32 $0x200, s25;
	[tilespmem:s24+$0x8930] =	vst v5;
	(pc) =	sbr.rel @p0 .LBB2_31-.Ltmp23, $4  }
0x188: {  	v5 =	vld [tilespmem:s26+$0xC930];
	[tilespmem:s24+$0x8900] =	vst v6  }
0x189: {  	v6 =	vld [tilespmem:s26+$0xC900];
	[tilespmem:s24+$0x8910] =	vst v7  }
0x18a: {  	v7 =	vld [tilespmem:s26+$0xC910];
	[tilespmem:s24+$0x8920] =	vst v8;
	s24 =	smov.u32 s26  }
0x18b: {  	v8 =	vld [tilespmem:s24+$0xC920]  }
0x18c: {  	_ = 	snop  }
0x18d: {  	[tilespmem:s24+$0x8930] =	vst v5  }
0x18e: {  	s22 =	sadd.s32 $0x1, s22;
	[tilespmem:s24+$0x8900] =	vst v6  }
0x18f: {  	p0 =	sne.s32 s22, s20;
	[tilespmem:s24+$0x8910] =	vst v7  }
.Ltmp24:
0x190: {  	[tilespmem:s24+$0x8920] =	vst v8;
	(pc) =	sbr.rel @p0 .LBB2_30-.Ltmp24, $4  }
0x191: {  	[hbm4b:s2+s16] =	stream.indirect.scatter [tilespmem:s17], [sflag:$0x1], $0x80, s23, s16, $0xb8;
	[tilespmem:$0x10900] =	vst v63  }
0x192: {  	_ =	swait.ge [sflag:s15], $0x4000  }
0x193: {  	[sflag:s15] =	ssyncset.done $0x0  }
0x194: {  	[sflag:s15] =	ssyncadd.s32 $0xFFFFC000  }
.LBB2_33:
0x195: {  	s20 =	sshra.s32 s21, $0x7  }
0x196: {  	p0 =	slt.s32 s20, $0x1  }
.Ltmp25:
0x197: {  	_ = 	snop;
	(pc) =	sbr.rel @p0 .LBB2_37-.Ltmp25, $2  }
0x198: {  	_ =	sdelay $0x2  }
0x199: {  	s21 =	simm.s32 $0x0  }
.LBB2_34:
0x19a: {  	s22 =	sshll.u32 s21, $0x9  }
0x19b: {  	s23 =	sshra.s32 s22, $0x2  }
0x19c: {  	s22 =	sadd.s32 $0x5400, s23  }
0x19d: {  	[tilespmem:s17], [sflag:$0x1] =	stream.indirect.gather [hbm4b:s2+s16], $0x80, s22, s16, $0xb8;
	[tilespmem:$0x10900] =	vst v63  }
0x19e: {  	_ =	swait.ge [sflag:s15], $0x4000  }
0x19f: {  	[sflag:s15] =	ssyncset.done $0x0  }
0x1a0: {  	s23 =	sadd.s32 $0x7880, s23;
	[sflag:s15] =	ssyncadd.s32 $0xFFFFC000  }
0x1a1: {  	[tilespmem:s18], [sflag:$0x1] =	stream.indirect.gather [hbm4b:s7+s16], $0x80, s23, s16, $0xb8;
	[tilespmem:$0x10900] =	vst v63  }
0x1a2: {  	_ =	swait.ge [sflag:s15], $0x4000  }
0x1a3: {  	[sflag:s15] =	ssyncset.done $0x0  }
0x1a4: {  	s23 =	simm.s32 $0x0;
	[sflag:s15] =	ssyncadd.s32 $0xFFFFC000  }
0x1a5: {  	v5 =	vld [tilespmem:s23+$0xC930]  }
0x1a6: {  	v6 =	vld [tilespmem:s23+$0xC900]  }
0x1a7: {  	v7 =	vld [tilespmem:s23+$0xC910]  }
0x1a8: {  	s24 =	simm.s32 $0x200;
	v8 =	vld [tilespmem:s23+$0xC920]  }
.LBB2_35:
0x1a9: {  	p0 =	sne.s32 s24, $0xFE00  }
.Ltmp26:
0x1aa: {  	s25 =	sshra.s32 s24, $0x2;
	s24 =	sadd.s32 $0x200, s24;
	[tilespmem:s23+$0x8970] =	vst v5;
	(pc) =	sbr.rel @p0 .LBB2_35-.Ltmp26, $4  }
0x1ab: {  	v5 =	vld [tilespmem:s25+$0xC930];
	[tilespmem:s23+$0x8940] =	vst v6  }
0x1ac: {  	v6 =	vld [tilespmem:s25+$0xC900];
	[tilespmem:s23+$0x8950] =	vst v7  }
0x1ad: {  	v7 =	vld [tilespmem:s25+$0xC910];
	[tilespmem:s23+$0x8960] =	vst v8;
	s23 =	smov.u32 s25  }
0x1ae: {  	v8 =	vld [tilespmem:s23+$0xC920]  }
0x1af: {  	_ = 	snop  }
0x1b0: {  	[tilespmem:s23+$0x8970] =	vst v5  }
0x1b1: {  	[tilespmem:s23+$0x8940] =	vst v6  }
0x1b2: {  	s21 =	sadd.s32 $0x1, s21;
	[tilespmem:s23+$0x8950] =	vst v7  }
0x1b3: {  	p0 =	sne.s32 s21, s20;
	[tilespmem:s23+$0x8960] =	vst v8  }
0x1b4: {  	[hbm4b:s2+s16] =	stream.indirect.scatter [tilespmem:s17], [sflag:$0x1], $0x80, s22, s16, $0xb8;
	[tilespmem:$0x10900] =	vst v63  }
.Ltmp27:
0x1b5: {  	_ = 	snop;
	(pc) =	sbr.rel @p0 .LBB2_34-.Ltmp27, $4  }
.Ltmp28:
0x1b6: {  	_ = 	snop;
	(pc) =	sbr.rel @!p0 .LBB2_37-.Ltmp28, $4  }
0x1b7: {  	_ =	swait.ge [sflag:s15], $0x4000  }
0x1b8: {  	[sflag:s15] =	ssyncset.done $0x0  }
0x1b9: {  	[sflag:s15] =	ssyncadd.s32 $0xFFFFC000  }
0x1ba: {  	_ = 	snop  }
.LBB2_38:
0x1bb: {  	_ =	sfence.sel $0x180000  }
0x1bc: {  	[bflag:$0x0] =	sbarrier.arrive $0xFFFF  }
0x1bd: {  	p0 =	sne.s32 s0, $0x0;
	_ =	strace $0x9000004A  }
0x1be: {  	s0 =	sadd.s32 @!p0 $0x100000, s4;
	[bflag:$0x2] =	sbarrier.arrive $0xFFFF  }
0x1bf: {  	[sflag:s0] =	ssyncadd.tile.s32 @!p0 $0x1;
	_ =	shalt  }
.Lfunc_end2:
_tile_overlayer_lowered:
.L_overlay_start_2:
0x1c0: {  	(tag) =	ssettag $0x2  }
0x1c1: {  	s0 =	rddreg [dreg:$0x0];
	s2 =	stileid.u32  }
0x1c2: {  	s1 =	rddreg [dreg:$0x1];
	p0 =	sne.s32 s2, $0x0  }
0x1c3: {  	s3 =	rddreg [dreg:$0x2];
	[bflag:$0x3] =	sbarrier.arrive $0xFFFF;
	s2 =	simm.s32 @!p0 $0x1C02  }
0x1c4: {  	[timem:s3], [sflag:s2] =	dma.local @!p0 [hbm:s0], s1  }
0x1c5: {  	s0 =	simm.s32 @!p0 $0x2  }
0x1c6: {  	_ =	swait.ge @!p0 [sflag:s0], s1  }
0x1c7: {  	s1 =	ssub.s32 @!p0 $0x0, s1;
	[sflag:s0] =	ssyncset.done @!p0 $0x0  }
0x1c8: {  	[sflag:s0] =	ssyncadd.s32 @!p0 s1  }
0x1c9: {  	[bflag:$0x3] =	sbarrier.arrive $0xFFFF  }
0x1ca: {  	_ =	shalt  }

// kernel: kernel.9.cloned.1.call-start
scs
__scs_entry_jumppad:
0x0: {  	(pc) =	sbr.rel $0x88, $3  }
0x1: {  	(tag) =	ssettag $0x0;
	lr =	simm.s32 $0x1  }
0x2: {  	[smem:$0x3F8F] =	sst lr;
	_ =	strace $0xD0000000  }
0x3: {  	_ = 	snop  }
0x4: {  	_ = 	snop  }
0x5: {  	_ = 	snop  }
0x6: {  	_ = 	snop  }
0x7: {  	_ = 	snop  }
__scs_overlays_trampoline_lowered:
0x8: {  	[smem:$0x3F9E] =	sst s0  }
0x9: {  	[smem:$0x3F9F] =	sst s1  }
0xa: {  	[smem:$0x3FA0] =	sst s2  }
0xb: {  	[smem:$0x3FA1] =	sst s3  }
0xc: {  	[smem:$0x3FA2] =	sst s4  }
0xd: {  	[smem:$0x3FA3] =	sst s5  }
0xe: {  	[smem:$0x3FA4] =	sst s6  }
0xf: {  	[smem:$0x3FA5] =	sst s7  }
0x10: {  	[smem:$0x3FA6] =	sst s8  }
0x11: {  	[smem:$0x3FA7] =	sst s9;
	s0 =	simm.s32 @!p0 $0x0  }
0x12: {  	s1 =	sld [smem:$0x3F8D];
	s0 =	simm.s32 @p0 $0x1  }
0x13: {  	[smem:$0x3FA8] =	sst s0;
	s0 =	simm.s32 @!p1 $0x0  }
0x14: {  	s2 =	sld [smem:$0x3F8C];
	s0 =	simm.s32 @p1 $0x1  }
0x15: {  	[smem:$0x3FA9] =	sst s0;
	s0 =	simm.s32 @!p2 $0x0  }
0x16: {  	s3 =	sld [smem:$0x3FDB];
	s0 =	simm.s32 @p2 $0x1  }
0x17: {  	s4 =	simm.s32 $0x1BF5;
	[smem:$0x3FAB] =	sst s0  }
0x18: {  	s0 =	sld [smem:$0x3F8E];
	_ =	swait.ge [sflag:s4], $0x0  }
0x19: {  	s7 =	sld [smem:$0x3F8F]  }
0x1a: {  	s8 =	sadd.s32 $0xFFFFE003, lr  }
0x1b: {  	s9 =	sadd.s32 $0xFFFFFEF7, lr;
	s5 =	simm.s32 $0xFFFFFFFF;
	p2 =	slt.u32 s8, $0xFFFFF086  }
0x1c: {  	p1 =	slt.u32 s9, $0xF7A;
	s5 =	simm.s32 @!p2 $0x0  }
0x1d: {  	s5 =	simm.s32 @p1 $0x1;
	p0 =	seq.s32 s7, s2  }
0x1e: {  	s7 =	smul.u32 @!p0 $0xF7A, s2;
	p2 =	seq.s32 @!p0 s5, $0x0  }
0x1f: {  	s9 =	smul.u32 $0xF7A, s1;
	s8 =	simm.s32 @!p0 $0x1BF5;
	p2 =	por !p2, p0  }
0x20: {  	[sflag:s8] =	ssyncset.s32 @!p0 $0xFFFFF086;
	s6 =	sadd.s32 @!p0 s3, s7;
	s7 =	simm.s32 @!p0 $0x108  }
0x21: {  	s3 =	sadd.s32 s3, s9;
	s6 =	sadd.s32 @!p0 $0x88, s6;
	s7 =	simm.s32 @p2 $0x1082  }
0x22: {  	[simem:s7], [sflag:s8] =	dma.local @!p0 [hbm:s6], $0xF7A  }
0x23: {  	s9 =	sor.u32 $0xD0000000, s2;
	s6 =	simm.s32 $0x108;
	_ =	swait.ge @!p0 [sflag:s8], $0x0  }
0x24: {  	s3 =	sadd.s32 $0x88, s3;
	s6 =	simm.s32 @!p1 $0x1082;
	[sflag:s4] =	ssyncset.s32 $0xFFFFF086  }
0x25: {  	[simem:s6], [sflag:s4] =	dma.local [hbm:s3], $0xF7A  }
0x26: {  	[smem:$0x3F8F] =	sst s1;
	(tag) =	ssettag s2;
	_ =	strace s9  }
0x27: {  	s1 =	sld [smem:$0x3F9F]  }
0x28: {  	s2 =	sld [smem:$0x3FA0]  }
0x29: {  	s4 =	sld [smem:$0x3FA2]  }
0x2a: {  	p0 =	seq.s32 s5, $0x0;
	s5 =	sld [smem:$0x3FA3]  }
0x2b: {  	s6 =	sld [smem:$0x3FA4]  }
0x2c: {  	s7 =	sld [smem:$0x3FA5]  }
0x2d: {  	s3 =	simm.s32 $0x108;
	s8 =	sld [smem:$0x3FA6]  }
0x2e: {  	s3 =	simm.s32 @!p0 $0x1082;
	s9 =	sld [smem:$0x3FA7]  }
0x2f: {  	lr =	sadd.s32 s0, s3;
	s0 =	sld [smem:$0x3F9E]  }
0x30: {  	s3 =	sld [smem:$0x3FA1]  }
0x31: {  	[smem:$0x3FAA] =	sst s10  }
0x32: {  	s10 =	sld [smem:$0x3FA8];
	_ =	sdelay $0x3  }
0x33: {  	p0 =	seq.s32 s10, $0x1;
	s10 =	sld [smem:$0x3FAA];
	_ =	sdelay $0x3  }
0x34: {  	[smem:$0x3FAA] =	sst s10  }
0x35: {  	s10 =	sld [smem:$0x3FA9];
	_ =	sdelay $0x3  }
0x36: {  	p1 =	seq.s32 s10, $0x1;
	s10 =	sld [smem:$0x3FAA];
	_ =	sdelay $0x3  }
0x37: {  	[smem:$0x3FAA] =	sst s10  }
0x38: {  	s10 =	sld [smem:$0x3FAB]  }
0x39: {  	_ = 	snop;
	(pc) =	sbr.ind lr, $3  }
0x3a: {  	_ = 	snop  }
0x3b: {  	_ = 	snop  }
0x3c: {  	p2 =	seq.s32 s10, $0x1;
	s10 =	sld [smem:$0x3FAA]  }
0x3d: {  	_ =	shalt  }
0x3e: {  	_ =	shalt  }
0x3f: {  	_ =	shalt  }
0x40: {  	_ =	shalt  }
0x41: {  	_ =	shalt  }
0x42: {  	_ =	shalt  }
0x43: {  	_ =	shalt  }
0x44: {  	_ =	shalt  }
0x45: {  	_ =	shalt  }
0x46: {  	_ =	shalt  }
0x47: {  	_ =	shalt  }
0x48: {  	_ =	shalt  }
0x49: {  	_ =	shalt  }
0x4a: {  	_ =	shalt  }
0x4b: {  	_ =	shalt  }
0x4c: {  	_ =	shalt  }
0x4d: {  	_ =	shalt  }
0x4e: {  	_ =	shalt  }
0x4f: {  	_ =	shalt  }
0x50: {  	_ =	shalt  }
0x51: {  	_ =	shalt  }
0x52: {  	_ =	shalt  }
0x53: {  	_ =	shalt  }
0x54: {  	_ =	shalt  }
0x55: {  	_ =	shalt  }
0x56: {  	_ =	shalt  }
0x57: {  	_ =	shalt  }
0x58: {  	_ =	shalt  }
0x59: {  	_ =	shalt  }
0x5a: {  	_ =	shalt  }
0x5b: {  	_ =	shalt  }
0x5c: {  	_ =	shalt  }
0x5d: {  	_ =	shalt  }
0x5e: {  	_ =	shalt  }
0x5f: {  	_ =	shalt  }
0x60: {  	_ =	shalt  }
0x61: {  	_ =	shalt  }
0x62: {  	_ =	shalt  }
0x63: {  	_ =	shalt  }
0x64: {  	_ =	shalt  }
0x65: {  	_ =	shalt  }
0x66: {  	_ =	shalt  }
0x67: {  	_ =	shalt  }
0x68: {  	_ =	shalt  }
0x69: {  	_ =	shalt  }
0x6a: {  	_ =	shalt  }
0x6b: {  	_ =	shalt  }
0x6c: {  	_ =	shalt  }
0x6d: {  	_ =	shalt  }
0x6e: {  	_ =	shalt  }
0x6f: {  	_ =	shalt  }
0x70: {  	_ =	shalt  }
0x71: {  	_ =	shalt  }
0x72: {  	_ =	shalt  }
0x73: {  	_ =	shalt  }
0x74: {  	_ =	shalt  }
0x75: {  	_ =	shalt  }
0x76: {  	_ =	shalt  }
0x77: {  	_ =	shalt  }
0x78: {  	_ =	shalt  }
0x79: {  	_ =	shalt  }
0x7a: {  	_ =	shalt  }
0x7b: {  	_ =	shalt  }
0x7c: {  	_ =	shalt  }
0x7d: {  	_ =	shalt  }
0x7e: {  	_ =	shalt  }
0x7f: {  	_ =	shalt  }
0x80: {  	_ =	shalt  }
0x81: {  	_ =	shalt  }
0x82: {  	_ =	shalt  }
0x83: {  	_ =	shalt  }
0x84: {  	_ =	shalt  }
0x85: {  	_ =	shalt  }
0x86: {  	_ =	shalt  }
0x87: {  	_ =	shalt  }
.Lfunc_end0:
.L_simem_size_0:
called_computation.2_lowered:
.L_overlay_start_0:
0x88: {  	s2 =	sld [smem:$0x3FD9]  }
0x89: {  	s3 =	sld [smem:$0x3FFE];
	_ =	sdelay $0x1  }
0x8a: {  	s1 =	srdreg.scid  }
0x8b: {  	s0 =	sand.u32 $0x1, s1  }
0x8c: {  	s14 =	sshll.u32 s0, $0xA;
	s2 =	sadd.s32 s3, s2  }
0x8d: {  	s2 =	sadd.s32 s2, s14  }
0x8e: {  	[smem:$0x3FB6] =	sst s2  }
0x8f: {  	_ = 	snop  }
0x90: {  	s2 =	sld [smem:$0x3FD0];
	_ =	sdelay $0x2  }
0x91: {  	s15 =	simm.s32 $0xB;
	s4 =	simm.s32 $0x10  }
0x92: {  	[smem:s4], [sflag:s15] =	dma.local [hbm:s2], $0x1  }
0x93: {  	_ =	swait.eq [sflag:s15], $0x1  }
0x94: {  	[sflag:s15] =	ssyncset.done $0x0  }
0x95: {  	s16 =	sld [smem:$0x10];
	[sflag:s15] =	ssyncadd.s32 $0xFFFFFFFF  }
0x96: {  	s17 =	sld [smem:$0x11];
	(tm) =	ssettm $0x1  }
0x97: {  	s18 =	sld [smem:$0x3FFB];
	_ =	sdelay $0x3  }
0x98: {  	_ =	strace s18  }
0x99: {  	s4 =	sld [smem:$0x3FFC];
	_ =	sdelay $0x3  }
0x9a: {  	_ =	strace s4  }
0x9b: {  	s4 =	sld [smem:$0x3FFD];
	_ =	sdelay $0x3  }
0x9c: {  	_ =	strace s4  }
0x9d: {  	_ =	strace $0x8FFFFFFF  }
0x9e: {  	s19 =	sld [smem:$0x3FDB];
	_ =	sdelay $0x1  }
0x9f: {  	s5 =	simm.s32 $_scs_section_size  }
0xa0: {  	s6 =	simm.s32 $_size__tile_overlayer_lowered;
	s7 =	simm.s32 $_tile_overlayer_lowered  }
0xa1: {  	s22 =	simm.s32 $0x1BFF;
	s21 =	sshll.u32 s7, $0x1;
	s4 =	sadd.s32 s5, s19  }
0xa2: {  	s8 =	simm.s32 $0x0;
	s20 =	sshll.u32 s6, $0x1;
	s6 =	sadd.s32 s21, s4  }
0xa3: {  	[timem:s8], [sflag:s22] =	dma.local [hbm:s6], s20  }
0xa4: {  	_ =	swait.ge [sflag:s22], s20  }
0xa5: {  	s5 =	ssub.s32 $0x0, s20;
	[sflag:s22] =	ssyncset.done $0x0  }
0xa6: {  	[sflag:s22] =	ssyncadd.s32 s5;
	_ =	sdelay $0x1  }
0xa7: {  	s23 =	simm.s32 $0x1B8B  }
0xa8: {  	_ =	swait.ge [sflag:s23], $0x1  }
0xa9: {  	[sflag:s23] =	ssyncset.done $0x0  }
0xaa: {  	s25 =	simm.s32 $0x1B8E;
	s24 =	sld [smem:$0x3FFE];
	[sflag:s23] =	ssyncadd.s32 $0xFFFFFFFF  }
0xab: {  	s26 =	simm.s32 $execute0_lowered;
	[smem:$0x3FD2] =	sst s25  }
0xac: {  	s6 =	sshll.u32 s26, $0x1;
	_ =	strace $0x80000046;
	[dreg:$0x1] =	wrdreg $0xFFFFFFFF  }
0xad: {  	s28 =	simm.s32 $_size_execute0_lowered;
	s4 =	sadd.s32 s4, s6;
	[dreg:$0x0] =	wrdreg $0x0  }
0xae: {  	s6 =	sshll.u32 s28, $0x1;
	[dreg:$0x2] =	wrdreg s4  }
0xaf: {  	[dreg:$0x3] =	wrdreg s6  }
0xb0: {  	[dreg:$0x4] =	wrdreg $0xC0  }
0xb1: {  	_ =	task [dreg:s8], $0x5FFFF  }
0xb2: {  	[dreg:$0x1] =	wrdreg $0xFFFFFFFF  }
0xb3: {  	[dreg:$0x0] =	wrdreg $0x60  }
0xb4: {  	[dreg:$0x2] =	wrdreg s16  }
0xb5: {  	[dreg:$0x3] =	wrdreg s17  }
0xb6: {  	[dreg:$0x4] =	wrdreg s24  }
0xb7: {  	[dreg:$0x5] =	wrdreg $0x9  }
0xb8: {  	_ =	task.clear_ibuf [dreg:s8], $0x6FFFF;
	_ =	strace $0x90000046  }
0xb9: {  	s29 =	simm.s32 $0x9;
	_ =	strace $0x80000048  }
0xba: {  	_ =	swait.ge [sflag:s29], $0x1  }
0xbb: {  	[sflag:s29] =	ssyncadd.s32 $0xFFFFFFFF  }
0xbc: {  	_ =	strace $0x90000048  }
0xbd: {  	_ =	sfence  }
0xbe: {  	s30 =	sld [smem:$0x0];
	_ =	sdelay $0x2  }
0xbf: {  	s31 =	sshll.u32 s1, $0xD;
	s1 =	sshrl.u32 s1, $0x2  }
0xc0: {  	s3 =	sand.u32 $0x4000, s31;
	s1 =	sadd.s32 s1, s30  }
0xc1: {  	s0 =	sor.u32 s3, s0;
	s1 =	sshll.u32 s1, $0x11  }
0xc2: {  	s0 =	sor.u32 s1, s0  }
0xc3: {  	s0 =	sadd.s32 $0x8F2B, s0  }
0xc4: {  	[sflag:s0] =	ssyncadd.remote.s32 $0x1  }
0xc5: {  	_ =	sfence.sel $0xFFFF  }
0xc6: {  	[dreg:$0x0] =	wrdreg $0xFFFFFFFF;
	(pc) =	sbr.abs _section_cstart, $3  }
0xc7: {  	[dreg:$0x1] =	wrdreg $0xFFFFFFFF  }
0xc8: {  	_ =	task.clear_ibuf [dreg:s8], $0x2FFFF;
	_ =	strace $0x9FFFFFFF  }
0xc9: {  	(tm) =	ssettm $0x7FFFFFFF  }
tec
execute0_lowered:
.L_overlay_start_1:
0x0: {  	(tag) =	ssettag $0x1  }
0x1: {  	s2 =	srdreg.scid  }
0x2: {  	s1 =	rddreg [dreg:$0x0];
	s0 =	stileid.u32;
	s17 =	sand.u32 $0x1, s2  }
0x3: {  	s3 =	rddreg [dreg:$0x1];
	s30 =	sshll.u32 s0, $0xA;
	s4 =	sshll.u32 s17, $0x9  }
0x4: {  	s15 =	rddreg [dreg:$0x2];
	s16 =	sor.u32 s4, s30  }
0x5: {  	s2 =	rddreg [dreg:$0x3];
	s4 =	simm.s32 $0x0;
	s5 =	sshrl.u32 s16, $0x3  }
0x6: {  	[smem:$0x7FF] =	sst s4;
	s18 =	sadd.s32 s5, s15  }
0x7: {  	_ =	strace $0x80000047;
	s5 =	simm.s32 $0x2;
	s6 =	sadd.s32 $0x4C00, s18  }
0x8: {  	[tilespmem:s4], [sflag:$0x2] =	stream.linear.gather [hbm4b:s6+s4], $0x200, $0x38;
	[tilespmem:$0x10200] =	vst v63  }
0x9: {  	_ =	swait.ge [sflag:s5], $0x200  }
0xa: {  	[sflag:s5] =	ssyncset.done $0x0  }
0xb: {  	s7 =	simm.s32 $0x80;
	s8 =	simm.s32 $0x200;
	[sflag:s5] =	ssyncadd.s32 $0xFFFFFE00  }
0xc: {  	[tilespmem:s8], [sflag:$0x1] =	stream.indirect.gather [hbm4b:s1+s7], $0x80, s4, s7, $0xb8;
	[tilespmem:$0x10200] =	vst v63  }
0xd: {  	s9 =	simm.s32 $0x4200  }
0xe: {  	[tilespmem:s9], [sflag:$0x1] =	stream.indirect.gather [hbm4b:s1+s7], $0x80, s7, s7, $0xb8;
	[tilespmem:$0x10200] =	vst v63  }
0xf: {  	s10 =	simm.s32 $0x100;
	s11 =	simm.s32 $0x8200  }
0x10: {  	[tilespmem:s11], [sflag:$0x1] =	stream.indirect.gather [hbm4b:s1+s7], $0x80, s10, s7, $0xb8;
	[tilespmem:$0x10200] =	vst v63  }
0x11: {  	s12 =	simm.s32 $0x180;
	s13 =	simm.s32 $0xC200;
	s14 =	simm.s32 $0x1  }
0x12: {  	[tilespmem:s13], [sflag:$0x1] =	stream.indirect.gather [hbm4b:s1+s7], $0x80, s12, s7, $0xb8;
	[tilespmem:$0x10200] =	vst v63  }
0x13: {  	_ =	swait.ge [sflag:s14], $0x4000  }
0x14: {  	[sflag:s14] =	ssyncset.done $0x0  }
0x15: {  	[sflag:s14] =	ssyncadd.s32 $0xFFFFC000  }
0x16: {  	_ =	swait.ge [sflag:s14], $0x4000  }
0x17: {  	[sflag:s14] =	ssyncset.done $0x0  }
0x18: {  	[sflag:s14] =	ssyncadd.s32 $0xFFFFC000  }
0x19: {  	_ =	swait.ge [sflag:s14], $0x4000  }
0x1a: {  	[sflag:s14] =	ssyncset.done $0x0  }
0x1b: {  	[sflag:s14] =	ssyncadd.s32 $0xFFFFC000  }
0x1c: {  	s16 =	sshll.u32 s16, $0x4;
	_ =	swait.ge [sflag:s14], $0x4000  }
0x1d: {  	s19 =	sadd.s32 s16, s15;
	[sflag:s14] =	ssyncset.done $0x0  }
0x1e: {  	s15 =	sadd.s32 $0x5400, s19;
	[sflag:s14] =	ssyncadd.s32 $0xFFFFC000  }
0x1f: {  	[hbm4b:s15+s4] =	stream.linear.scatter [tilespmem:s8], [sflag:$0x2], $0x10000, $0x38;
	[tilespmem:$0x10200] =	vst v63  }
0x20: {  	_ =	swait.ge [sflag:s5], $0x10000  }
0x21: {  	[sflag:s5] =	ssyncset.done $0x0  }
0x22: {  	s16 =	sadd.s32 $0x4400, s18;
	[sflag:s5] =	ssyncadd.s32 $0xFFFF0000  }
0x23: {  	[tilespmem:s4], [sflag:$0x2] =	stream.linear.gather [hbm4b:s16+s4], $0x200, $0x38;
	[tilespmem:$0x10200] =	vst v63  }
0x24: {  	_ =	swait.ge [sflag:s5], $0x200  }
0x25: {  	[sflag:s5] =	ssyncset.done $0x0  }
0x26: {  	[sflag:s5] =	ssyncadd.s32 $0xFFFFFE00  }
0x27: {  	[tilespmem:s8], [sflag:$0x1] =	stream.indirect.gather [hbm4b:s3+s7], $0x80, s4, s7, $0xb8;
	[tilespmem:$0x10200] =	vst v63  }
0x28: {  	_ = 	snop  }
0x29: {  	[tilespmem:s9], [sflag:$0x1] =	stream.indirect.gather [hbm4b:s3+s7], $0x80, s7, s7, $0xb8;
	[tilespmem:$0x10200] =	vst v63  }
0x2a: {  	_ = 	snop  }
0x2b: {  	[tilespmem:s11], [sflag:$0x1] =	stream.indirect.gather [hbm4b:s3+s7], $0x80, s10, s7, $0xb8;
	[tilespmem:$0x10200] =	vst v63  }
0x2c: {  	_ = 	snop  }
0x2d: {  	[tilespmem:s13], [sflag:$0x1] =	stream.indirect.gather [hbm4b:s3+s7], $0x80, s12, s7, $0xb8;
	[tilespmem:$0x10200] =	vst v63  }
0x2e: {  	_ =	swait.ge [sflag:s14], $0x4000  }
0x2f: {  	[sflag:s14] =	ssyncset.done $0x0  }
0x30: {  	[sflag:s14] =	ssyncadd.s32 $0xFFFFC000  }
0x31: {  	_ =	swait.ge [sflag:s14], $0x4000  }
0x32: {  	[sflag:s14] =	ssyncset.done $0x0  }
0x33: {  	s17 =	ssub.s32 $0x2, s17;
	[sflag:s14] =	ssyncadd.s32 $0xFFFFC000  }
0x34: {  	s31 =	sshrl.u32 s17, $0x1;
	_ =	swait.ge [sflag:s14], $0x4000  }
0x35: {  	s18 =	ssub.s32 s17, s31;
	[sflag:s14] =	ssyncset.done $0x0  }
0x36: {  	s18 =	smax.u32 s18, $0x1;
	[sflag:s14] =	ssyncadd.s32 $0xFFFFC000  }
0x37: {  	p0 =	sne.s32 s18, $0x1;
	_ =	swait.ge [sflag:s14], $0x4000  }
.Ltmp0:
0x38: {  	[sflag:s14] =	ssyncset.done $0x0;
	(pc) =	sbr.rel @!p0 .LBB2_2-.Ltmp0, $4  }
0x39: {  	s17 =	sadd.s32 $0x45400, s19;
	[sflag:s14] =	ssyncadd.s32 $0xFFFFC000  }
0x3a: {  	[hbm4b:s17+s4] =	stream.linear.scatter [tilespmem:s8], [sflag:$0x2], $0x10000, $0x38;
	[tilespmem:$0x10200] =	vst v63  }
0x3b: {  	_ =	swait.ge [sflag:s5], $0x10000  }
0x3c: {  	s18 =	sadd.s32 $0xFFFFFFFF, s18;
	[sflag:s5] =	ssyncset.done $0x0  }
.LBB2_1:
0x3d: {  	p0 =	sne.s32 s18, $0x1;
	s18 =	sadd.s32 $0xFFFFFFFF, s18;
	[sflag:s5] =	ssyncadd.s32 $0xFFFF0000  }
0x3e: {  	[tilespmem:s4], [sflag:$0x2] =	stream.linear.gather [hbm4b:s6+s4], $0x200, $0x38;
	[tilespmem:$0x10200] =	vst v63  }
0x3f: {  	_ =	swait.ge [sflag:s5], $0x200  }
0x40: {  	[sflag:s5] =	ssyncset.done $0x0  }
0x41: {  	[sflag:s5] =	ssyncadd.s32 $0xFFFFFE00  }
0x42: {  	[tilespmem:s8], [sflag:$0x1] =	stream.indirect.gather [hbm4b:s1+s7], $0x80, s4, s7, $0xb8;
	[tilespmem:$0x10200] =	vst v63  }
0x43: {  	_ = 	snop  }
0x44: {  	[tilespmem:s9], [sflag:$0x1] =	stream.indirect.gather [hbm4b:s1+s7], $0x80, s7, s7, $0xb8;
	[tilespmem:$0x10200] =	vst v63  }
0x45: {  	_ = 	snop  }
0x46: {  	[tilespmem:s11], [sflag:$0x1] =	stream.indirect.gather [hbm4b:s1+s7], $0x80, s10, s7, $0xb8;
	[tilespmem:$0x10200] =	vst v63  }
0x47: {  	_ = 	snop  }
0x48: {  	[tilespmem:s13], [sflag:$0x1] =	stream.indirect.gather [hbm4b:s1+s7], $0x80, s12, s7, $0xb8;
	[tilespmem:$0x10200] =	vst v63  }
0x49: {  	_ =	swait.ge [sflag:s14], $0x4000  }
0x4a: {  	[sflag:s14] =	ssyncset.done $0x0  }
0x4b: {  	[sflag:s14] =	ssyncadd.s32 $0xFFFFC000  }
0x4c: {  	_ =	swait.ge [sflag:s14], $0x4000  }
0x4d: {  	[sflag:s14] =	ssyncset.done $0x0  }
0x4e: {  	[sflag:s14] =	ssyncadd.s32 $0xFFFFC000  }
0x4f: {  	_ =	swait.ge [sflag:s14], $0x4000  }
0x50: {  	[sflag:s14] =	ssyncset.done $0x0  }
0x51: {  	[sflag:s14] =	ssyncadd.s32 $0xFFFFC000  }
0x52: {  	_ =	swait.ge [sflag:s14], $0x4000  }
0x53: {  	[sflag:s14] =	ssyncset.done $0x0  }
0x54: {  	[sflag:s14] =	ssyncadd.s32 $0xFFFFC000  }
0x55: {  	[hbm4b:s15+s4] =	stream.linear.scatter [tilespmem:s8], [sflag:$0x2], $0x10000, $0x38;
	[tilespmem:$0x10200] =	vst v63  }
0x56: {  	_ =	swait.ge [sflag:s5], $0x10000  }
0x57: {  	[sflag:s5] =	ssyncset.done $0x0  }
0x58: {  	[sflag:s5] =	ssyncadd.s32 $0xFFFF0000  }
0x59: {  	[tilespmem:s4], [sflag:$0x2] =	stream.linear.gather [hbm4b:s16+s4], $0x200, $0x38;
	[tilespmem:$0x10200] =	vst v63  }
0x5a: {  	_ =	swait.ge [sflag:s5], $0x200  }
0x5b: {  	[sflag:s5] =	ssyncset.done $0x0  }
0x5c: {  	[sflag:s5] =	ssyncadd.s32 $0xFFFFFE00  }
0x5d: {  	[tilespmem:s8], [sflag:$0x1] =	stream.indirect.gather [hbm4b:s3+s7], $0x80, s4, s7, $0xb8;
	[tilespmem:$0x10200] =	vst v63  }
0x5e: {  	_ = 	snop  }
0x5f: {  	[tilespmem:s9], [sflag:$0x1] =	stream.indirect.gather [hbm4b:s3+s7], $0x80, s7, s7, $0xb8;
	[tilespmem:$0x10200] =	vst v63  }
0x60: {  	_ = 	snop  }
0x61: {  	[tilespmem:s11], [sflag:$0x1] =	stream.indirect.gather [hbm4b:s3+s7], $0x80, s10, s7, $0xb8;
	[tilespmem:$0x10200] =	vst v63  }
0x62: {  	_ = 	snop  }
0x63: {  	[tilespmem:s13], [sflag:$0x1] =	stream.indirect.gather [hbm4b:s3+s7], $0x80, s12, s7, $0xb8;
	[tilespmem:$0x10200] =	vst v63  }
0x64: {  	_ =	swait.ge [sflag:s14], $0x4000  }
0x65: {  	[sflag:s14] =	ssyncset.done $0x0  }
0x66: {  	[sflag:s14] =	ssyncadd.s32 $0xFFFFC000  }
0x67: {  	_ =	swait.ge [sflag:s14], $0x4000  }
0x68: {  	[sflag:s14] =	ssyncset.done $0x0  }
0x69: {  	[sflag:s14] =	ssyncadd.s32 $0xFFFFC000  }
0x6a: {  	_ =	swait.ge [sflag:s14], $0x4000  }
0x6b: {  	[sflag:s14] =	ssyncset.done $0x0  }
0x6c: {  	[sflag:s14] =	ssyncadd.s32 $0xFFFFC000  }
0x6d: {  	_ =	swait.ge [sflag:s14], $0x4000  }
.Ltmp1:
0x6e: {  	[sflag:s14] =	ssyncset.done $0x0;
	(pc) =	sbr.rel @p0 .LBB2_1-.Ltmp1, $4  }
0x6f: {  	[sflag:s14] =	ssyncadd.s32 $0xFFFFC000  }
0x70: {  	[hbm4b:s17+s4] =	stream.linear.scatter [tilespmem:s8], [sflag:$0x2], $0x10000, $0x38;
	[tilespmem:$0x10200] =	vst v63  }
0x71: {  	_ =	swait.ge [sflag:s5], $0x10000  }
0x72: {  	[sflag:s5] =	ssyncset.done $0x0  }
.LBB2_2:
0x73: {  	[sflag:s5] =	ssyncadd.s32 $0xFFFF0000  }
0x74: {  	_ =	sfence.sel $0x180000  }
0x75: {  	[bflag:$0x0] =	sbarrier.arrive $0xFFFF  }
0x76: {  	p0 =	sne.s32 s0, $0x0;
	_ =	strace $0x90000047  }
0x77: {  	s0 =	sadd.s32 @!p0 $0x100000, s2;
	[bflag:$0x2] =	sbarrier.arrive $0xFFFF  }
0x78: {  	[sflag:s0] =	ssyncadd.tile.s32 @!p0 $0x1;
	_ =	shalt  }
.Lfunc_end2:
_tile_overlayer_lowered:
.L_overlay_start_2:
0x79: {  	(tag) =	ssettag $0x2  }
0x7a: {  	s0 =	rddreg [dreg:$0x0];
	s2 =	stileid.u32  }
0x7b: {  	s1 =	rddreg [dreg:$0x1];
	p0 =	sne.s32 s2, $0x0  }
0x7c: {  	s3 =	rddreg [dreg:$0x2];
	[bflag:$0x3] =	sbarrier.arrive $0xFFFF;
	s2 =	simm.s32 @!p0 $0x1C02  }
0x7d: {  	[timem:s3], [sflag:s2] =	dma.local @!p0 [hbm:s0], s1  }
0x7e: {  	s0 =	simm.s32 @!p0 $0x2  }
0x7f: {  	_ =	swait.ge @!p0 [sflag:s0], s1  }
0x80: {  	s1 =	ssub.s32 @!p0 $0x0, s1;
	[sflag:s0] =	ssyncset.done @!p0 $0x0  }
0x81: {  	[sflag:s0] =	ssyncadd.s32 @!p0 s1  }
0x82: {  	[bflag:$0x3] =	sbarrier.arrive $0xFFFF  }
0x83: {  	_ =	shalt  }

// kernel: sparse-core-data-format-call.1.cloned.1.call-start
scs
called_computation.1_lowered:
.L_overlay_start_0:
0x0: {  	s2 =	sld [smem:$0x3FD9]  }
0x1: {  	s3 =	sld [smem:$0x3FFE];
	_ =	sdelay $0x1  }
0x2: {  	s1 =	srdreg.scid  }
0x3: {  	s0 =	sand.u32 $0x1, s1  }
0x4: {  	s15 =	sshll.u32 s0, $0xA;
	s2 =	sadd.s32 s3, s2  }
0x5: {  	s2 =	sadd.s32 s2, s15  }
0x6: {  	[smem:$0x3FB6] =	sst s2  }
0x7: {  	_ = 	snop  }
0x8: {  	s2 =	sld [smem:$0x3FD0];
	_ =	sdelay $0x2  }
0x9: {  	s16 =	simm.s32 $0xB;
	s4 =	simm.s32 $0x10  }
0xa: {  	[smem:s4], [sflag:s16] =	dma.local [hbm:s2], $0x1  }
0xb: {  	_ =	swait.eq [sflag:s16], $0x1  }
0xc: {  	[sflag:s16] =	ssyncset.done $0x0  }
0xd: {  	[sflag:s16] =	ssyncadd.s32 $0xFFFFFFFF  }
0xe: {  	s17 =	sld [smem:$0x10];
	(tm) =	ssettm $0x1  }
0xf: {  	s18 =	sld [smem:$0x3FFB];
	_ =	sdelay $0x3  }
0x10: {  	_ =	strace s18  }
0x11: {  	s3 =	sld [smem:$0x3FFC];
	_ =	sdelay $0x3  }
0x12: {  	_ =	strace s3  }
0x13: {  	s3 =	sld [smem:$0x3FFD];
	_ =	sdelay $0x3  }
0x14: {  	_ =	strace s3  }
0x15: {  	_ =	strace $0x8FFFFFFF  }
0x16: {  	s19 =	sld [smem:$0x3FDB];
	_ =	sdelay $0x1  }
0x17: {  	s20 =	simm.s32 $_scs_section_size  }
0x18: {  	s5 =	simm.s32 $_size__tile_overlayer_lowered;
	s6 =	simm.s32 $_tile_overlayer_lowered  }
0x19: {  	s23 =	simm.s32 $0x1BFF;
	s22 =	sshll.u32 s6, $0x1;
	s3 =	sadd.s32 s20, s19  }
0x1a: {  	s7 =	simm.s32 $0x0;
	s21 =	sshll.u32 s5, $0x1;
	s5 =	sadd.s32 s22, s3  }
0x1b: {  	[timem:s7], [sflag:s23] =	dma.local [hbm:s5], s21  }
0x1c: {  	_ =	swait.ge [sflag:s23], s21  }
0x1d: {  	s4 =	ssub.s32 $0x0, s21;
	[sflag:s23] =	ssyncset.done $0x0  }
0x1e: {  	[sflag:s23] =	ssyncadd.s32 s4;
	_ =	sdelay $0x1  }
0x1f: {  	s24 =	simm.s32 $0x1B8B  }
0x20: {  	_ =	swait.ge [sflag:s24], $0x1  }
0x21: {  	[sflag:s24] =	ssyncset.done $0x0  }
0x22: {  	s26 =	simm.s32 $0x1B8E;
	s25 =	sld [smem:$0x3FFE];
	[sflag:s24] =	ssyncadd.s32 $0xFFFFFFFF  }
0x23: {  	s27 =	simm.s32 $execute0_lowered;
	[smem:$0x3FD2] =	sst s26  }
0x24: {  	s5 =	sshll.u32 s27, $0x1;
	_ =	strace $0x8000004C;
	[dreg:$0x1] =	wrdreg $0xFFFFFFFF  }
0x25: {  	s28 =	simm.s32 $_size_execute0_lowered;
	s3 =	sadd.s32 s3, s5;
	[dreg:$0x0] =	wrdreg $0x0  }
0x26: {  	s5 =	sshll.u32 s28, $0x1;
	[dreg:$0x2] =	wrdreg s3  }
0x27: {  	[dreg:$0x3] =	wrdreg s5  }
0x28: {  	[dreg:$0x4] =	wrdreg $0xC0  }
0x29: {  	_ =	task [dreg:s7], $0x5FFFF  }
0x2a: {  	[dreg:$0x1] =	wrdreg $0xFFFFFFFF  }
0x2b: {  	[dreg:$0x0] =	wrdreg $0x60  }
0x2c: {  	[dreg:$0x2] =	wrdreg s25  }
0x2d: {  	[dreg:$0x3] =	wrdreg s17  }
0x2e: {  	[dreg:$0x4] =	wrdreg $0xA  }
0x2f: {  	_ =	task.clear_ibuf [dreg:s7], $0x5FFFF;
	_ =	strace $0x9000004C  }
0x30: {  	s29 =	simm.s32 $0xA;
	_ =	strace $0x8000004E  }
0x31: {  	_ =	swait.ge [sflag:s29], $0x1  }
0x32: {  	[sflag:s29] =	ssyncadd.s32 $0xFFFFFFFF  }
0x33: {  	_ =	strace $0x9000004E  }
0x34: {  	_ =	sfence  }
0x35: {  	s30 =	sld [smem:$0x0];
	_ =	sdelay $0x2  }
0x36: {  	s31 =	sshll.u32 s1, $0xD;
	s1 =	sshrl.u32 s1, $0x2  }
0x37: {  	s3 =	sand.u32 $0x4000, s31;
	s1 =	sadd.s32 s1, s30  }
0x38: {  	s0 =	sor.u32 s3, s0;
	s1 =	sshll.u32 s1, $0x11  }
0x39: {  	s0 =	sor.u32 s1, s0  }
0x3a: {  	s0 =	sadd.s32 $0x8F2B, s0  }
0x3b: {  	[sflag:s0] =	ssyncadd.remote.s32 $0x1  }
0x3c: {  	_ =	sfence.sel $0xFFFF  }
0x3d: {  	[dreg:$0x0] =	wrdreg $0xFFFFFFFF;
	(pc) =	sbr.abs _section_cstart, $3  }
0x3e: {  	[dreg:$0x1] =	wrdreg $0xFFFFFFFF  }
0x3f: {  	_ =	task.clear_ibuf [dreg:s7], $0x2FFFF;
	_ =	strace $0x9FFFFFFF  }
0x40: {  	(tm) =	ssettm $0x7FFFFFFF  }
0x41: {  	_ =	shalt  }
tec
execute0_lowered:
.L_overlay_start_1:
0x0: {  	(tag) =	ssettag $0x1  }
0x1: {  	s4 =	rddreg [dreg:$0x0]  }
0x2: {  	s0 =	srdreg.scid;
	s2 =	rddreg [dreg:$0x1]  }
0x3: {  	s1 =	stileid.u32;
	s5 =	simm.s32 $0x1;
	s0 =	sshll.u32 s0, $0x4  }
0x4: {  	s7 =	simm.s32 $0x2;
	s11 =	simm.s32 $0x0;
	s3 =	sand.u32 $0x10, s0  }
.Ltmp0:
0x5: {  	p0 =	por $0x0, $0x0;
	s3 =	sor.u32 s1, s3;
	(pc) =	sbr.rel .LBB1_1-.Ltmp0, $4  }
0x6: {  	s8 =	simm.s32 $0x7A1400;
	s10 =	simm.s32 $0x0;
	s3 =	sshll.u32 s3, $0x7  }
0x7: {  	s0 =	rddreg [dreg:$0x2];
	_ =	strace $0x8000004D;
	s6 =	ssub.s32 $0xF4200, s3  }
0x8: {  	s4 =	sadd.s32 $0x4400, s4;
	[sflag:s5] =	ssyncpa.u1 $0x0;
	s6 =	sshrl.u32 s6, $0xC  }
0x9: {  	[sflag:s7] =	ssyncpa.u1 $0x0;
	s9 =	smov.u32 s3;
	s7 =	sadd.s32 $0x2, s6  }
.LBB1_5:
0xa: {  	s13 =	sadd.s32 $0x1000, s9  }
0xb: {  	p2 =	sgt.s32 s13, $0xF423F  }
0xc: {  	s13 =	smov.u32 @p2 s3;
	p2 =	sne.s32 s10, s7  }
.Ltmp1:
0xd: {  	p1 =	slt.u32 s10, $0x2;
	(pc) =	sbr.rel @!p2 .LBB1_6-.Ltmp1, $4  }
0xe: {  	s12 =	simm.s32 @!p1 $0x2  }
0xf: {  	s14 =	sadd.s32 $0x1, s10;
	_ =	swait.ge @!p1 [sflag:s12], $0x2000  }
0x10: {  	s11 =	smov.u32 s9;
	p0 =	por !p0, !p0;
	[sflag:s12] =	ssyncset.done @!p1 $0x0  }
0x11: {  	s10 =	smov.u32 s14;
	s9 =	smov.u32 s13;
	[sflag:s12] =	ssyncadd.s32 @!p1 $0xFFFFE000  }
.LBB1_1:
0x12: {  	p1 =	sgt.u32 s10, s6  }
0x13: {  	s13 =	smov.u32 s9;
	p2 =	sgt.s32 @!p1 s9, $0xF41C0  }
0x14: {  	s12 =	sand.u32 @!p1 $0x1FFFFFF, s9;
	s14 =	sshra.s32 @!p1 s9, $0x1F;
	p2 =	por !p2, p1  }
0x15: {  	s15 =	smulhi.u32 @!p1 $0x218DEF5, s12;
	s14 =	sand.u32 @!p1 s14, s9;
	s13 =	simm.s32 @p2 $0xF41C0  }
0x16: {  	s13 =	ssub.s32 @!p1 s13, s14  }
0x17: {  	s14 =	sshrl.u32 @!p1 s15, $0xD;
	s13 =	sadd.s32 @!p1 $0xFFF0BE40, s13  }
0x18: {  	s15 =	sxor.u32 @!p1 $0xFFFFFFFF, s10;
	s14 =	smul.u32 @!p1 $0xF4240, s14;
	s16 =	sshll.u32 @!p1 s13, $0x8  }
0x19: {  	s15 =	sshll.u32 @!p1 s15, $0xD;
	p2 =	sgt.s32 @!p1 s13, $0x7F;
	s13 =	ssub.s32 @!p1 $0x8000, s16  }
0x1a: {  	s12 =	ssub.s32 @!p1 s12, s14;
	p2 =	por !p2, p1;
	s14 =	sand.u32 @!p1 $0x2000, s15  }
0x1b: {  	s15 =	simm.s32 @!p1 $0x40;
	s13 =	sshrl.u32 @!p1 s13, $0x2;
	s12 =	sshll.u32 @!p1 s12, $0x4  }
0x1c: {  	s16 =	simm.s32 @!p1 $0x80;
	s13 =	simm.s32 @!p2 $0x0;
	s12 =	sadd.s32 @!p1 s4, s12  }
0x1d: {  	[tilespmem:s14], [sflag:$0x1] =	stream.strided.gather @!p1 [hbm4b:s12+s15], s13, s16, s15, $0x38;
	[tilespmem:$0x8080] =	vst v63  }
0x1e: {  	p1 =	seq.s32 s10, $0x0  }
0x1f: {  	p2 =	sge.u32 @!p1 s10, s7  }
0x20: {  	p1 =	por p1, p2  }
.Ltmp2:
0x21: {  	_ = 	snop;
	(pc) =	sbr.rel @p1 .LBB1_5-.Ltmp2, $1  }
0x22: {  	_ =	sdelay $0x3  }
0x23: {  	p1 =	sgt.s32 s11, $0xF41C0;
	s12 =	smov.u32 s11;
	s13 =	sshra.s32 s11, $0x1F  }
0x24: {  	s12 =	simm.s32 @!p1 $0xF41C0;
	s13 =	sand.u32 s13, s11  }
0x25: {  	s12 =	ssub.s32 s12, s13  }
0x26: {  	s12 =	sadd.s32 $0xFFF0BE40, s12  }
0x27: {  	s28 =	sshll.u32 s12, $0x8  }
0x28: {  	s13 =	ssub.s32 $0x8000, s28  }
0x29: {  	p1 =	sgt.s32 s12, $0x7F;
	s12 =	sshrl.u32 s13, $0x2  }
0x2a: {  	s13 =	simm.s32 $0x1;
	s12 =	simm.s32 @p1 $0x0  }
0x2b: {  	s13 =	simm.s32 @!p0 $0x0;
	_ =	swait.ge [sflag:s5], s12  }
0x2c: {  	s14 =	sshll.u32 s13, $0xD;
	s12 =	ssub.s32 $0x0, s12;
	[sflag:s5] =	ssyncset.done $0x0  }
0x2d: {  	s16 =	sor.u32 $0x20, s14;
	[sflag:s5] =	ssyncadd.s32 s12  }
0x2e: {  	s29 =	smul.u32 $0x8100, s13;
	v3 =	vld [tilespmem:s16+$0x10]  }
0x2f: {  	s30 =	sand.u32 $0x1, s10;
	v2 =	vld [tilespmem:s16+$0xFFFFFFF0]  }
0x30: {  	s13 =	smul.u32 $0x8100, s30;
	s12 =	sshrl.u32 s29, $0x2;
	v0 =	vld [tilespmem:s16+$0x0]  }
0x31: {  	s14 =	sor.u32 $0x4000, s12;
	v1 =	vld [tilespmem:s16+$0xFFFFFFE0]  }
0x32: {  	s31 =	sshrl.u32 s13, $0x2;
	s13 =	sadd.s32 $0x0, s14  }
0x33: {  	s15 =	simm.s32 $0x4;
	s12 =	sor.u32 $0x4000, s31;
	s16 =	sadd.s32 $0x40, s16;
	[tilespmem:s13+$0x1830 ss:$0x81] =	vst.msk $0xffff, v3  }
.LBB1_3:
0x34: {  	v3 =	vld [tilespmem:s16+$0x10];
	p1 =	sne.s32 s15, $0x1FC;
	[tilespmem:s13+$0x810 ss:$0x81] =	vst.msk $0xffff, v2;
	s17 =	smov.u32 s15;
	s15 =	sadd.s32 $0x4, s15  }
.Ltmp3:
0x35: {  	v2 =	vld [tilespmem:s16+$0xFFFFFFF0];
	[tilespmem:s13+$0x1020 ss:$0x81] =	vst.msk $0xffff, v0;
	(pc) =	sbr.rel @p1 .LBB1_3-.Ltmp3, $4  }
0x36: {  	v0 =	vld [tilespmem:s16+$0x0];
	[tilespmem:s13+$0x0 ss:$0x81] =	vst.msk $0xffff, v1  }
0x37: {  	s13 =	sshra.s32 s17, $0x2;
	v1 =	vld [tilespmem:s16+$0xFFFFFFE0]  }
0x38: {  	s13 =	sadd.s32 s13, s14  }
0x39: {  	s16 =	sadd.s32 $0x40, s16;
	[tilespmem:s13+$0x1830 ss:$0x81] =	vst.msk $0xffff, v3  }
0x3a: {  	s14 =	sshll.u32 s11, $0x3  }
0x3b: {  	s30 =	sand.u32 $0x7F, s11;
	s14 =	sand.u32 $0xFFFFFC00, s14  }
0x3c: {  	s11 =	sor.u32 s30, s14  }
0x3d: {  	s15 =	smulhi.u32 $0x218D6287, s11;
	_ =	sdelay $0x1  }
0x3e: {  	s14 =	smulhi.u32 $0x218D6287, s14;
	s15 =	sshrl.u32 s15, $0x11  }
0x3f: {  	s15 =	smul.u32 $0xF4280, s15  }
0x40: {  	s14 =	sshrl.u32 s14, $0x11  }
.Ltmp4:
0x41: {  	s14 =	sand.u32 $0x3F, s14;
	s11 =	ssub.s32 s11, s15;
	(pc) =	sbr.rel .LBB1_5-.Ltmp4, $4  }
0x42: {  	[tilespmem:s13+$0x810 ss:$0x81] =	vst.msk $0xffff, v2;
	s14 =	smul.u32 $0x1E850, s14;
	s15 =	sshrl.u32 s11, $0x3;
	s11 =	sand.u32 $0x7, s11  }
0x43: {  	[tilespmem:s13+$0x1020 ss:$0x81] =	vst.msk $0xffff, v0;
	s15 =	sadd.s32 s2, s15;
	s11 =	sshll.u32 s11, $0x12  }
0x44: {  	[tilespmem:s13+$0x0 ss:$0x81] =	vst.msk $0xffff, v1;
	s31 =	sadd.s32 s14, s15;
	s11 =	sor.u32 $0x400, s11  }
0x45: {  	[hbm4b:s31+s11] =	stream.strided.scatter [tilespmem:s12], [sflag:$0x2], $0x2000, s8, s11, $0x20;
	[tilespmem:$0x8080] =	vst v63  }
.LBB1_6:
0x46: {  	_ =	sfence.sel $0x180000  }
0x47: {  	s2 =	simm.s32 $0x1;
	[bflag:$0x0] =	sbarrier.arrive $0xFFFF  }
0x48: {  	s31 =	simm.s32 $0x2;
	[sflag:s2] =	ssyncpa.u1 $0x1  }
0x49: {  	[sflag:s31] =	ssyncpa.u1 $0x1  }
0x4a: {  	p0 =	sne.s32 s1, $0x0;
	_ =	strace $0x9000004D  }
0x4b: {  	s0 =	sadd.s32 @!p0 $0x100000, s0;
	[bflag:$0x2] =	sbarrier.arrive $0xFFFF  }
0x4c: {  	[sflag:s0] =	ssyncadd.tile.s32 @!p0 $0x1;
	_ =	shalt  }
.Lfunc_end1:
_tile_overlayer_lowered:
.L_overlay_start_2:
0x4d: {  	(tag) =	ssettag $0x2  }
0x4e: {  	s0 =	rddreg [dreg:$0x0];
	s2 =	stileid.u32  }
0x4f: {  	s1 =	rddreg [dreg:$0x1];
	p0 =	sne.s32 s2, $0x0  }
0x50: {  	s3 =	rddreg [dreg:$0x2];
	[bflag:$0x3] =	sbarrier.arrive $0xFFFF;
	s2 =	simm.s32 @!p0 $0x1C01  }
0x51: {  	[timem:s3], [sflag:s2] =	dma.local @!p0 [hbm:s0], s1  }
0x52: {  	s0 =	simm.s32 @!p0 $0x1  }
0x53: {  	_ =	swait.ge @!p0 [sflag:s0], s1  }
0x54: {  	s1 =	ssub.s32 @!p0 $0x0, s1;
	[sflag:s0] =	ssyncset.done @!p0 $0x0  }
0x55: {  	[sflag:s0] =	ssyncadd.s32 @!p0 s1  }
0x56: {  	[bflag:$0x3] =	sbarrier.arrive $0xFFFF  }
0x57: {  	_ =	shalt  }

// kernel: sparse-core-data-format-call.cloned.1.call-start
scs
called_computation_lowered:
.L_overlay_start_0:
0x0: {  	s2 =	sld [smem:$0x3FD9]  }
0x1: {  	s3 =	sld [smem:$0x3FFE];
	_ =	sdelay $0x1  }
0x2: {  	s1 =	srdreg.scid  }
0x3: {  	s0 =	sand.u32 $0x1, s1  }
0x4: {  	s16 =	sshll.u32 s0, $0xA;
	s2 =	sadd.s32 s3, s2  }
0x5: {  	s2 =	sadd.s32 s2, s16  }
0x6: {  	[smem:$0x3FB6] =	sst s2  }
0x7: {  	_ = 	snop  }
0x8: {  	s2 =	sld [smem:$0x3FD0];
	_ =	sdelay $0x2  }
0x9: {  	s17 =	simm.s32 $0xB;
	s4 =	simm.s32 $0x10  }
0xa: {  	[smem:s4], [sflag:s17] =	dma.local [hbm:s2], $0x1  }
0xb: {  	_ =	swait.eq [sflag:s17], $0x1  }
0xc: {  	[sflag:s17] =	ssyncset.done $0x0  }
0xd: {  	[sflag:s17] =	ssyncadd.s32 $0xFFFFFFFF  }
0xe: {  	s18 =	sld [smem:$0x11];
	(tm) =	ssettm $0x1  }
0xf: {  	s19 =	sld [smem:$0x3FFB];
	_ =	sdelay $0x3  }
0x10: {  	_ =	strace s19  }
0x11: {  	s2 =	sld [smem:$0x3FFC];
	_ =	sdelay $0x3  }
0x12: {  	_ =	strace s2  }
0x13: {  	s2 =	sld [smem:$0x3FFD];
	_ =	sdelay $0x3  }
0x14: {  	_ =	strace s2  }
0x15: {  	_ =	strace $0x8FFFFFFF  }
0x16: {  	s20 =	sld [smem:$0x3FDB];
	_ =	sdelay $0x1  }
0x17: {  	s21 =	simm.s32 $_scs_section_size  }
0x18: {  	s5 =	simm.s32 $_size__tile_overlayer_lowered;
	s6 =	simm.s32 $_tile_overlayer_lowered  }
0x19: {  	s7 =	simm.s32 $0x1BFF;
	s22 =	sshll.u32 s6, $0x1;
	s4 =	sadd.s32 s21, s20  }
0x1a: {  	s23 =	simm.s32 $0x0;
	s5 =	sshll.u32 s5, $0x1;
	s6 =	sadd.s32 s22, s4  }
0x1b: {  	[timem:s23], [sflag:s7] =	dma.local [hbm:s6], s5  }
0x1c: {  	_ =	swait.ge [sflag:s7], s5  }
0x1d: {  	s5 =	ssub.s32 $0x0, s5;
	[sflag:s7] =	ssyncset.done $0x0  }
0x1e: {  	[sflag:s7] =	ssyncadd.s32 s5;
	_ =	sdelay $0x1  }
0x1f: {  	s24 =	simm.s32 $0x1B8B  }
0x20: {  	_ =	swait.ge [sflag:s24], $0x1  }
0x21: {  	[sflag:s24] =	ssyncset.done $0x0  }
0x22: {  	[sflag:s24] =	ssyncadd.s32 $0xFFFFFFFF  }
0x23: {  	s5 =	sld [smem:$0x0]  }
0x24: {  	s6 =	sand.u32 $0xFFFFFFFE, s1  }
0x25: {  	p0 =	sne.s32 s1, s6  }
0x26: {  	s6 =	sshll.u32 @p0 s6, $0xE  }
0x27: {  	s6 =	sadd.s32 @p0 $0x11B8D, s6;
	s7 =	sshll.u32 @p0 s5, $0x11  }
0x28: {  	s6 =	sor.u32 @p0 s7, s6  }
0x29: {  	[sflag:s6] =	ssyncadd.remote.s32 @p0 $0x1;
	_ =	sdelay $0x1  }
0x2a: {  	s6 =	simm.s32 @p0 $0x1B8D  }
0x2b: {  	_ =	swait.eq @p0 [sflag:s6], $0x1  }
0x2c: {  	[sflag:s6] =	ssyncadd.s32 @p0 $0xFFFFFFFF  }
0x2d: {  	s7 =	sshll.u32 @!p0 s1, $0xE  }
0x2e: {  	s7 =	sor.u32 @!p0 $0x4000, s7;
	s6 =	simm.s32 @!p0 $0x1B8D  }
0x2f: {  	s5 =	sshll.u32 @!p0 s5, $0x11;
	s7 =	sadd.s32 @!p0 $0x11B8D, s7;
	_ =	swait.eq @!p0 [sflag:s6], $0x1  }
0x30: {  	s5 =	sor.u32 @!p0 s5, s7;
	[sflag:s6] =	ssyncadd.s32 @!p0 $0xFFFFFFFF  }
0x31: {  	s26 =	simm.s32 $0x1B8E;
	s25 =	sld [smem:$0x3FFE];
	[sflag:s5] =	ssyncadd.remote.s32 @!p0 $0x1  }
0x32: {  	s27 =	simm.s32 $execute0_lowered;
	[smem:$0x3FD2] =	sst s26  }
0x33: {  	s6 =	sshll.u32 s27, $0x1;
	_ =	strace $0x8000004F;
	[dreg:$0x1] =	wrdreg $0xFFFFFFFF  }
0x34: {  	s28 =	simm.s32 $_size_execute0_lowered;
	s4 =	sadd.s32 s4, s6;
	[dreg:$0x0] =	wrdreg $0x0  }
0x35: {  	s6 =	sshll.u32 s28, $0x1;
	[dreg:$0x2] =	wrdreg s4  }
0x36: {  	[dreg:$0x3] =	wrdreg s6  }
0x37: {  	[dreg:$0x4] =	wrdreg $0xC0  }
0x38: {  	_ =	task [dreg:s23], $0x5FFFF  }
0x39: {  	[dreg:$0x1] =	wrdreg $0xFFFFFFFF  }
0x3a: {  	[dreg:$0x0] =	wrdreg $0x60  }
0x3b: {  	[dreg:$0x2] =	wrdreg s25  }
0x3c: {  	[dreg:$0x3] =	wrdreg s18  }
0x3d: {  	[dreg:$0x4] =	wrdreg $0x9  }
0x3e: {  	_ =	task.clear_ibuf [dreg:s23], $0x5FFFF;
	_ =	strace $0x9000004F  }
0x3f: {  	s29 =	simm.s32 $0x9;
	_ =	strace $0x80000051  }
0x40: {  	_ =	swait.ge [sflag:s29], $0x1  }
0x41: {  	[sflag:s29] =	ssyncadd.s32 $0xFFFFFFFF  }
0x42: {  	_ =	strace $0x90000051  }
0x43: {  	_ =	sfence  }
0x44: {  	s30 =	sld [smem:$0x0];
	_ =	sdelay $0x2  }
0x45: {  	s31 =	sshll.u32 s1, $0xD;
	s1 =	sshrl.u32 s1, $0x2  }
0x46: {  	s4 =	sand.u32 $0x4000, s31;
	s1 =	sadd.s32 s1, s30  }
0x47: {  	s0 =	sor.u32 s4, s0;
	s1 =	sshll.u32 s1, $0x11  }
0x48: {  	s0 =	sor.u32 s1, s0  }
0x49: {  	s0 =	sadd.s32 $0x8F2B, s0  }
0x4a: {  	[sflag:s0] =	ssyncadd.remote.s32 $0x1  }
0x4b: {  	_ =	sfence.sel $0xFFFF  }
0x4c: {  	[dreg:$0x0] =	wrdreg $0xFFFFFFFF;
	(pc) =	sbr.abs _section_cstart, $3  }
0x4d: {  	[dreg:$0x1] =	wrdreg $0xFFFFFFFF  }
0x4e: {  	_ =	task.clear_ibuf [dreg:s23], $0x2FFFF;
	_ =	strace $0x9FFFFFFF  }
0x4f: {  	(tm) =	ssettm $0x7FFFFFFF  }
tec
execute0_lowered:
.L_overlay_start_1:
0x0: {  	(tag) =	ssettag $0x1  }
0x1: {  	s4 =	rddreg [dreg:$0x0]  }
0x2: {  	s0 =	srdreg.scid;
	s2 =	rddreg [dreg:$0x1]  }
0x3: {  	s1 =	stileid.u32;
	s5 =	simm.s32 $0x1;
	s0 =	sshll.u32 s0, $0x4  }
0x4: {  	s7 =	simm.s32 $0x2;
	s11 =	simm.s32 $0x0;
	s3 =	sand.u32 $0x10, s0  }
.Ltmp0:
0x5: {  	p0 =	por $0x0, $0x0;
	s3 =	sor.u32 s1, s3;
	(pc) =	sbr.rel .LBB1_1-.Ltmp0, $4  }
0x6: {  	s8 =	simm.s32 $0x7A1400;
	s10 =	simm.s32 $0x0;
	s3 =	sshll.u32 s3, $0x7  }
0x7: {  	s0 =	rddreg [dreg:$0x2];
	_ =	strace $0x80000050;
	s6 =	ssub.s32 $0xF4200, s3  }
0x8: {  	s4 =	sadd.s32 $0xF46800, s4;
	[sflag:s5] =	ssyncpa.u1 $0x0;
	s6 =	sshrl.u32 s6, $0xC  }
0x9: {  	[sflag:s7] =	ssyncpa.u1 $0x0;
	s9 =	smov.u32 s3;
	s7 =	sadd.s32 $0x2, s6  }
.LBB1_5:
0xa: {  	s13 =	sadd.s32 $0x1000, s9  }
0xb: {  	p2 =	sgt.s32 s13, $0xF423F  }
0xc: {  	s13 =	smov.u32 @p2 s3;
	p2 =	sne.s32 s10, s7  }
.Ltmp1:
0xd: {  	p1 =	slt.u32 s10, $0x2;
	(pc) =	sbr.rel @!p2 .LBB1_6-.Ltmp1, $4  }
0xe: {  	s12 =	simm.s32 @!p1 $0x2  }
0xf: {  	s14 =	sadd.s32 $0x1, s10;
	_ =	swait.ge @!p1 [sflag:s12], $0x2000  }
0x10: {  	s11 =	smov.u32 s9;
	p0 =	por !p0, !p0;
	[sflag:s12] =	ssyncset.done @!p1 $0x0  }
0x11: {  	s10 =	smov.u32 s14;
	s9 =	smov.u32 s13;
	[sflag:s12] =	ssyncadd.s32 @!p1 $0xFFFFE000  }
.LBB1_1:
0x12: {  	p1 =	sgt.u32 s10, s6  }
0x13: {  	s13 =	smov.u32 s9;
	p2 =	sgt.s32 @!p1 s9, $0xF41C0  }
0x14: {  	s12 =	sand.u32 @!p1 $0x1FFFFFF, s9;
	s14 =	sshra.s32 @!p1 s9, $0x1F;
	p2 =	por !p2, p1  }
0x15: {  	s15 =	smulhi.u32 @!p1 $0x218DEF5, s12;
	s14 =	sand.u32 @!p1 s14, s9;
	s13 =	simm.s32 @p2 $0xF41C0  }
0x16: {  	s13 =	ssub.s32 @!p1 s13, s14  }
0x17: {  	s14 =	sshrl.u32 @!p1 s15, $0xD;
	s13 =	sadd.s32 @!p1 $0xFFF0BE40, s13  }
0x18: {  	s15 =	sxor.u32 @!p1 $0xFFFFFFFF, s10;
	s14 =	smul.u32 @!p1 $0xF4240, s14;
	s16 =	sshll.u32 @!p1 s13, $0x8  }
0x19: {  	s15 =	sshll.u32 @!p1 s15, $0xD;
	p2 =	sgt.s32 @!p1 s13, $0x7F;
	s13 =	ssub.s32 @!p1 $0x8000, s16  }
0x1a: {  	s12 =	ssub.s32 @!p1 s12, s14;
	p2 =	por !p2, p1;
	s14 =	sand.u32 @!p1 $0x2000, s15  }
0x1b: {  	s15 =	simm.s32 @!p1 $0x40;
	s13 =	sshrl.u32 @!p1 s13, $0x2;
	s12 =	sshll.u32 @!p1 s12, $0x4  }
0x1c: {  	s16 =	simm.s32 @!p1 $0x80;
	s13 =	simm.s32 @!p2 $0x0;
	s12 =	sadd.s32 @!p1 s4, s12  }
0x1d: {  	[tilespmem:s14], [sflag:$0x1] =	stream.strided.gather @!p1 [hbm4b:s12+s15], s13, s16, s15, $0x38;
	[tilespmem:$0x8080] =	vst v63  }
0x1e: {  	p1 =	seq.s32 s10, $0x0  }
0x1f: {  	p2 =	sge.u32 @!p1 s10, s7  }
0x20: {  	p1 =	por p1, p2  }
.Ltmp2:
0x21: {  	_ = 	snop;
	(pc) =	sbr.rel @p1 .LBB1_5-.Ltmp2, $1  }
0x22: {  	_ =	sdelay $0x3  }
0x23: {  	p1 =	sgt.s32 s11, $0xF41C0;
	s12 =	smov.u32 s11;
	s13 =	sshra.s32 s11, $0x1F  }
0x24: {  	s12 =	simm.s32 @!p1 $0xF41C0;
	s13 =	sand.u32 s13, s11  }
0x25: {  	s12 =	ssub.s32 s12, s13  }
0x26: {  	s12 =	sadd.s32 $0xFFF0BE40, s12  }
0x27: {  	s28 =	sshll.u32 s12, $0x8  }
0x28: {  	s13 =	ssub.s32 $0x8000, s28  }
0x29: {  	p1 =	sgt.s32 s12, $0x7F;
	s12 =	sshrl.u32 s13, $0x2  }
0x2a: {  	s13 =	simm.s32 $0x1;
	s12 =	simm.s32 @p1 $0x0  }
0x2b: {  	s13 =	simm.s32 @!p0 $0x0;
	_ =	swait.ge [sflag:s5], s12  }
0x2c: {  	s14 =	sshll.u32 s13, $0xD;
	s12 =	ssub.s32 $0x0, s12;
	[sflag:s5] =	ssyncset.done $0x0  }
0x2d: {  	s16 =	sor.u32 $0x20, s14;
	[sflag:s5] =	ssyncadd.s32 s12  }
0x2e: {  	s29 =	smul.u32 $0x8100, s13;
	v3 =	vld [tilespmem:s16+$0x10]  }
0x2f: {  	s30 =	sand.u32 $0x1, s10;
	v2 =	vld [tilespmem:s16+$0xFFFFFFF0]  }
0x30: {  	s13 =	smul.u32 $0x8100, s30;
	s12 =	sshrl.u32 s29, $0x2;
	v0 =	vld [tilespmem:s16+$0x0]  }
0x31: {  	s14 =	sor.u32 $0x4000, s12;
	v1 =	vld [tilespmem:s16+$0xFFFFFFE0]  }
0x32: {  	s31 =	sshrl.u32 s13, $0x2;
	s13 =	sadd.s32 $0x0, s14  }
0x33: {  	s15 =	simm.s32 $0x4;
	s12 =	sor.u32 $0x4000, s31;
	s16 =	sadd.s32 $0x40, s16;
	[tilespmem:s13+$0x1830 ss:$0x81] =	vst.msk $0xffff, v3  }
.LBB1_3:
0x34: {  	v3 =	vld [tilespmem:s16+$0x10];
	p1 =	sne.s32 s15, $0x1FC;
	[tilespmem:s13+$0x810 ss:$0x81] =	vst.msk $0xffff, v2;
	s17 =	smov.u32 s15;
	s15 =	sadd.s32 $0x4, s15  }
.Ltmp3:
0x35: {  	v2 =	vld [tilespmem:s16+$0xFFFFFFF0];
	[tilespmem:s13+$0x1020 ss:$0x81] =	vst.msk $0xffff, v0;
	(pc) =	sbr.rel @p1 .LBB1_3-.Ltmp3, $4  }
0x36: {  	v0 =	vld [tilespmem:s16+$0x0];
	[tilespmem:s13+$0x0 ss:$0x81] =	vst.msk $0xffff, v1  }
0x37: {  	s13 =	sshra.s32 s17, $0x2;
	v1 =	vld [tilespmem:s16+$0xFFFFFFE0]  }
0x38: {  	s13 =	sadd.s32 s13, s14  }
0x39: {  	s16 =	sadd.s32 $0x40, s16;
	[tilespmem:s13+$0x1830 ss:$0x81] =	vst.msk $0xffff, v3  }
0x3a: {  	s14 =	sshll.u32 s11, $0x3  }
0x3b: {  	s30 =	sand.u32 $0x7F, s11;
	s14 =	sand.u32 $0xFFFFFC00, s14  }
0x3c: {  	s11 =	sor.u32 s30, s14  }
0x3d: {  	s15 =	smulhi.u32 $0x218D6287, s11;
	_ =	sdelay $0x1  }
0x3e: {  	s14 =	smulhi.u32 $0x218D6287, s14;
	s15 =	sshrl.u32 s15, $0x11  }
0x3f: {  	s15 =	smul.u32 $0xF4280, s15  }
0x40: {  	s14 =	sshrl.u32 s14, $0x11  }
.Ltmp4:
0x41: {  	s14 =	sand.u32 $0x3F, s14;
	s11 =	ssub.s32 s11, s15;
	(pc) =	sbr.rel .LBB1_5-.Ltmp4, $4  }
0x42: {  	[tilespmem:s13+$0x810 ss:$0x81] =	vst.msk $0xffff, v2;
	s14 =	smul.u32 $0x1E850, s14;
	s15 =	sshrl.u32 s11, $0x3;
	s11 =	sand.u32 $0x7, s11  }
0x43: {  	[tilespmem:s13+$0x1020 ss:$0x81] =	vst.msk $0xffff, v0;
	s15 =	sadd.s32 s2, s15;
	s11 =	sshll.u32 s11, $0x12  }
0x44: {  	[tilespmem:s13+$0x0 ss:$0x81] =	vst.msk $0xffff, v1;
	s31 =	sadd.s32 s14, s15;
	s11 =	sor.u32 $0x400, s11  }
0x45: {  	[hbm4b:s31+s11] =	stream.strided.scatter [tilespmem:s12], [sflag:$0x2], $0x2000, s8, s11, $0x20;
	[tilespmem:$0x8080] =	vst v63  }
.LBB1_6:
0x46: {  	_ =	sfence.sel $0x180000  }
0x47: {  	s2 =	simm.s32 $0x1;
	[bflag:$0x0] =	sbarrier.arrive $0xFFFF  }
0x48: {  	s31 =	simm.s32 $0x2;
	[sflag:s2] =	ssyncpa.u1 $0x1  }
0x49: {  	[sflag:s31] =	ssyncpa.u1 $0x1  }
0x4a: {  	p0 =	sne.s32 s1, $0x0;
	_ =	strace $0x90000050  }
0x4b: {  	s0 =	sadd.s32 @!p0 $0x100000, s0;
	[bflag:$0x2] =	sbarrier.arrive $0xFFFF  }
0x4c: {  	[sflag:s0] =	ssyncadd.tile.s32 @!p0 $0x1;
	_ =	shalt  }
.Lfunc_end1:
_tile_overlayer_lowered:
.L_overlay_start_2:
0x4d: {  	(tag) =	ssettag $0x2  }
0x4e: {  	s0 =	rddreg [dreg:$0x0];
	s2 =	stileid.u32  }
0x4f: {  	s1 =	rddreg [dreg:$0x1];
	p0 =	sne.s32 s2, $0x0  }
0x50: {  	s3 =	rddreg [dreg:$0x2];
	[bflag:$0x3] =	sbarrier.arrive $0xFFFF;
	s2 =	simm.s32 @!p0 $0x1C01  }
0x51: {  	[timem:s3], [sflag:s2] =	dma.local @!p0 [hbm:s0], s1  }
0x52: {  	s0 =	simm.s32 @!p0 $0x1  }
0x53: {  	_ =	swait.ge @!p0 [sflag:s0], s1  }
0x54: {  	s1 =	ssub.s32 @!p0 $0x0, s1;
	[sflag:s0] =	ssyncset.done @!p0 $0x0  }
0x55: {  	[sflag:s0] =	ssyncadd.s32 @!p0 s1  }
0x56: {  	[bflag:$0x3] =	sbarrier.arrive $0xFFFF  }
0x57: {  	_ =	shalt  }

</sc_bundles>
